<compile_context>
chip_gen: v7x
topology: tpu7x:2x2x1
jax: 0.10.2.dev20260603
libtpu: 0.0.44.dev20260713+nightly
codegen_flags: <defaults>
</compile_context>

<pallas_src>
import jax
import jax.numpy as jnp
from jax import lax
from jax.experimental import pallas as pl
from jax.experimental.pallas import tpu as pltpu
from jax.experimental.pallas import tpu_sc as plsc

N_NODES = 10000
N_EDGES = 320000
D = 128

NC = 2
NS = 16
NT = NC * NS
EPT = N_EDGES // NT
C = 80
NCH = EPT // C
NPAIR = NCH // 2

ZC = 40
ZCHUNKS = N_NODES // ZC
ZPER = 16


def _sc_body(x_hbm, src_hbm, dst_hbm, ea_hbm, out_hbm, aggr_sh):
    pl.run_scoped(
        lambda *refs: _sc_tile(x_hbm, src_hbm, dst_hbm, ea_hbm, out_hbm,
                               aggr_sh, *refs),
        pltpu.VMEM((NCH, C), jnp.int32),
        pltpu.VMEM((C,), jnp.int32),
        pltpu.VMEM((C, D), jnp.float32),
        pltpu.VMEM((C, D), jnp.float32),
        pltpu.VMEM((C, D), jnp.float32),
        pltpu.VMEM((C, D), jnp.float32),
        pltpu.SemaphoreType.DMA,
        pltpu.SemaphoreType.DMA,
        pltpu.SemaphoreType.DMA,
        pltpu.SemaphoreType.DMA,
        pltpu.SemaphoreType.DMA,
        pltpu.SemaphoreType.DMA,
    )


def _sc_tile(x_hbm, src_hbm, dst_hbm, ea_hbm, out_hbm,
             aggr_sh, src_all, dstb, xbuf0, xbuf1, ebuf0, ebuf1,
             sem_x0, sem_x1, sem_e0, sem_e1, sem_d, sem_z):
    c = lax.axis_index("c")
    s = lax.axis_index("s")
    tid = c * NS + s

    pltpu.sync_copy(src_hbm.at[tid], src_all)

    xbufs = (xbuf0, xbuf1)
    ebufs = (ebuf0, ebuf1)
    sems_x = (sem_x0, sem_x1)
    sems_e = (sem_e0, sem_e1)

    def start(i, b):
        pltpu.make_async_copy(ea_hbm.at[tid, i], ebufs[b], sems_e[b]).start()
        pltpu.make_async_copy(x_hbm.at[src_all.at[i]], xbufs[b], sems_x[b]).start()

    def start_dst(i):
        pltpu.make_async_copy(dst_hbm.at[tid, i], dstb, sem_d).start()

    def wait(b):
        pltpu.make_async_copy(ea_hbm.at[tid, 0], ebufs[b], sems_e[b]).wait()
        pltpu.make_async_copy(ea_hbm.at[tid, 0], xbufs[b], sems_x[b]).wait()

    start(0, 0)
    start_dst(0)

    zero = jnp.zeros((16,), jnp.float32)

    @plsc.parallel_loop(0, ZC, step=1, unroll=2)
    def _zrow(r):
        for k in range(D // 16):
            ebuf1[r, pl.ds(k * 16, 16)] = zero

    nz = 0
    for q in range(ZPER):
        zc = s * ZPER + q

        @pl.when(zc < ZCHUNKS)
        def _():
            pltpu.make_async_copy(ebuf1.at[pl.ds(0, ZC)],
                                  aggr_sh.at[pl.ds(zc * ZC, ZC)], sem_z).start()

    for q in range(ZPER):
        zc = s * ZPER + q

        @pl.when(zc < ZCHUNKS)
        def _():
            pltpu.make_async_copy(ebuf1.at[pl.ds(0, ZC)],
                                  aggr_sh.at[pl.ds(zc * ZC, ZC)], sem_z).wait()

    plsc.subcore_barrier()

    def compute(b):
        xb = xbufs[b]
        eb = ebufs[b]

        @plsc.parallel_loop(0, C, step=1, unroll=4)
        def _row(r):
            for k in range(D // 16):
                sl = pl.ds(k * 16, 16)
                eb[r, sl] = jnp.maximum(xb[r, sl] + eb[r, sl], 0.0)

    def scatter(b):
        pltpu.make_async_copy(dst_hbm.at[tid, 0], dstb, sem_d).wait()
        pltpu.sync_copy(ebufs[b], aggr_sh.at[dstb], add=True)

    def pair(k, carry):
        i0 = 2 * k
        start(i0 + 1, 1)
        wait(0)
        compute(0)
        scatter(0)
        start_dst(i0 + 1)
        start(i0 + 2, 0)
        wait(1)
        compute(1)
        scatter(1)
        start_dst(i0 + 2)
        return carry

    lax.fori_loop(0, NPAIR, pair, 0)
    wait(0)
    compute(0)
    scatter(0)

    plsc.subcore_barrier()
    for q in range(ZPER):
        zc = s * ZPER + q

        @pl.when(zc < ZCHUNKS)
        def _():
            pltpu.make_async_copy(aggr_sh.at[pl.ds(zc * ZC, ZC)],
                                  out_hbm.at[c, pl.ds(zc * ZC, ZC)], sem_z).start()

    for q in range(ZPER):
        zc = s * ZPER + q

        @pl.when(zc < ZCHUNKS)
        def _():
            pltpu.make_async_copy(aggr_sh.at[pl.ds(zc * ZC, ZC)],
                                  out_hbm.at[c, pl.ds(zc * ZC, ZC)], sem_z).wait()


def _sc_aggregate(x, src3, dst3, ea4):
    mesh = plsc.VectorSubcoreMesh(core_axis_name="c", subcore_axis_name="s")
    kern = pl.kernel(
        _sc_body,
        out_type=jax.ShapeDtypeStruct((NC, N_NODES, D), jnp.float32),
        mesh=mesh,
        scratch_types=[
            pltpu.VMEM_SHARED((N_NODES, D), jnp.float32),
        ],
        compiler_params=pltpu.CompilerParams(use_tc_tiling_on_sc=False),
    )
    return kern(x, src3, dst3, ea4)


def _tc_body(x_ref, p_ref, w1_ref, b1_ref, w2_ref, b2_ref, g_ref, bt_ref,
             o_ref):
    h = x_ref[...] + p_ref[0] + p_ref[1]
    h1 = lax.dot_general(h, w1_ref[...], (((1,), (1,)), ((), ())),
                         preferred_element_type=jnp.float32)
    h1 = jnp.maximum(h1 + b1_ref[...], 0.0)
    h2 = lax.dot_general(h1, w2_ref[...], (((1,), (1,)), ((), ())),
                         preferred_element_type=jnp.float32)
    h2 = h2 + b2_ref[...]
    mean = jnp.mean(h2, axis=0, keepdims=True)
    d0 = h2 - mean
    var = jnp.mean(d0 * d0, axis=0, keepdims=True)
    scale = g_ref[...] * lax.rsqrt(var + 1e-5)
    o_ref[...] = jnp.maximum(d0 * scale + bt_ref[...], 0.0)


def _tc_mlp_bn(x, partials, W1, b1, W2, b2, gamma, beta):
    return pl.pallas_call(
        _tc_body,
        out_shape=jax.ShapeDtypeStruct((N_NODES, D), jnp.float32),
    )(x, partials, W1, b1.reshape(1, D), W2, b2.reshape(1, D),
      gamma.reshape(1, D), beta.reshape(1, D))


def kernel(x, edge_index, edge_attr, W1, b1, W2, b2, gamma, beta):
    src = edge_index[0].astype(jnp.int32).reshape(NT, NCH, C)
    dst = edge_index[1].astype(jnp.int32).reshape(NT, NCH, C)
    ea4 = edge_attr.reshape(NT, NCH, C, D)
    partials = _sc_aggregate(x, src, dst, ea4)
    return _tc_mlp_bn(x, partials, W1, b1, W2, b2, gamma, beta)

# --- scband reference (transcript-rebuilt; emitter-appended) ---
"""Pipeline reference for scband-gine-block-1511828488904 (READ-ONLY COPY).

The authoritative reference and input builder live on the scoring server;
editing this copy changes nothing except your own understanding.
"""

import jax, jax.numpy as jnp
import numpy as np

N_NODES = 10000
N_EDGES = 320000
D = 128

def setup_inputs(seed: int = 0) -> dict:
    key = jax.random.key(seed)
    ks = jax.random.split(key, 10)
    x = jax.random.normal(ks[0], (N_NODES, D), dtype=jnp.float32)
    edge_index = jax.random.randint(ks[1], (2, N_EDGES), 0, N_NODES, dtype=jnp.int64)
    edge_attr = jax.random.normal(ks[2], (N_EDGES, D), dtype=jnp.float32)
    # mlp params (Linear(D,D), ReLU, Linear(D,D)) with PyTorch-like init
    bound = 1.0 / np.sqrt(D)
    W1 = jax.random.uniform(ks[3], (D, D), minval=-bound, maxval=bound, dtype=jnp.float32)
    b1 = jax.random.uniform(ks[4], (D,), minval=-bound, maxval=bound, dtype=jnp.float32)
    W2 = jax.random.uniform(ks[5], (D, D), minval=-bound, maxval=bound, dtype=jnp.float32)
    b2 = jax.random.uniform(ks[6], (D,), minval=-bound, maxval=bound, dtype=jnp.float32)
    # BatchNorm1d affine params
    gamma = jnp.ones((D,), dtype=jnp.float32)
    beta = jnp.zeros((D,), dtype=jnp.float32)
    return {"x": x, "edge_index": edge_index, "edge_attr": edge_attr,
            "W1": W1, "b1": b1, "W2": W2, "b2": b2,
            "gamma": gamma, "beta": beta}

def reference(x, edge_index, edge_attr, W1, b1, W2, b2, gamma, beta):
    # GINEConv: out_i = mlp((1 + eps) * x_i + sum_{j->i} ReLU(x_j + e_{ji})), eps = 0
    src = edge_index[0]
    dst = edge_index[1]
    msg = jax.nn.relu(x[src] + edge_attr)                  # gather + add + relu
    aggr = jax.ops.segment_sum(msg, dst, num_segments=x.shape[0])  # scatter-add
    h = x + aggr
    # MLP: Linear -> ReLU -> Linear
    h = jax.nn.relu(h @ W1.T + b1)
    h = h @ W2.T + b2
    # BatchNorm1d (training mode: batch statistics, biased variance), eps=1e-5
    mean = jnp.mean(h, axis=0)
    var = jnp.var(h, axis=0)
    h = (h - mean) / jnp.sqrt(var + 1e-5) * gamma + beta
    # final ReLU
    return jax.nn.relu(h)

if __name__ == "__main__":
    import jax
    _d = setup_inputs()
    print(jax.jit(kernel)(*tuple(_d.values())))

</pallas_src>

<mosaic_0001>
#map = affine_map<(d0, d1) -> (0, 0)>
#map1 = affine_map<(d0, d1) -> (0, 0, 0)>
#map2 = affine_map<(d0, d1) -> (0, 0, 0, 0)>
module attributes {stable_mosaic.version = 14 : i64} {
  func.func @_sc_body(%arg0: i32, %arg1: i32, %arg2: memref<10000x128xf32, #tpu.memory_space<hbm>>, %arg3: memref<32x125x80xi32, #tpu.memory_space<hbm>>, %arg4: memref<32x125x80xi32, #tpu.memory_space<hbm>>, %arg5: memref<32x125x80x128xf32, #tpu.memory_space<hbm>>, %arg6: memref<2x10000x128xf32, #tpu.memory_space<hbm>>, %arg7: memref<10000x128xf32, #tpu.memory_space<vmem_shared>>) attributes {dimension_semantics = [#tpu.dimension_semantics<core_parallel>, #tpu.dimension_semantics<subcore_parallel>], iteration_bounds = array<i64: 2, 16>, scalar_prefetch = 0 : i64, scratch_operands = 1 : i64, tpu.core_type = #tpu.core_type<sc_vector_subcore>, window_params = [{transform_indices = #map}, {transform_indices = #map1}, {transform_indices = #map1}, {transform_indices = #map2}, {transform_indices = #map1}]} {
    "tpu.region"() ({
      %run_scoped3A = memref.alloca() : memref<125x80xi32, #tpu.memory_space<vmem>>
      %run_scoped3A_0 = memref.alloca() : memref<80xi32, #tpu.memory_space<vmem>>
      %run_scoped3A_1 = memref.alloca() : memref<80x128xf32, #tpu.memory_space<vmem>>
      %run_scoped3A_2 = memref.alloca() : memref<80x128xf32, #tpu.memory_space<vmem>>
      %run_scoped3A_3 = memref.alloca() : memref<80x128xf32, #tpu.memory_space<vmem>>
      %run_scoped3A_4 = memref.alloca() : memref<80x128xf32, #tpu.memory_space<vmem>>
      %run_scoped3A_5 = tpu.sem_alloc : memref<!tpu.dma_semaphore, #tpu.memory_space<semaphore_mem>>
      %run_scoped3A_6 = tpu.sem_alloc : memref<!tpu.dma_semaphore, #tpu.memory_space<semaphore_mem>>
      %run_scoped3A_7 = tpu.sem_alloc : memref<!tpu.dma_semaphore, #tpu.memory_space<semaphore_mem>>
      %run_scoped3A_8 = tpu.sem_alloc : memref<!tpu.dma_semaphore, #tpu.memory_space<semaphore_mem>>
      %run_scoped3A_9 = tpu.sem_alloc : memref<!tpu.dma_semaphore, #tpu.memory_space<semaphore_mem>>
      %run_scoped3A_10 = tpu.sem_alloc : memref<!tpu.dma_semaphore, #tpu.memory_space<semaphore_mem>>
      %mul3A = arith.constant 16 : i32
      %mul3A_11 = arith.muli %arg0, %mul3A : i32
      %add3A = arith.addi %mul3A_11, %arg1 : i32
      "tpu.region"() ({
        %run_scoped3A_643 = tpu.sem_alloc : memref<!tpu.dma_semaphore, #tpu.memory_space<semaphore_mem>>
        %dma_start3A_644 = arith.constant 0 : i32
        %dma_start3A_645 = arith.constant 0 : i32
        %dma_start3A_646 = tpu.memref_slice %arg3[%add3A, %dma_start3A_644, %dma_start3A_645] : memref<32x125x80xi32, #tpu.memory_space<hbm>> -> memref<1x125x80xi32, #tpu.memory_space<hbm>>
        %dma_start3A_647 = tpu.memref_squeeze %dma_start3A_646 : memref<1x125x80xi32, #tpu.memory_space<hbm>> -> memref<125x80xi32, #tpu.memory_space<hbm>>
        %dma_start3A_648 = arith.constant 0 : i32
        %dma_start3A_649 = arith.constant 0 : i32
        %dma_start3A_650 = tpu.memref_slice %arg3[%add3A, %dma_start3A_648, %dma_start3A_649] : memref<32x125x80xi32, #tpu.memory_space<hbm>> -> memref<1x125x80xi32, #tpu.memory_space<hbm>>
        %dma_start3A_651 = tpu.memref_squeeze %dma_start3A_650 : memref<1x125x80xi32, #tpu.memory_space<hbm>> -> memref<125x80xi32, #tpu.memory_space<hbm>>
        tpu.enqueue_dma source(%dma_start3A_651 : memref<125x80xi32, #tpu.memory_space<hbm>>) target(%run_scoped3A : memref<125x80xi32, #tpu.memory_space<vmem>>) target_semaphore(%run_scoped3A_643 : memref<!tpu.dma_semaphore, #tpu.memory_space<semaphore_mem>>)
        %dma_wait3A_652 = arith.constant 0 : i32
        %dma_wait3A_653 = arith.constant 0 : i32
        %dma_wait3A_654 = tpu.memref_slice %arg3[%add3A, %dma_wait3A_652, %dma_wait3A_653] : memref<32x125x80xi32, #tpu.memory_space<hbm>> -> memref<1x125x80xi32, #tpu.memory_space<hbm>>
        %dma_wait3A_655 = tpu.memref_squeeze %dma_wait3A_654 : memref<1x125x80xi32, #tpu.memory_space<hbm>> -> memref<125x80xi32, #tpu.memory_space<hbm>>
        %dma_wait3A_656 = arith.constant 0 : i32
        %dma_wait3A_657 = arith.constant 0 : i32
        %dma_wait3A_658 = tpu.memref_slice %arg3[%add3A, %dma_wait3A_656, %dma_wait3A_657] : memref<32x125x80xi32, #tpu.memory_space<hbm>> -> memref<1x125x80xi32, #tpu.memory_space<hbm>>
        %dma_wait3A_659 = tpu.memref_squeeze %dma_wait3A_658 : memref<1x125x80xi32, #tpu.memory_space<hbm>> -> memref<125x80xi32, #tpu.memory_space<hbm>>
        tpu.wait_dma2 semaphore(%run_scoped3A_643 : memref<!tpu.dma_semaphore, #tpu.memory_space<semaphore_mem>>) src(%dma_wait3A_659 : memref<125x80xi32, #tpu.memory_space<hbm>>) dst(%run_scoped3A : memref<125x80xi32, #tpu.memory_space<vmem>>)
        tpu.yield
      }) : () -> ()
      %dma_start3A = arith.constant 0 : i32
      %dma_start3A_12 = arith.constant 0 : i32
      %dma_start3A_13 = arith.constant 0 : i32
      %dma_start3A_14 = tpu.memref_slice %arg5[%add3A, %dma_start3A, %dma_start3A_12, %dma_start3A_13] : memref<32x125x80x128xf32, #tpu.memory_space<hbm>> -> memref<1x1x80x128xf32, #tpu.memory_space<hbm>>
      %dma_start3A_15 = tpu.memref_squeeze %dma_start3A_14 : memref<1x1x80x128xf32, #tpu.memory_space<hbm>> -> memref<80x128xf32, #tpu.memory_space<hbm>>
      %dma_start3A_16 = arith.constant 0 : i32
      %dma_start3A_17 = arith.constant 0 : i32
      %dma_start3A_18 = tpu.memref_slice %arg5[%add3A, %dma_start3A, %dma_start3A_16, %dma_start3A_17] : memref<32x125x80x128xf32, #tpu.memory_space<hbm>> -> memref<1x1x80x128xf32, #tpu.memory_space<hbm>>
      %dma_start3A_19 = tpu.memref_squeeze %dma_start3A_18 : memref<1x1x80x128xf32, #tpu.memory_space<hbm>> -> memref<80x128xf32, #tpu.memory_space<hbm>>
      tpu.enqueue_dma source(%dma_start3A_19 : memref<80x128xf32, #tpu.memory_space<hbm>>) target(%run_scoped3A_3 : memref<80x128xf32, #tpu.memory_space<vmem>>) target_semaphore(%run_scoped3A_7 : memref<!tpu.dma_semaphore, #tpu.memory_space<semaphore_mem>>)
      %dma_start3A_20 = arith.constant 0 : i32
      %dma_start3A_21 = arith.constant 0 : i32
      %dma_start3A_22 = tpu.memref_slice %run_scoped3A[%dma_start3A_20, %dma_start3A_21] : memref<125x80xi32, #tpu.memory_space<vmem>> -> memref<1x80xi32, #tpu.memory_space<vmem>>
      %dma_start3A_23 = tpu.memref_squeeze %dma_start3A_22 : memref<1x80xi32, #tpu.memory_space<vmem>> -> memref<80xi32, #tpu.memory_space<vmem>>
      %dma_start3A_24 = arith.constant 0 : i32
      %dma_start3A_25 = arith.constant 0 : i32
      %dma_start3A_26 = tpu.memref_slice %arg2[%dma_start3A_24, %dma_start3A_25] : memref<10000x128xf32, #tpu.memory_space<hbm>> -> memref<10000x128xf32, #tpu.memory_space<hbm>>
      tpu.enqueue_indirect_dma source(%dma_start3A_26 : memref<10000x128xf32, #tpu.memory_space<hbm>>) target(%run_scoped3A_1 : memref<80x128xf32, #tpu.memory_space<vmem>>) offsets(%dma_start3A_23 : memref<80xi32, #tpu.memory_space<vmem>>) semaphore(%run_scoped3A_5 : memref<!tpu.dma_semaphore, #tpu.memory_space<semaphore_mem>>)
      %dma_start3A_27 = arith.constant 0 : i32
      %dma_start3A_28 = arith.constant 0 : i32
      %dma_start3A_29 = tpu.memref_slice %arg4[%add3A, %dma_start3A_27, %dma_start3A_28] : memref<32x125x80xi32, #tpu.memory_space<hbm>> -> memref<1x1x80xi32, #tpu.memory_space<hbm>>
      %dma_start3A_30 = tpu.memref_squeeze %dma_start3A_29 : memref<1x1x80xi32, #tpu.memory_space<hbm>> -> memref<80xi32, #tpu.memory_space<hbm>>
      %dma_start3A_31 = arith.constant 0 : i32
      %dma_start3A_32 = tpu.memref_slice %arg4[%add3A, %dma_start3A_27, %dma_start3A_31] : memref<32x125x80xi32, #tpu.memory_space<hbm>> -> memref<1x1x80xi32, #tpu.memory_space<hbm>>
      %dma_start3A_33 = tpu.memref_squeeze %dma_start3A_32 : memref<1x1x80xi32, #tpu.memory_space<hbm>> -> memref<80xi32, #tpu.memory_space<hbm>>
      tpu.enqueue_dma source(%dma_start3A_33 : memref<80xi32, #tpu.memory_space<hbm>>) target(%run_scoped3A_0 : memref<80xi32, #tpu.memory_space<vmem>>) target_semaphore(%run_scoped3A_9 : memref<!tpu.dma_semaphore, #tpu.memory_space<semaphore_mem>>)
      %broadcast_in_dim3A = arith.constant 0.000000e+00 : f32
      %broadcast_in_dim3A_34 = vector.broadcast %broadcast_in_dim3A : f32 to vector<16xf32>
      %parallel_loop3A = arith.constant 0 : i32
      %parallel_loop3A_35 = arith.constant 40 : i32
      %parallel_loop3A_36 = arith.constant 1 : i32
      scf.for %parallel_loop3A_643 = %parallel_loop3A to %parallel_loop3A_35 step %parallel_loop3A_36  : i32 {
        %parallel_loop3A_644 = arith.index_cast %parallel_loop3A_643 : i32 to index
        %parallel_loop3A_645 = arith.constant 0 : index
        %parallel_loop3A_646 = tpu.vector_load %run_scoped3A_4[%parallel_loop3A_644, %parallel_loop3A_645] {strides = array<i32>} : memref<80x128xf32, #tpu.memory_space<vmem>>, vector<1x16xf32>,
        %parallel_loop3A_647 = vector.shape_cast %parallel_loop3A_646 : vector<1x16xf32> to vector<16xf32>
        %parallel_loop3A_648 = vector.shape_cast %broadcast_in_dim3A_34 : vector<16xf32> to vector<1x16xf32>
        tpu.vector_store %run_scoped3A_4[%parallel_loop3A_644, %parallel_loop3A_645], %parallel_loop3A_648 {strides = array<i32>} : memref<80x128xf32, #tpu.memory_space<vmem>>, vector<1x16xf32>,
        %parallel_loop3A_649 = arith.index_cast %parallel_loop3A_643 : i32 to index
        %parallel_loop3A_650 = arith.constant 16 : index
        %parallel_loop3A_651 = tpu.vector_load %run_scoped3A_4[%parallel_loop3A_649, %parallel_loop3A_650] {strides = array<i32>} : memref<80x128xf32, #tpu.memory_space<vmem>>, vector<1x16xf32>,
        %parallel_loop3A_652 = vector.shape_cast %parallel_loop3A_651 : vector<1x16xf32> to vector<16xf32>
        %parallel_loop3A_653 = vector.shape_cast %broadcast_in_dim3A_34 : vector<16xf32> to vector<1x16xf32>
        tpu.vector_store %run_scoped3A_4[%parallel_loop3A_649, %parallel_loop3A_650], %parallel_loop3A_653 {strides = array<i32>} : memref<80x128xf32, #tpu.memory_space<vmem>>, vector<1x16xf32>,
        %parallel_loop3A_654 = arith.index_cast %parallel_loop3A_643 : i32 to index
        %parallel_loop3A_655 = arith.constant 32 : index
        %parallel_loop3A_656 = tpu.vector_load %run_scoped3A_4[%parallel_loop3A_654, %parallel_loop3A_655] {strides = array<i32>} : memref<80x128xf32, #tpu.memory_space<vmem>>, vector<1x16xf32>,
        %parallel_loop3A_657 = vector.shape_cast %parallel_loop3A_656 : vector<1x16xf32> to vector<16xf32>
        %parallel_loop3A_658 = vector.shape_cast %broadcast_in_dim3A_34 : vector<16xf32> to vector<1x16xf32>
        tpu.vector_store %run_scoped3A_4[%parallel_loop3A_654, %parallel_loop3A_655], %parallel_loop3A_658 {strides = array<i32>} : memref<80x128xf32, #tpu.memory_space<vmem>>, vector<1x16xf32>,
        %parallel_loop3A_659 = arith.index_cast %parallel_loop3A_643 : i32 to index
        %parallel_loop3A_660 = arith.constant 48 : index
        %parallel_loop3A_661 = tpu.vector_load %run_scoped3A_4[%parallel_loop3A_659, %parallel_loop3A_660] {strides = array<i32>} : memref<80x128xf32, #tpu.memory_space<vmem>>, vector<1x16xf32>,
        %parallel_loop3A_662 = vector.shape_cast %parallel_loop3A_661 : vector<1x16xf32> to vector<16xf32>
        %parallel_loop3A_663 = vector.shape_cast %broadcast_in_dim3A_34 : vector<16xf32> to vector<1x16xf32>
        tpu.vector_store %run_scoped3A_4[%parallel_loop3A_659, %parallel_loop3A_660], %parallel_loop3A_663 {strides = array<i32>} : memref<80x128xf32, #tpu.memory_space<vmem>>, vector<1x16xf32>,
        %parallel_loop3A_664 = arith.index_cast %parallel_loop3A_643 : i32 to index
        %parallel_loop3A_665 = arith.constant 64 : index
        %parallel_loop3A_666 = tpu.vector_load %run_scoped3A_4[%parallel_loop3A_664, %parallel_loop3A_665] {strides = array<i32>} : memref<80x128xf32, #tpu.memory_space<vmem>>, vector<1x16xf32>,
        %parallel_loop3A_667 = vector.shape_cast %parallel_loop3A_666 : vector<1x16xf32> to vector<16xf32>
        %parallel_loop3A_668 = vector.shape_cast %broadcast_in_dim3A_34 : vector<16xf32> to vector<1x16xf32>
        tpu.vector_store %run_scoped3A_4[%parallel_loop3A_664, %parallel_loop3A_665], %parallel_loop3A_668 {strides = array<i32>} : memref<80x128xf32, #tpu.memory_space<vmem>>, vector<1x16xf32>,
        %parallel_loop3A_669 = arith.index_cast %parallel_loop3A_643 : i32 to index
        %parallel_loop3A_670 = arith.constant 80 : index
        %parallel_loop3A_671 = tpu.vector_load %run_scoped3A_4[%parallel_loop3A_669, %parallel_loop3A_670] {strides = array<i32>} : memref<80x128xf32, #tpu.memory_space<vmem>>, vector<1x16xf32>,
        %parallel_loop3A_672 = vector.shape_cast %parallel_loop3A_671 : vector<1x16xf32> to vector<16xf32>
        %parallel_loop3A_673 = vector.shape_cast %broadcast_in_dim3A_34 : vector<16xf32> to vector<1x16xf32>
        tpu.vector_store %run_scoped3A_4[%parallel_loop3A_669, %parallel_loop3A_670], %parallel_loop3A_673 {strides = array<i32>} : memref<80x128xf32, #tpu.memory_space<vmem>>, vector<1x16xf32>,
        %parallel_loop3A_674 = arith.index_cast %parallel_loop3A_643 : i32 to index
        %parallel_loop3A_675 = arith.constant 96 : index
        %parallel_loop3A_676 = tpu.vector_load %run_scoped3A_4[%parallel_loop3A_674, %parallel_loop3A_675] {strides = array<i32>} : memref<80x128xf32, #tpu.memory_space<vmem>>, vector<1x16xf32>,
        %parallel_loop3A_677 = vector.shape_cast %parallel_loop3A_676 : vector<1x16xf32> to vector<16xf32>
        %parallel_loop3A_678 = vector.shape_cast %broadcast_in_dim3A_34 : vector<16xf32> to vector<1x16xf32>
        tpu.vector_store %run_scoped3A_4[%parallel_loop3A_674, %parallel_loop3A_675], %parallel_loop3A_678 {strides = array<i32>} : memref<80x128xf32, #tpu.memory_space<vmem>>, vector<1x16xf32>,
        %parallel_loop3A_679 = arith.index_cast %parallel_loop3A_643 : i32 to index
        %parallel_loop3A_680 = arith.constant 112 : index
        %parallel_loop3A_681 = tpu.vector_load %run_scoped3A_4[%parallel_loop3A_679, %parallel_loop3A_680] {strides = array<i32>} : memref<80x128xf32, #tpu.memory_space<vmem>>, vector<1x16xf32>,
        %parallel_loop3A_682 = vector.shape_cast %parallel_loop3A_681 : vector<1x16xf32> to vector<16xf32>
        %parallel_loop3A_683 = vector.shape_cast %broadcast_in_dim3A_34 : vector<16xf32> to vector<1x16xf32>
        tpu.vector_store %run_scoped3A_4[%parallel_loop3A_679, %parallel_loop3A_680], %parallel_loop3A_683 {strides = array<i32>} : memref<80x128xf32, #tpu.memory_space<vmem>>, vector<1x16xf32>,
      } {sc.loop_unroll_factor = 2 : i64, sc.parallel_access}
      %mul3A_37 = arith.constant 16 : i32
      %mul3A_38 = arith.muli %arg1, %mul3A_37 : i32
      %add3A_39 = arith.constant 0 : i32
      %add3A_40 = arith.addi %mul3A_38, %add3A_39 : i32
      %lt3A = arith.constant 250 : i32
      %lt3A_41 = arith.cmpi slt, %add3A_40, %lt3A : i32
      %convert_element_type3A = arith.extui %lt3A_41 : i1 to i32
      %cond3A = arith.constant 0 : i32
      %cond3A_42 = arith.cmpi ne, %convert_element_type3A, %cond3A : i32
      scf.if %cond3A_42 {
        %mul3A_643 = arith.constant 40 : i32
        %mul3A_644 = arith.muli %add3A_40, %mul3A_643 : i32
        %dma_start3A_645 = arith.constant 0 : i32
        %dma_start3A_646 = arith.constant 0 : i32
        %dma_start3A_647 = tpu.memref_slice %run_scoped3A_4[%dma_start3A_645, %dma_start3A_646] : memref<80x128xf32, #tpu.memory_space<vmem>> -> memref<40x128xf32, #tpu.memory_space<vmem>>
        %dma_start3A_648 = arith.constant 0 : i32
        %dma_start3A_649 = tpu.memref_slice %arg7[%mul3A_644, %dma_start3A_648] : memref<10000x128xf32, #tpu.memory_space<vmem_shared>> -> memref<40x128xf32, #tpu.memory_space<vmem_shared>>
        %dma_start3A_650 = arith.constant 0 : i32
        %dma_start3A_651 = tpu.memref_slice %arg7[%mul3A_644, %dma_start3A_650] : memref<10000x128xf32, #tpu.memory_space<vmem_shared>> -> memref<40x128xf32, #tpu.memory_space<vmem_shared>>
        %dma_start3A_652 = arith.constant 0 : i32
        %dma_start3A_653 = arith.constant 0 : i32
        %dma_start3A_654 = tpu.memref_slice %run_scoped3A_4[%dma_start3A_652, %dma_start3A_653] : memref<80x128xf32, #tpu.memory_space<vmem>> -> memref<40x128xf32, #tpu.memory_space<vmem>>
        tpu.enqueue_dma source(%dma_start3A_654 : memref<40x128xf32, #tpu.memory_space<vmem>>) target(%dma_start3A_651 : memref<40x128xf32, #tpu.memory_space<vmem_shared>>) target_semaphore(%run_scoped3A_10 : memref<!tpu.dma_semaphore, #tpu.memory_space<semaphore_mem>>)
      } else {
      }
      %mul3A_43 = arith.constant 16 : i32
      %mul3A_44 = arith.muli %arg1, %mul3A_43 : i32
      %add3A_45 = arith.constant 1 : i32
      %add3A_46 = arith.addi %mul3A_44, %add3A_45 : i32
      %lt3A_47 = arith.constant 250 : i32
      %lt3A_48 = arith.cmpi slt, %add3A_46, %lt3A_47 : i32
      %convert_element_type3A_49 = arith.extui %lt3A_48 : i1 to i32
      %cond3A_50 = arith.constant 0 : i32
      %cond3A_51 = arith.cmpi ne, %convert_element_type3A_49, %cond3A_50 : i32
      scf.if %cond3A_51 {
        %mul3A_643 = arith.constant 40 : i32
        %mul3A_644 = arith.muli %add3A_46, %mul3A_643 : i32
        %dma_start3A_645 = arith.constant 0 : i32
        %dma_start3A_646 = arith.constant 0 : i32
        %dma_start3A_647 = tpu.memref_slice %run_scoped3A_4[%dma_start3A_645, %dma_start3A_646] : memref<80x128xf32, #tpu.memory_space<vmem>> -> memref<40x128xf32, #tpu.memory_space<vmem>>
        %dma_start3A_648 = arith.constant 0 : i32
        %dma_start3A_649 = tpu.memref_slice %arg7[%mul3A_644, %dma_start3A_648] : memref<10000x128xf32, #tpu.memory_space<vmem_shared>> -> memref<40x128xf32, #tpu.memory_space<vmem_shared>>
        %dma_start3A_650 = arith.constant 0 : i32
        %dma_start3A_651 = tpu.memref_slice %arg7[%mul3A_644, %dma_start3A_650] : memref<10000x128xf32, #tpu.memory_space<vmem_shared>> -> memref<40x128xf32, #tpu.memory_space<vmem_shared>>
        %dma_start3A_652 = arith.constant 0 : i32
        %dma_start3A_653 = arith.constant 0 : i32
        %dma_start3A_654 = tpu.memref_slice %run_scoped3A_4[%dma_start3A_652, %dma_start3A_653] : memref<80x128xf32, #tpu.memory_space<vmem>> -> memref<40x128xf32, #tpu.memory_space<vmem>>
        tpu.enqueue_dma source(%dma_start3A_654 : memref<40x128xf32, #tpu.memory_space<vmem>>) target(%dma_start3A_651 : memref<40x128xf32, #tpu.memory_space<vmem_shared>>) target_semaphore(%run_scoped3A_10 : memref<!tpu.dma_semaphore, #tpu.memory_space<semaphore_mem>>)
      } else {
      }
      %mul3A_52 = arith.constant 16 : i32
      %mul3A_53 = arith.muli %arg1, %mul3A_52 : i32
      %add3A_54 = arith.constant 2 : i32
      %add3A_55 = arith.addi %mul3A_53, %add3A_54 : i32
      %lt3A_56 = arith.constant 250 : i32
      %lt3A_57 = arith.cmpi slt, %add3A_55, %lt3A_56 : i32
      %convert_element_type3A_58 = arith.extui %lt3A_57 : i1 to i32
      %cond3A_59 = arith.constant 0 : i32
      %cond3A_60 = arith.cmpi ne, %convert_element_type3A_58, %cond3A_59 : i32
      scf.if %cond3A_60 {
        %mul3A_643 = arith.constant 40 : i32
        %mul3A_644 = arith.muli %add3A_55, %mul3A_643 : i32
        %dma_start3A_645 = arith.constant 0 : i32
        %dma_start3A_646 = arith.constant 0 : i32
        %dma_start3A_647 = tpu.memref_slice %run_scoped3A_4[%dma_start3A_645, %dma_start3A_646] : memref<80x128xf32, #tpu.memory_space<vmem>> -> memref<40x128xf32, #tpu.memory_space<vmem>>
        %dma_start3A_648 = arith.constant 0 : i32
        %dma_start3A_649 = tpu.memref_slice %arg7[%mul3A_644, %dma_start3A_648] : memref<10000x128xf32, #tpu.memory_space<vmem_shared>> -> memref<40x128xf32, #tpu.memory_space<vmem_shared>>
        %dma_start3A_650 = arith.constant 0 : i32
        %dma_start3A_651 = tpu.memref_slice %arg7[%mul3A_644, %dma_start3A_650] : memref<10000x128xf32, #tpu.memory_space<vmem_shared>> -> memref<40x128xf32, #tpu.memory_space<vmem_shared>>
        %dma_start3A_652 = arith.constant 0 : i32
        %dma_start3A_653 = arith.constant 0 : i32
        %dma_start3A_654 = tpu.memref_slice %run_scoped3A_4[%dma_start3A_652, %dma_start3A_653] : memref<80x128xf32, #tpu.memory_space<vmem>> -> memref<40x128xf32, #tpu.memory_space<vmem>>
        tpu.enqueue_dma source(%dma_start3A_654 : memref<40x128xf32, #tpu.memory_space<vmem>>) target(%dma_start3A_651 : memref<40x128xf32, #tpu.memory_space<vmem_shared>>) target_semaphore(%run_scoped3A_10 : memref<!tpu.dma_semaphore, #tpu.memory_space<semaphore_mem>>)
      } else {
      }
      %mul3A_61 = arith.constant 16 : i32
      %mul3A_62 = arith.muli %arg1, %mul3A_61 : i32
      %add3A_63 = arith.constant 3 : i32
      %add3A_64 = arith.addi %mul3A_62, %add3A_63 : i32
      %lt3A_65 = arith.constant 250 : i32
      %lt3A_66 = arith.cmpi slt, %add3A_64, %lt3A_65 : i32
      %convert_element_type3A_67 = arith.extui %lt3A_66 : i1 to i32
      %cond3A_68 = arith.constant 0 : i32
      %cond3A_69 = arith.cmpi ne, %convert_element_type3A_67, %cond3A_68 : i32
      scf.if %cond3A_69 {
        %mul3A_643 = arith.constant 40 : i32
        %mul3A_644 = arith.muli %add3A_64, %mul3A_643 : i32
        %dma_start3A_645 = arith.constant 0 : i32
        %dma_start3A_646 = arith.constant 0 : i32
        %dma_start3A_647 = tpu.memref_slice %run_scoped3A_4[%dma_start3A_645, %dma_start3A_646] : memref<80x128xf32, #tpu.memory_space<vmem>> -> memref<40x128xf32, #tpu.memory_space<vmem>>
        %dma_start3A_648 = arith.constant 0 : i32
        %dma_start3A_649 = tpu.memref_slice %arg7[%mul3A_644, %dma_start3A_648] : memref<10000x128xf32, #tpu.memory_space<vmem_shared>> -> memref<40x128xf32, #tpu.memory_space<vmem_shared>>
        %dma_start3A_650 = arith.constant 0 : i32
        %dma_start3A_651 = tpu.memref_slice %arg7[%mul3A_644, %dma_start3A_650] : memref<10000x128xf32, #tpu.memory_space<vmem_shared>> -> memref<40x128xf32, #tpu.memory_space<vmem_shared>>
        %dma_start3A_652 = arith.constant 0 : i32
        %dma_start3A_653 = arith.constant 0 : i32
        %dma_start3A_654 = tpu.memref_slice %run_scoped3A_4[%dma_start3A_652, %dma_start3A_653] : memref<80x128xf32, #tpu.memory_space<vmem>> -> memref<40x128xf32, #tpu.memory_space<vmem>>
        tpu.enqueue_dma source(%dma_start3A_654 : memref<40x128xf32, #tpu.memory_space<vmem>>) target(%dma_start3A_651 : memref<40x128xf32, #tpu.memory_space<vmem_shared>>) target_semaphore(%run_scoped3A_10 : memref<!tpu.dma_semaphore, #tpu.memory_space<semaphore_mem>>)
      } else {
      }
      %mul3A_70 = arith.constant 16 : i32
      %mul3A_71 = arith.muli %arg1, %mul3A_70 : i32
      %add3A_72 = arith.constant 4 : i32
      %add3A_73 = arith.addi %mul3A_71, %add3A_72 : i32
      %lt3A_74 = arith.constant 250 : i32
      %lt3A_75 = arith.cmpi slt, %add3A_73, %lt3A_74 : i32
      %convert_element_type3A_76 = arith.extui %lt3A_75 : i1 to i32
      %cond3A_77 = arith.constant 0 : i32
      %cond3A_78 = arith.cmpi ne, %convert_element_type3A_76, %cond3A_77 : i32
      scf.if %cond3A_78 {
        %mul3A_643 = arith.constant 40 : i32
        %mul3A_644 = arith.muli %add3A_73, %mul3A_643 : i32
        %dma_start3A_645 = arith.constant 0 : i32
        %dma_start3A_646 = arith.constant 0 : i32
        %dma_start3A_647 = tpu.memref_slice %run_scoped3A_4[%dma_start3A_645, %dma_start3A_646] : memref<80x128xf32, #tpu.memory_space<vmem>> -> memref<40x128xf32, #tpu.memory_space<vmem>>
        %dma_start3A_648 = arith.constant 0 : i32
        %dma_start3A_649 = tpu.memref_slice %arg7[%mul3A_644, %dma_start3A_648] : memref<10000x128xf32, #tpu.memory_space<vmem_shared>> -> memref<40x128xf32, #tpu.memory_space<vmem_shared>>
        %dma_start3A_650 = arith.constant 0 : i32
        %dma_start3A_651 = tpu.memref_slice %arg7[%mul3A_644, %dma_start3A_650] : memref<10000x128xf32, #tpu.memory_space<vmem_shared>> -> memref<40x128xf32, #tpu.memory_space<vmem_shared>>
        %dma_start3A_652 = arith.constant 0 : i32
        %dma_start3A_653 = arith.constant 0 : i32
        %dma_start3A_654 = tpu.memref_slice %run_scoped3A_4[%dma_start3A_652, %dma_start3A_653] : memref<80x128xf32, #tpu.memory_space<vmem>> -> memref<40x128xf32, #tpu.memory_space<vmem>>
        tpu.enqueue_dma source(%dma_start3A_654 : memref<40x128xf32, #tpu.memory_space<vmem>>) target(%dma_start3A_651 : memref<40x128xf32, #tpu.memory_space<vmem_shared>>) target_semaphore(%run_scoped3A_10 : memref<!tpu.dma_semaphore, #tpu.memory_space<semaphore_mem>>)
      } else {
      }
      %mul3A_79 = arith.constant 16 : i32
      %mul3A_80 = arith.muli %arg1, %mul3A_79 : i32
      %add3A_81 = arith.constant 5 : i32
      %add3A_82 = arith.addi %mul3A_80, %add3A_81 : i32
      %lt3A_83 = arith.constant 250 : i32
      %lt3A_84 = arith.cmpi slt, %add3A_82, %lt3A_83 : i32
      %convert_element_type3A_85 = arith.extui %lt3A_84 : i1 to i32
      %cond3A_86 = arith.constant 0 : i32
      %cond3A_87 = arith.cmpi ne, %convert_element_type3A_85, %cond3A_86 : i32
      scf.if %cond3A_87 {
        %mul3A_643 = arith.constant 40 : i32
        %mul3A_644 = arith.muli %add3A_82, %mul3A_643 : i32
        %dma_start3A_645 = arith.constant 0 : i32
        %dma_start3A_646 = arith.constant 0 : i32
        %dma_start3A_647 = tpu.memref_slice %run_scoped3A_4[%dma_start3A_645, %dma_start3A_646] : memref<80x128xf32, #tpu.memory_space<vmem>> -> memref<40x128xf32, #tpu.memory_space<vmem>>
        %dma_start3A_648 = arith.constant 0 : i32
        %dma_start3A_649 = tpu.memref_slice %arg7[%mul3A_644, %dma_start3A_648] : memref<10000x128xf32, #tpu.memory_space<vmem_shared>> -> memref<40x128xf32, #tpu.memory_space<vmem_shared>>
        %dma_start3A_650 = arith.constant 0 : i32
        %dma_start3A_651 = tpu.memref_slice %arg7[%mul3A_644, %dma_start3A_650] : memref<10000x128xf32, #tpu.memory_space<vmem_shared>> -> memref<40x128xf32, #tpu.memory_space<vmem_shared>>
        %dma_start3A_652 = arith.constant 0 : i32
        %dma_start3A_653 = arith.constant 0 : i32
        %dma_start3A_654 = tpu.memref_slice %run_scoped3A_4[%dma_start3A_652, %dma_start3A_653] : memref<80x128xf32, #tpu.memory_space<vmem>> -> memref<40x128xf32, #tpu.memory_space<vmem>>
        tpu.enqueue_dma source(%dma_start3A_654 : memref<40x128xf32, #tpu.memory_space<vmem>>) target(%dma_start3A_651 : memref<40x128xf32, #tpu.memory_space<vmem_shared>>) target_semaphore(%run_scoped3A_10 : memref<!tpu.dma_semaphore, #tpu.memory_space<semaphore_mem>>)
      } else {
      }
      %mul3A_88 = arith.constant 16 : i32
      %mul3A_89 = arith.muli %arg1, %mul3A_88 : i32
      %add3A_90 = arith.constant 6 : i32
      %add3A_91 = arith.addi %mul3A_89, %add3A_90 : i32
      %lt3A_92 = arith.constant 250 : i32
      %lt3A_93 = arith.cmpi slt, %add3A_91, %lt3A_92 : i32
      %convert_element_type3A_94 = arith.extui %lt3A_93 : i1 to i32
      %cond3A_95 = arith.constant 0 : i32
      %cond3A_96 = arith.cmpi ne, %convert_element_type3A_94, %cond3A_95 : i32
      scf.if %cond3A_96 {
        %mul3A_643 = arith.constant 40 : i32
        %mul3A_644 = arith.muli %add3A_91, %mul3A_643 : i32
        %dma_start3A_645 = arith.constant 0 : i32
        %dma_start3A_646 = arith.constant 0 : i32
        %dma_start3A_647 = tpu.memref_slice %run_scoped3A_4[%dma_start3A_645, %dma_start3A_646] : memref<80x128xf32, #tpu.memory_space<vmem>> -> memref<40x128xf32, #tpu.memory_space<vmem>>
        %dma_start3A_648 = arith.constant 0 : i32
        %dma_start3A_649 = tpu.memref_slice %arg7[%mul3A_644, %dma_start3A_648] : memref<10000x128xf32, #tpu.memory_space<vmem_shared>> -> memref<40x128xf32, #tpu.memory_space<vmem_shared>>
        %dma_start3A_650 = arith.constant 0 : i32
        %dma_start3A_651 = tpu.memref_slice %arg7[%mul3A_644, %dma_start3A_650] : memref<10000x128xf32, #tpu.memory_space<vmem_shared>> -> memref<40x128xf32, #tpu.memory_space<vmem_shared>>
        %dma_start3A_652 = arith.constant 0 : i32
        %dma_start3A_653 = arith.constant 0 : i32
        %dma_start3A_654 = tpu.memref_slice %run_scoped3A_4[%dma_start3A_652, %dma_start3A_653] : memref<80x128xf32, #tpu.memory_space<vmem>> -> memref<40x128xf32, #tpu.memory_space<vmem>>
        tpu.enqueue_dma source(%dma_start3A_654 : memref<40x128xf32, #tpu.memory_space<vmem>>) target(%dma_start3A_651 : memref<40x128xf32, #tpu.memory_space<vmem_shared>>) target_semaphore(%run_scoped3A_10 : memref<!tpu.dma_semaphore, #tpu.memory_space<semaphore_mem>>)
      } else {
      }
      %mul3A_97 = arith.constant 16 : i32
      %mul3A_98 = arith.muli %arg1, %mul3A_97 : i32
      %add3A_99 = arith.constant 7 : i32
      %add3A_100 = arith.addi %mul3A_98, %add3A_99 : i32
      %lt3A_101 = arith.constant 250 : i32
      %lt3A_102 = arith.cmpi slt, %add3A_100, %lt3A_101 : i32
      %convert_element_type3A_103 = arith.extui %lt3A_102 : i1 to i32
      %cond3A_104 = arith.constant 0 : i32
      %cond3A_105 = arith.cmpi ne, %convert_element_type3A_103, %cond3A_104 : i32
      scf.if %cond3A_105 {
        %mul3A_643 = arith.constant 40 : i32
        %mul3A_644 = arith.muli %add3A_100, %mul3A_643 : i32
        %dma_start3A_645 = arith.constant 0 : i32
        %dma_start3A_646 = arith.constant 0 : i32
        %dma_start3A_647 = tpu.memref_slice %run_scoped3A_4[%dma_start3A_645, %dma_start3A_646] : memref<80x128xf32, #tpu.memory_space<vmem>> -> memref<40x128xf32, #tpu.memory_space<vmem>>
        %dma_start3A_648 = arith.constant 0 : i32
        %dma_start3A_649 = tpu.memref_slice %arg7[%mul3A_644, %dma_start3A_648] : memref<10000x128xf32, #tpu.memory_space<vmem_shared>> -> memref<40x128xf32, #tpu.memory_space<vmem_shared>>
        %dma_start3A_650 = arith.constant 0 : i32
        %dma_start3A_651 = tpu.memref_slice %arg7[%mul3A_644, %dma_start3A_650] : memref<10000x128xf32, #tpu.memory_space<vmem_shared>> -> memref<40x128xf32, #tpu.memory_space<vmem_shared>>
        %dma_start3A_652 = arith.constant 0 : i32
        %dma_start3A_653 = arith.constant 0 : i32
        %dma_start3A_654 = tpu.memref_slice %run_scoped3A_4[%dma_start3A_652, %dma_start3A_653] : memref<80x128xf32, #tpu.memory_space<vmem>> -> memref<40x128xf32, #tpu.memory_space<vmem>>
        tpu.enqueue_dma source(%dma_start3A_654 : memref<40x128xf32, #tpu.memory_space<vmem>>) target(%dma_start3A_651 : memref<40x128xf32, #tpu.memory_space<vmem_shared>>) target_semaphore(%run_scoped3A_10 : memref<!tpu.dma_semaphore, #tpu.memory_space<semaphore_mem>>)
      } else {
      }
      %mul3A_106 = arith.constant 16 : i32
      %mul3A_107 = arith.muli %arg1, %mul3A_106 : i32
      %add3A_108 = arith.constant 8 : i32
      %add3A_109 = arith.addi %mul3A_107, %add3A_108 : i32
      %lt3A_110 = arith.constant 250 : i32
      %lt3A_111 = arith.cmpi slt, %add3A_109, %lt3A_110 : i32
      %convert_element_type3A_112 = arith.extui %lt3A_111 : i1 to i32
      %cond3A_113 = arith.constant 0 : i32
      %cond3A_114 = arith.cmpi ne, %convert_element_type3A_112, %cond3A_113 : i32
      scf.if %cond3A_114 {
        %mul3A_643 = arith.constant 40 : i32
        %mul3A_644 = arith.muli %add3A_109, %mul3A_643 : i32
        %dma_start3A_645 = arith.constant 0 : i32
        %dma_start3A_646 = arith.constant 0 : i32
        %dma_start3A_647 = tpu.memref_slice %run_scoped3A_4[%dma_start3A_645, %dma_start3A_646] : memref<80x128xf32, #tpu.memory_space<vmem>> -> memref<40x128xf32, #tpu.memory_space<vmem>>
        %dma_start3A_648 = arith.constant 0 : i32
        %dma_start3A_649 = tpu.memref_slice %arg7[%mul3A_644, %dma_start3A_648] : memref<10000x128xf32, #tpu.memory_space<vmem_shared>> -> memref<40x128xf32, #tpu.memory_space<vmem_shared>>
        %dma_start3A_650 = arith.constant 0 : i32
        %dma_start3A_651 = tpu.memref_slice %arg7[%mul3A_644, %dma_start3A_650] : memref<10000x128xf32, #tpu.memory_space<vmem_shared>> -> memref<40x128xf32, #tpu.memory_space<vmem_shared>>
        %dma_start3A_652 = arith.constant 0 : i32
        %dma_start3A_653 = arith.constant 0 : i32
        %dma_start3A_654 = tpu.memref_slice %run_scoped3A_4[%dma_start3A_652, %dma_start3A_653] : memref<80x128xf32, #tpu.memory_space<vmem>> -> memref<40x128xf32, #tpu.memory_space<vmem>>
        tpu.enqueue_dma source(%dma_start3A_654 : memref<40x128xf32, #tpu.memory_space<vmem>>) target(%dma_start3A_651 : memref<40x128xf32, #tpu.memory_space<vmem_shared>>) target_semaphore(%run_scoped3A_10 : memref<!tpu.dma_semaphore, #tpu.memory_space<semaphore_mem>>)
      } else {
      }
      %mul3A_115 = arith.constant 16 : i32
      %mul3A_116 = arith.muli %arg1, %mul3A_115 : i32
      %add3A_117 = arith.constant 9 : i32
      %add3A_118 = arith.addi %mul3A_116, %add3A_117 : i32
      %lt3A_119 = arith.constant 250 : i32
      %lt3A_120 = arith.cmpi slt, %add3A_118, %lt3A_119 : i32
      %convert_element_type3A_121 = arith.extui %lt3A_120 : i1 to i32
      %cond3A_122 = arith.constant 0 : i32
      %cond3A_123 = arith.cmpi ne, %convert_element_type3A_121, %cond3A_122 : i32
      scf.if %cond3A_123 {
        %mul3A_643 = arith.constant 40 : i32
        %mul3A_644 = arith.muli %add3A_118, %mul3A_643 : i32
        %dma_start3A_645 = arith.constant 0 : i32
        %dma_start3A_646 = arith.constant 0 : i32
        %dma_start3A_647 = tpu.memref_slice %run_scoped3A_4[%dma_start3A_645, %dma_start3A_646] : memref<80x128xf32, #tpu.memory_space<vmem>> -> memref<40x128xf32, #tpu.memory_space<vmem>>
        %dma_start3A_648 = arith.constant 0 : i32
        %dma_start3A_649 = tpu.memref_slice %arg7[%mul3A_644, %dma_start3A_648] : memref<10000x128xf32, #tpu.memory_space<vmem_shared>> -> memref<40x128xf32, #tpu.memory_space<vmem_shared>>
        %dma_start3A_650 = arith.constant 0 : i32
        %dma_start3A_651 = tpu.memref_slice %arg7[%mul3A_644, %dma_start3A_650] : memref<10000x128xf32, #tpu.memory_space<vmem_shared>> -> memref<40x128xf32, #tpu.memory_space<vmem_shared>>
        %dma_start3A_652 = arith.constant 0 : i32
        %dma_start3A_653 = arith.constant 0 : i32
        %dma_start3A_654 = tpu.memref_slice %run_scoped3A_4[%dma_start3A_652, %dma_start3A_653] : memref<80x128xf32, #tpu.memory_space<vmem>> -> memref<40x128xf32, #tpu.memory_space<vmem>>
        tpu.enqueue_dma source(%dma_start3A_654 : memref<40x128xf32, #tpu.memory_space<vmem>>) target(%dma_start3A_651 : memref<40x128xf32, #tpu.memory_space<vmem_shared>>) target_semaphore(%run_scoped3A_10 : memref<!tpu.dma_semaphore, #tpu.memory_space<semaphore_mem>>)
      } else {
      }
      %mul3A_124 = arith.constant 16 : i32
      %mul3A_125 = arith.muli %arg1, %mul3A_124 : i32
      %add3A_126 = arith.constant 10 : i32
      %add3A_127 = arith.addi %mul3A_125, %add3A_126 : i32
      %lt3A_128 = arith.constant 250 : i32
      %lt3A_129 = arith.cmpi slt, %add3A_127, %lt3A_128 : i32
      %convert_element_type3A_130 = arith.extui %lt3A_129 : i1 to i32
      %cond3A_131 = arith.constant 0 : i32
      %cond3A_132 = arith.cmpi ne, %convert_element_type3A_130, %cond3A_131 : i32
      scf.if %cond3A_132 {
        %mul3A_643 = arith.constant 40 : i32
        %mul3A_644 = arith.muli %add3A_127, %mul3A_643 : i32
        %dma_start3A_645 = arith.constant 0 : i32
        %dma_start3A_646 = arith.constant 0 : i32
        %dma_start3A_647 = tpu.memref_slice %run_scoped3A_4[%dma_start3A_645, %dma_start3A_646] : memref<80x128xf32, #tpu.memory_space<vmem>> -> memref<40x128xf32, #tpu.memory_space<vmem>>
        %dma_start3A_648 = arith.constant 0 : i32
        %dma_start3A_649 = tpu.memref_slice %arg7[%mul3A_644, %dma_start3A_648] : memref<10000x128xf32, #tpu.memory_space<vmem_shared>> -> memref<40x128xf32, #tpu.memory_space<vmem_shared>>
        %dma_start3A_650 = arith.constant 0 : i32
        %dma_start3A_651 = tpu.memref_slice %arg7[%mul3A_644, %dma_start3A_650] : memref<10000x128xf32, #tpu.memory_space<vmem_shared>> -> memref<40x128xf32, #tpu.memory_space<vmem_shared>>
        %dma_start3A_652 = arith.constant 0 : i32
        %dma_start3A_653 = arith.constant 0 : i32
        %dma_start3A_654 = tpu.memref_slice %run_scoped3A_4[%dma_start3A_652, %dma_start3A_653] : memref<80x128xf32, #tpu.memory_space<vmem>> -> memref<40x128xf32, #tpu.memory_space<vmem>>
        tpu.enqueue_dma source(%dma_start3A_654 : memref<40x128xf32, #tpu.memory_space<vmem>>) target(%dma_start3A_651 : memref<40x128xf32, #tpu.memory_space<vmem_shared>>) target_semaphore(%run_scoped3A_10 : memref<!tpu.dma_semaphore, #tpu.memory_space<semaphore_mem>>)
      } else {
      }
      %mul3A_133 = arith.constant 16 : i32
      %mul3A_134 = arith.muli %arg1, %mul3A_133 : i32
      %add3A_135 = arith.constant 11 : i32
      %add3A_136 = arith.addi %mul3A_134, %add3A_135 : i32
      %lt3A_137 = arith.constant 250 : i32
      %lt3A_138 = arith.cmpi slt, %add3A_136, %lt3A_137 : i32
      %convert_element_type3A_139 = arith.extui %lt3A_138 : i1 to i32
      %cond3A_140 = arith.constant 0 : i32
      %cond3A_141 = arith.cmpi ne, %convert_element_type3A_139, %cond3A_140 : i32
      scf.if %cond3A_141 {
        %mul3A_643 = arith.constant 40 : i32
        %mul3A_644 = arith.muli %add3A_136, %mul3A_643 : i32
        %dma_start3A_645 = arith.constant 0 : i32
        %dma_start3A_646 = arith.constant 0 : i32
        %dma_start3A_647 = tpu.memref_slice %run_scoped3A_4[%dma_start3A_645, %dma_start3A_646] : memref<80x128xf32, #tpu.memory_space<vmem>> -> memref<40x128xf32, #tpu.memory_space<vmem>>
        %dma_start3A_648 = arith.constant 0 : i32
        %dma_start3A_649 = tpu.memref_slice %arg7[%mul3A_644, %dma_start3A_648] : memref<10000x128xf32, #tpu.memory_space<vmem_shared>> -> memref<40x128xf32, #tpu.memory_space<vmem_shared>>
        %dma_start3A_650 = arith.constant 0 : i32
        %dma_start3A_651 = tpu.memref_slice %arg7[%mul3A_644, %dma_start3A_650] : memref<10000x128xf32, #tpu.memory_space<vmem_shared>> -> memref<40x128xf32, #tpu.memory_space<vmem_shared>>
        %dma_start3A_652 = arith.constant 0 : i32
        %dma_start3A_653 = arith.constant 0 : i32
        %dma_start3A_654 = tpu.memref_slice %run_scoped3A_4[%dma_start3A_652, %dma_start3A_653] : memref<80x128xf32, #tpu.memory_space<vmem>> -> memref<40x128xf32, #tpu.memory_space<vmem>>
        tpu.enqueue_dma source(%dma_start3A_654 : memref<40x128xf32, #tpu.memory_space<vmem>>) target(%dma_start3A_651 : memref<40x128xf32, #tpu.memory_space<vmem_shared>>) target_semaphore(%run_scoped3A_10 : memref<!tpu.dma_semaphore, #tpu.memory_space<semaphore_mem>>)
      } else {
      }
      %mul3A_142 = arith.constant 16 : i32
      %mul3A_143 = arith.muli %arg1, %mul3A_142 : i32
      %add3A_144 = arith.constant 12 : i32
      %add3A_145 = arith.addi %mul3A_143, %add3A_144 : i32
      %lt3A_146 = arith.constant 250 : i32
      %lt3A_147 = arith.cmpi slt, %add3A_145, %lt3A_146 : i32
      %convert_element_type3A_148 = arith.extui %lt3A_147 : i1 to i32
      %cond3A_149 = arith.constant 0 : i32
      %cond3A_150 = arith.cmpi ne, %convert_element_type3A_148, %cond3A_149 : i32
      scf.if %cond3A_150 {
        %mul3A_643 = arith.constant 40 : i32
        %mul3A_644 = arith.muli %add3A_145, %mul3A_643 : i32
        %dma_start3A_645 = arith.constant 0 : i32
        %dma_start3A_646 = arith.constant 0 : i32
        %dma_start3A_647 = tpu.memref_slice %run_scoped3A_4[%dma_start3A_645, %dma_start3A_646] : memref<80x128xf32, #tpu.memory_space<vmem>> -> memref<40x128xf32, #tpu.memory_space<vmem>>
        %dma_start3A_648 = arith.constant 0 : i32
        %dma_start3A_649 = tpu.memref_slice %arg7[%mul3A_644, %dma_start3A_648] : memref<10000x128xf32, #tpu.memory_space<vmem_shared>> -> memref<40x128xf32, #tpu.memory_space<vmem_shared>>
        %dma_start3A_650 = arith.constant 0 : i32
        %dma_start3A_651 = tpu.memref_slice %arg7[%mul3A_644, %dma_start3A_650] : memref<10000x128xf32, #tpu.memory_space<vmem_shared>> -> memref<40x128xf32, #tpu.memory_space<vmem_shared>>
        %dma_start3A_652 = arith.constant 0 : i32
        %dma_start3A_653 = arith.constant 0 : i32
        %dma_start3A_654 = tpu.memref_slice %run_scoped3A_4[%dma_start3A_652, %dma_start3A_653] : memref<80x128xf32, #tpu.memory_space<vmem>> -> memref<40x128xf32, #tpu.memory_space<vmem>>
        tpu.enqueue_dma source(%dma_start3A_654 : memref<40x128xf32, #tpu.memory_space<vmem>>) target(%dma_start3A_651 : memref<40x128xf32, #tpu.memory_space<vmem_shared>>) target_semaphore(%run_scoped3A_10 : memref<!tpu.dma_semaphore, #tpu.memory_space<semaphore_mem>>)
      } else {
      }
      %mul3A_151 = arith.constant 16 : i32
      %mul3A_152 = arith.muli %arg1, %mul3A_151 : i32
      %add3A_153 = arith.constant 13 : i32
      %add3A_154 = arith.addi %mul3A_152, %add3A_153 : i32
      %lt3A_155 = arith.constant 250 : i32
      %lt3A_156 = arith.cmpi slt, %add3A_154, %lt3A_155 : i32
      %convert_element_type3A_157 = arith.extui %lt3A_156 : i1 to i32
      %cond3A_158 = arith.constant 0 : i32
      %cond3A_159 = arith.cmpi ne, %convert_element_type3A_157, %cond3A_158 : i32
      scf.if %cond3A_159 {
        %mul3A_643 = arith.constant 40 : i32
        %mul3A_644 = arith.muli %add3A_154, %mul3A_643 : i32
        %dma_start3A_645 = arith.constant 0 : i32
        %dma_start3A_646 = arith.constant 0 : i32
        %dma_start3A_647 = tpu.memref_slice %run_scoped3A_4[%dma_start3A_645, %dma_start3A_646] : memref<80x128xf32, #tpu.memory_space<vmem>> -> memref<40x128xf32, #tpu.memory_space<vmem>>
        %dma_start3A_648 = arith.constant 0 : i32
        %dma_start3A_649 = tpu.memref_slice %arg7[%mul3A_644, %dma_start3A_648] : memref<10000x128xf32, #tpu.memory_space<vmem_shared>> -> memref<40x128xf32, #tpu.memory_space<vmem_shared>>
        %dma_start3A_650 = arith.constant 0 : i32
        %dma_start3A_651 = tpu.memref_slice %arg7[%mul3A_644, %dma_start3A_650] : memref<10000x128xf32, #tpu.memory_space<vmem_shared>> -> memref<40x128xf32, #tpu.memory_space<vmem_shared>>
        %dma_start3A_652 = arith.constant 0 : i32
        %dma_start3A_653 = arith.constant 0 : i32
        %dma_start3A_654 = tpu.memref_slice %run_scoped3A_4[%dma_start3A_652, %dma_start3A_653] : memref<80x128xf32, #tpu.memory_space<vmem>> -> memref<40x128xf32, #tpu.memory_space<vmem>>
        tpu.enqueue_dma source(%dma_start3A_654 : memref<40x128xf32, #tpu.memory_space<vmem>>) target(%dma_start3A_651 : memref<40x128xf32, #tpu.memory_space<vmem_shared>>) target_semaphore(%run_scoped3A_10 : memref<!tpu.dma_semaphore, #tpu.memory_space<semaphore_mem>>)
      } else {
      }
      %mul3A_160 = arith.constant 16 : i32
      %mul3A_161 = arith.muli %arg1, %mul3A_160 : i32
      %add3A_162 = arith.constant 14 : i32
      %add3A_163 = arith.addi %mul3A_161, %add3A_162 : i32
      %lt3A_164 = arith.constant 250 : i32
      %lt3A_165 = arith.cmpi slt, %add3A_163, %lt3A_164 : i32
      %convert_element_type3A_166 = arith.extui %lt3A_165 : i1 to i32
      %cond3A_167 = arith.constant 0 : i32
      %cond3A_168 = arith.cmpi ne, %convert_element_type3A_166, %cond3A_167 : i32
      scf.if %cond3A_168 {
        %mul3A_643 = arith.constant 40 : i32
        %mul3A_644 = arith.muli %add3A_163, %mul3A_643 : i32
        %dma_start3A_645 = arith.constant 0 : i32
        %dma_start3A_646 = arith.constant 0 : i32
        %dma_start3A_647 = tpu.memref_slice %run_scoped3A_4[%dma_start3A_645, %dma_start3A_646] : memref<80x128xf32, #tpu.memory_space<vmem>> -> memref<40x128xf32, #tpu.memory_space<vmem>>
        %dma_start3A_648 = arith.constant 0 : i32
        %dma_start3A_649 = tpu.memref_slice %arg7[%mul3A_644, %dma_start3A_648] : memref<10000x128xf32, #tpu.memory_space<vmem_shared>> -> memref<40x128xf32, #tpu.memory_space<vmem_shared>>
        %dma_start3A_650 = arith.constant 0 : i32
        %dma_start3A_651 = tpu.memref_slice %arg7[%mul3A_644, %dma_start3A_650] : memref<10000x128xf32, #tpu.memory_space<vmem_shared>> -> memref<40x128xf32, #tpu.memory_space<vmem_shared>>
        %dma_start3A_652 = arith.constant 0 : i32
        %dma_start3A_653 = arith.constant 0 : i32
        %dma_start3A_654 = tpu.memref_slice %run_scoped3A_4[%dma_start3A_652, %dma_start3A_653] : memref<80x128xf32, #tpu.memory_space<vmem>> -> memref<40x128xf32, #tpu.memory_space<vmem>>
        tpu.enqueue_dma source(%dma_start3A_654 : memref<40x128xf32, #tpu.memory_space<vmem>>) target(%dma_start3A_651 : memref<40x128xf32, #tpu.memory_space<vmem_shared>>) target_semaphore(%run_scoped3A_10 : memref<!tpu.dma_semaphore, #tpu.memory_space<semaphore_mem>>)
      } else {
      }
      %mul3A_169 = arith.constant 16 : i32
      %mul3A_170 = arith.muli %arg1, %mul3A_169 : i32
      %add3A_171 = arith.constant 15 : i32
      %add3A_172 = arith.addi %mul3A_170, %add3A_171 : i32
      %lt3A_173 = arith.constant 250 : i32
      %lt3A_174 = arith.cmpi slt, %add3A_172, %lt3A_173 : i32
      %convert_element_type3A_175 = arith.extui %lt3A_174 : i1 to i32
      %cond3A_176 = arith.constant 0 : i32
      %cond3A_177 = arith.cmpi ne, %convert_element_type3A_175, %cond3A_176 : i32
      scf.if %cond3A_177 {
        %mul3A_643 = arith.constant 40 : i32
        %mul3A_644 = arith.muli %add3A_172, %mul3A_643 : i32
        %dma_start3A_645 = arith.constant 0 : i32
        %dma_start3A_646 = arith.constant 0 : i32
        %dma_start3A_647 = tpu.memref_slice %run_scoped3A_4[%dma_start3A_645, %dma_start3A_646] : memref<80x128xf32, #tpu.memory_space<vmem>> -> memref<40x128xf32, #tpu.memory_space<vmem>>
        %dma_start3A_648 = arith.constant 0 : i32
        %dma_start3A_649 = tpu.memref_slice %arg7[%mul3A_644, %dma_start3A_648] : memref<10000x128xf32, #tpu.memory_space<vmem_shared>> -> memref<40x128xf32, #tpu.memory_space<vmem_shared>>
        %dma_start3A_650 = arith.constant 0 : i32
        %dma_start3A_651 = tpu.memref_slice %arg7[%mul3A_644, %dma_start3A_650] : memref<10000x128xf32, #tpu.memory_space<vmem_shared>> -> memref<40x128xf32, #tpu.memory_space<vmem_shared>>
        %dma_start3A_652 = arith.constant 0 : i32
        %dma_start3A_653 = arith.constant 0 : i32
        %dma_start3A_654 = tpu.memref_slice %run_scoped3A_4[%dma_start3A_652, %dma_start3A_653] : memref<80x128xf32, #tpu.memory_space<vmem>> -> memref<40x128xf32, #tpu.memory_space<vmem>>
        tpu.enqueue_dma source(%dma_start3A_654 : memref<40x128xf32, #tpu.memory_space<vmem>>) target(%dma_start3A_651 : memref<40x128xf32, #tpu.memory_space<vmem_shared>>) target_semaphore(%run_scoped3A_10 : memref<!tpu.dma_semaphore, #tpu.memory_space<semaphore_mem>>)
      } else {
      }
      %mul3A_178 = arith.constant 16 : i32
      %mul3A_179 = arith.muli %arg1, %mul3A_178 : i32
      %add3A_180 = arith.constant 0 : i32
      %add3A_181 = arith.addi %mul3A_179, %add3A_180 : i32
      %lt3A_182 = arith.constant 250 : i32
      %lt3A_183 = arith.cmpi slt, %add3A_181, %lt3A_182 : i32
      %convert_element_type3A_184 = arith.extui %lt3A_183 : i1 to i32
      %cond3A_185 = arith.constant 0 : i32
      %cond3A_186 = arith.cmpi ne, %convert_element_type3A_184, %cond3A_185 : i32
      scf.if %cond3A_186 {
        %mul3A_643 = arith.constant 40 : i32
        %mul3A_644 = arith.muli %add3A_181, %mul3A_643 : i32
        %dma_wait3A_645 = arith.constant 0 : i32
        %dma_wait3A_646 = arith.constant 0 : i32
        %dma_wait3A_647 = tpu.memref_slice %run_scoped3A_4[%dma_wait3A_645, %dma_wait3A_646] : memref<80x128xf32, #tpu.memory_space<vmem>> -> memref<40x128xf32, #tpu.memory_space<vmem>>
        %dma_wait3A_648 = arith.constant 0 : i32
        %dma_wait3A_649 = tpu.memref_slice %arg7[%mul3A_644, %dma_wait3A_648] : memref<10000x128xf32, #tpu.memory_space<vmem_shared>> -> memref<40x128xf32, #tpu.memory_space<vmem_shared>>
        %dma_wait3A_650 = arith.constant 0 : i32
        %dma_wait3A_651 = tpu.memref_slice %arg7[%mul3A_644, %dma_wait3A_650] : memref<10000x128xf32, #tpu.memory_space<vmem_shared>> -> memref<40x128xf32, #tpu.memory_space<vmem_shared>>
        %dma_wait3A_652 = arith.constant 0 : i32
        %dma_wait3A_653 = arith.constant 0 : i32
        %dma_wait3A_654 = tpu.memref_slice %run_scoped3A_4[%dma_wait3A_652, %dma_wait3A_653] : memref<80x128xf32, #tpu.memory_space<vmem>> -> memref<40x128xf32, #tpu.memory_space<vmem>>
        tpu.wait_dma2 semaphore(%run_scoped3A_10 : memref<!tpu.dma_semaphore, #tpu.memory_space<semaphore_mem>>) src(%dma_wait3A_654 : memref<40x128xf32, #tpu.memory_space<vmem>>) dst(%dma_wait3A_651 : memref<40x128xf32, #tpu.memory_space<vmem_shared>>)
      } else {
      }
      %mul3A_187 = arith.constant 16 : i32
      %mul3A_188 = arith.muli %arg1, %mul3A_187 : i32
      %add3A_189 = arith.constant 1 : i32
      %add3A_190 = arith.addi %mul3A_188, %add3A_189 : i32
      %lt3A_191 = arith.constant 250 : i32
      %lt3A_192 = arith.cmpi slt, %add3A_190, %lt3A_191 : i32
      %convert_element_type3A_193 = arith.extui %lt3A_192 : i1 to i32
      %cond3A_194 = arith.constant 0 : i32
      %cond3A_195 = arith.cmpi ne, %convert_element_type3A_193, %cond3A_194 : i32
      scf.if %cond3A_195 {
        %mul3A_643 = arith.constant 40 : i32
        %mul3A_644 = arith.muli %add3A_190, %mul3A_643 : i32
        %dma_wait3A_645 = arith.constant 0 : i32
        %dma_wait3A_646 = arith.constant 0 : i32
        %dma_wait3A_647 = tpu.memref_slice %run_scoped3A_4[%dma_wait3A_645, %dma_wait3A_646] : memref<80x128xf32, #tpu.memory_space<vmem>> -> memref<40x128xf32, #tpu.memory_space<vmem>>
        %dma_wait3A_648 = arith.constant 0 : i32
        %dma_wait3A_649 = tpu.memref_slice %arg7[%mul3A_644, %dma_wait3A_648] : memref<10000x128xf32, #tpu.memory_space<vmem_shared>> -> memref<40x128xf32, #tpu.memory_space<vmem_shared>>
        %dma_wait3A_650 = arith.constant 0 : i32
        %dma_wait3A_651 = tpu.memref_slice %arg7[%mul3A_644, %dma_wait3A_650] : memref<10000x128xf32, #tpu.memory_space<vmem_shared>> -> memref<40x128xf32, #tpu.memory_space<vmem_shared>>
        %dma_wait3A_652 = arith.constant 0 : i32
        %dma_wait3A_653 = arith.constant 0 : i32
        %dma_wait3A_654 = tpu.memref_slice %run_scoped3A_4[%dma_wait3A_652, %dma_wait3A_653] : memref<80x128xf32, #tpu.memory_space<vmem>> -> memref<40x128xf32, #tpu.memory_space<vmem>>
        tpu.wait_dma2 semaphore(%run_scoped3A_10 : memref<!tpu.dma_semaphore, #tpu.memory_space<semaphore_mem>>) src(%dma_wait3A_654 : memref<40x128xf32, #tpu.memory_space<vmem>>) dst(%dma_wait3A_651 : memref<40x128xf32, #tpu.memory_space<vmem_shared>>)
      } else {
      }
      %mul3A_196 = arith.constant 16 : i32
      %mul3A_197 = arith.muli %arg1, %mul3A_196 : i32
      %add3A_198 = arith.constant 2 : i32
      %add3A_199 = arith.addi %mul3A_197, %add3A_198 : i32
      %lt3A_200 = arith.constant 250 : i32
      %lt3A_201 = arith.cmpi slt, %add3A_199, %lt3A_200 : i32
      %convert_element_type3A_202 = arith.extui %lt3A_201 : i1 to i32
      %cond3A_203 = arith.constant 0 : i32
      %cond3A_204 = arith.cmpi ne, %convert_element_type3A_202, %cond3A_203 : i32
      scf.if %cond3A_204 {
        %mul3A_643 = arith.constant 40 : i32
        %mul3A_644 = arith.muli %add3A_199, %mul3A_643 : i32
        %dma_wait3A_645 = arith.constant 0 : i32
        %dma_wait3A_646 = arith.constant 0 : i32
        %dma_wait3A_647 = tpu.memref_slice %run_scoped3A_4[%dma_wait3A_645, %dma_wait3A_646] : memref<80x128xf32, #tpu.memory_space<vmem>> -> memref<40x128xf32, #tpu.memory_space<vmem>>
        %dma_wait3A_648 = arith.constant 0 : i32
        %dma_wait3A_649 = tpu.memref_slice %arg7[%mul3A_644, %dma_wait3A_648] : memref<10000x128xf32, #tpu.memory_space<vmem_shared>> -> memref<40x128xf32, #tpu.memory_space<vmem_shared>>
        %dma_wait3A_650 = arith.constant 0 : i32
        %dma_wait3A_651 = tpu.memref_slice %arg7[%mul3A_644, %dma_wait3A_650] : memref<10000x128xf32, #tpu.memory_space<vmem_shared>> -> memref<40x128xf32, #tpu.memory_space<vmem_shared>>
        %dma_wait3A_652 = arith.constant 0 : i32
        %dma_wait3A_653 = arith.constant 0 : i32
        %dma_wait3A_654 = tpu.memref_slice %run_scoped3A_4[%dma_wait3A_652, %dma_wait3A_653] : memref<80x128xf32, #tpu.memory_space<vmem>> -> memref<40x128xf32, #tpu.memory_space<vmem>>
        tpu.wait_dma2 semaphore(%run_scoped3A_10 : memref<!tpu.dma_semaphore, #tpu.memory_space<semaphore_mem>>) src(%dma_wait3A_654 : memref<40x128xf32, #tpu.memory_space<vmem>>) dst(%dma_wait3A_651 : memref<40x128xf32, #tpu.memory_space<vmem_shared>>)
      } else {
      }
      %mul3A_205 = arith.constant 16 : i32
      %mul3A_206 = arith.muli %arg1, %mul3A_205 : i32
      %add3A_207 = arith.constant 3 : i32
      %add3A_208 = arith.addi %mul3A_206, %add3A_207 : i32
      %lt3A_209 = arith.constant 250 : i32
      %lt3A_210 = arith.cmpi slt, %add3A_208, %lt3A_209 : i32
      %convert_element_type3A_211 = arith.extui %lt3A_210 : i1 to i32
      %cond3A_212 = arith.constant 0 : i32
      %cond3A_213 = arith.cmpi ne, %convert_element_type3A_211, %cond3A_212 : i32
      scf.if %cond3A_213 {
        %mul3A_643 = arith.constant 40 : i32
        %mul3A_644 = arith.muli %add3A_208, %mul3A_643 : i32
        %dma_wait3A_645 = arith.constant 0 : i32
        %dma_wait3A_646 = arith.constant 0 : i32
        %dma_wait3A_647 = tpu.memref_slice %run_scoped3A_4[%dma_wait3A_645, %dma_wait3A_646] : memref<80x128xf32, #tpu.memory_space<vmem>> -> memref<40x128xf32, #tpu.memory_space<vmem>>
        %dma_wait3A_648 = arith.constant 0 : i32
        %dma_wait3A_649 = tpu.memref_slice %arg7[%mul3A_644, %dma_wait3A_648] : memref<10000x128xf32, #tpu.memory_space<vmem_shared>> -> memref<40x128xf32, #tpu.memory_space<vmem_shared>>
        %dma_wait3A_650 = arith.constant 0 : i32
        %dma_wait3A_651 = tpu.memref_slice %arg7[%mul3A_644, %dma_wait3A_650] : memref<10000x128xf32, #tpu.memory_space<vmem_shared>> -> memref<40x128xf32, #tpu.memory_space<vmem_shared>>
        %dma_wait3A_652 = arith.constant 0 : i32
        %dma_wait3A_653 = arith.constant 0 : i32
        %dma_wait3A_654 = tpu.memref_slice %run_scoped3A_4[%dma_wait3A_652, %dma_wait3A_653] : memref<80x128xf32, #tpu.memory_space<vmem>> -> memref<40x128xf32, #tpu.memory_space<vmem>>
        tpu.wait_dma2 semaphore(%run_scoped3A_10 : memref<!tpu.dma_semaphore, #tpu.memory_space<semaphore_mem>>) src(%dma_wait3A_654 : memref<40x128xf32, #tpu.memory_space<vmem>>) dst(%dma_wait3A_651 : memref<40x128xf32, #tpu.memory_space<vmem_shared>>)
      } else {
      }
      %mul3A_214 = arith.constant 16 : i32
      %mul3A_215 = arith.muli %arg1, %mul3A_214 : i32
      %add3A_216 = arith.constant 4 : i32
      %add3A_217 = arith.addi %mul3A_215, %add3A_216 : i32
      %lt3A_218 = arith.constant 250 : i32
      %lt3A_219 = arith.cmpi slt, %add3A_217, %lt3A_218 : i32
      %convert_element_type3A_220 = arith.extui %lt3A_219 : i1 to i32
      %cond3A_221 = arith.constant 0 : i32
      %cond3A_222 = arith.cmpi ne, %convert_element_type3A_220, %cond3A_221 : i32
      scf.if %cond3A_222 {
        %mul3A_643 = arith.constant 40 : i32
        %mul3A_644 = arith.muli %add3A_217, %mul3A_643 : i32
        %dma_wait3A_645 = arith.constant 0 : i32
        %dma_wait3A_646 = arith.constant 0 : i32
        %dma_wait3A_647 = tpu.memref_slice %run_scoped3A_4[%dma_wait3A_645, %dma_wait3A_646] : memref<80x128xf32, #tpu.memory_space<vmem>> -> memref<40x128xf32, #tpu.memory_space<vmem>>
        %dma_wait3A_648 = arith.constant 0 : i32
        %dma_wait3A_649 = tpu.memref_slice %arg7[%mul3A_644, %dma_wait3A_648] : memref<10000x128xf32, #tpu.memory_space<vmem_shared>> -> memref<40x128xf32, #tpu.memory_space<vmem_shared>>
        %dma_wait3A_650 = arith.constant 0 : i32
        %dma_wait3A_651 = tpu.memref_slice %arg7[%mul3A_644, %dma_wait3A_650] : memref<10000x128xf32, #tpu.memory_space<vmem_shared>> -> memref<40x128xf32, #tpu.memory_space<vmem_shared>>
        %dma_wait3A_652 = arith.constant 0 : i32
        %dma_wait3A_653 = arith.constant 0 : i32
        %dma_wait3A_654 = tpu.memref_slice %run_scoped3A_4[%dma_wait3A_652, %dma_wait3A_653] : memref<80x128xf32, #tpu.memory_space<vmem>> -> memref<40x128xf32, #tpu.memory_space<vmem>>
        tpu.wait_dma2 semaphore(%run_scoped3A_10 : memref<!tpu.dma_semaphore, #tpu.memory_space<semaphore_mem>>) src(%dma_wait3A_654 : memref<40x128xf32, #tpu.memory_space<vmem>>) dst(%dma_wait3A_651 : memref<40x128xf32, #tpu.memory_space<vmem_shared>>)
      } else {
      }
      %mul3A_223 = arith.constant 16 : i32
      %mul3A_224 = arith.muli %arg1, %mul3A_223 : i32
      %add3A_225 = arith.constant 5 : i32
      %add3A_226 = arith.addi %mul3A_224, %add3A_225 : i32
      %lt3A_227 = arith.constant 250 : i32
      %lt3A_228 = arith.cmpi slt, %add3A_226, %lt3A_227 : i32
      %convert_element_type3A_229 = arith.extui %lt3A_228 : i1 to i32
      %cond3A_230 = arith.constant 0 : i32
      %cond3A_231 = arith.cmpi ne, %convert_element_type3A_229, %cond3A_230 : i32
      scf.if %cond3A_231 {
        %mul3A_643 = arith.constant 40 : i32
        %mul3A_644 = arith.muli %add3A_226, %mul3A_643 : i32
        %dma_wait3A_645 = arith.constant 0 : i32
        %dma_wait3A_646 = arith.constant 0 : i32
        %dma_wait3A_647 = tpu.memref_slice %run_scoped3A_4[%dma_wait3A_645, %dma_wait3A_646] : memref<80x128xf32, #tpu.memory_space<vmem>> -> memref<40x128xf32, #tpu.memory_space<vmem>>
        %dma_wait3A_648 = arith.constant 0 : i32
        %dma_wait3A_649 = tpu.memref_slice %arg7[%mul3A_644, %dma_wait3A_648] : memref<10000x128xf32, #tpu.memory_space<vmem_shared>> -> memref<40x128xf32, #tpu.memory_space<vmem_shared>>
        %dma_wait3A_650 = arith.constant 0 : i32
        %dma_wait3A_651 = tpu.memref_slice %arg7[%mul3A_644, %dma_wait3A_650] : memref<10000x128xf32, #tpu.memory_space<vmem_shared>> -> memref<40x128xf32, #tpu.memory_space<vmem_shared>>
        %dma_wait3A_652 = arith.constant 0 : i32
        %dma_wait3A_653 = arith.constant 0 : i32
        %dma_wait3A_654 = tpu.memref_slice %run_scoped3A_4[%dma_wait3A_652, %dma_wait3A_653] : memref<80x128xf32, #tpu.memory_space<vmem>> -> memref<40x128xf32, #tpu.memory_space<vmem>>
        tpu.wait_dma2 semaphore(%run_scoped3A_10 : memref<!tpu.dma_semaphore, #tpu.memory_space<semaphore_mem>>) src(%dma_wait3A_654 : memref<40x128xf32, #tpu.memory_space<vmem>>) dst(%dma_wait3A_651 : memref<40x128xf32, #tpu.memory_space<vmem_shared>>)
      } else {
      }
      %mul3A_232 = arith.constant 16 : i32
      %mul3A_233 = arith.muli %arg1, %mul3A_232 : i32
      %add3A_234 = arith.constant 6 : i32
      %add3A_235 = arith.addi %mul3A_233, %add3A_234 : i32
      %lt3A_236 = arith.constant 250 : i32
      %lt3A_237 = arith.cmpi slt, %add3A_235, %lt3A_236 : i32
      %convert_element_type3A_238 = arith.extui %lt3A_237 : i1 to i32
      %cond3A_239 = arith.constant 0 : i32
      %cond3A_240 = arith.cmpi ne, %convert_element_type3A_238, %cond3A_239 : i32
      scf.if %cond3A_240 {
        %mul3A_643 = arith.constant 40 : i32
        %mul3A_644 = arith.muli %add3A_235, %mul3A_643 : i32
        %dma_wait3A_645 = arith.constant 0 : i32
        %dma_wait3A_646 = arith.constant 0 : i32
        %dma_wait3A_647 = tpu.memref_slice %run_scoped3A_4[%dma_wait3A_645, %dma_wait3A_646] : memref<80x128xf32, #tpu.memory_space<vmem>> -> memref<40x128xf32, #tpu.memory_space<vmem>>
        %dma_wait3A_648 = arith.constant 0 : i32
        %dma_wait3A_649 = tpu.memref_slice %arg7[%mul3A_644, %dma_wait3A_648] : memref<10000x128xf32, #tpu.memory_space<vmem_shared>> -> memref<40x128xf32, #tpu.memory_space<vmem_shared>>
        %dma_wait3A_650 = arith.constant 0 : i32
        %dma_wait3A_651 = tpu.memref_slice %arg7[%mul3A_644, %dma_wait3A_650] : memref<10000x128xf32, #tpu.memory_space<vmem_shared>> -> memref<40x128xf32, #tpu.memory_space<vmem_shared>>
        %dma_wait3A_652 = arith.constant 0 : i32
        %dma_wait3A_653 = arith.constant 0 : i32
        %dma_wait3A_654 = tpu.memref_slice %run_scoped3A_4[%dma_wait3A_652, %dma_wait3A_653] : memref<80x128xf32, #tpu.memory_space<vmem>> -> memref<40x128xf32, #tpu.memory_space<vmem>>
        tpu.wait_dma2 semaphore(%run_scoped3A_10 : memref<!tpu.dma_semaphore, #tpu.memory_space<semaphore_mem>>) src(%dma_wait3A_654 : memref<40x128xf32, #tpu.memory_space<vmem>>) dst(%dma_wait3A_651 : memref<40x128xf32, #tpu.memory_space<vmem_shared>>)
      } else {
      }
      %mul3A_241 = arith.constant 16 : i32
      %mul3A_242 = arith.muli %arg1, %mul3A_241 : i32
      %add3A_243 = arith.constant 7 : i32
      %add3A_244 = arith.addi %mul3A_242, %add3A_243 : i32
      %lt3A_245 = arith.constant 250 : i32
      %lt3A_246 = arith.cmpi slt, %add3A_244, %lt3A_245 : i32
      %convert_element_type3A_247 = arith.extui %lt3A_246 : i1 to i32
      %cond3A_248 = arith.constant 0 : i32
      %cond3A_249 = arith.cmpi ne, %convert_element_type3A_247, %cond3A_248 : i32
      scf.if %cond3A_249 {
        %mul3A_643 = arith.constant 40 : i32
        %mul3A_644 = arith.muli %add3A_244, %mul3A_643 : i32
        %dma_wait3A_645 = arith.constant 0 : i32
        %dma_wait3A_646 = arith.constant 0 : i32
        %dma_wait3A_647 = tpu.memref_slice %run_scoped3A_4[%dma_wait3A_645, %dma_wait3A_646] : memref<80x128xf32, #tpu.memory_space<vmem>> -> memref<40x128xf32, #tpu.memory_space<vmem>>
        %dma_wait3A_648 = arith.constant 0 : i32
        %dma_wait3A_649 = tpu.memref_slice %arg7[%mul3A_644, %dma_wait3A_648] : memref<10000x128xf32, #tpu.memory_space<vmem_shared>> -> memref<40x128xf32, #tpu.memory_space<vmem_shared>>
        %dma_wait3A_650 = arith.constant 0 : i32
        %dma_wait3A_651 = tpu.memref_slice %arg7[%mul3A_644, %dma_wait3A_650] : memref<10000x128xf32, #tpu.memory_space<vmem_shared>> -> memref<40x128xf32, #tpu.memory_space<vmem_shared>>
        %dma_wait3A_652 = arith.constant 0 : i32
        %dma_wait3A_653 = arith.constant 0 : i32
        %dma_wait3A_654 = tpu.memref_slice %run_scoped3A_4[%dma_wait3A_652, %dma_wait3A_653] : memref<80x128xf32, #tpu.memory_space<vmem>> -> memref<40x128xf32, #tpu.memory_space<vmem>>
        tpu.wait_dma2 semaphore(%run_scoped3A_10 : memref<!tpu.dma_semaphore, #tpu.memory_space<semaphore_mem>>) src(%dma_wait3A_654 : memref<40x128xf32, #tpu.memory_space<vmem>>) dst(%dma_wait3A_651 : memref<40x128xf32, #tpu.memory_space<vmem_shared>>)
      } else {
      }
      %mul3A_250 = arith.constant 16 : i32
      %mul3A_251 = arith.muli %arg1, %mul3A_250 : i32
      %add3A_252 = arith.constant 8 : i32
      %add3A_253 = arith.addi %mul3A_251, %add3A_252 : i32
      %lt3A_254 = arith.constant 250 : i32
      %lt3A_255 = arith.cmpi slt, %add3A_253, %lt3A_254 : i32
      %convert_element_type3A_256 = arith.extui %lt3A_255 : i1 to i32
      %cond3A_257 = arith.constant 0 : i32
      %cond3A_258 = arith.cmpi ne, %convert_element_type3A_256, %cond3A_257 : i32
      scf.if %cond3A_258 {
        %mul3A_643 = arith.constant 40 : i32
        %mul3A_644 = arith.muli %add3A_253, %mul3A_643 : i32
        %dma_wait3A_645 = arith.constant 0 : i32
        %dma_wait3A_646 = arith.constant 0 : i32
        %dma_wait3A_647 = tpu.memref_slice %run_scoped3A_4[%dma_wait3A_645, %dma_wait3A_646] : memref<80x128xf32, #tpu.memory_space<vmem>> -> memref<40x128xf32, #tpu.memory_space<vmem>>
        %dma_wait3A_648 = arith.constant 0 : i32
        %dma_wait3A_649 = tpu.memref_slice %arg7[%mul3A_644, %dma_wait3A_648] : memref<10000x128xf32, #tpu.memory_space<vmem_shared>> -> memref<40x128xf32, #tpu.memory_space<vmem_shared>>
        %dma_wait3A_650 = arith.constant 0 : i32
        %dma_wait3A_651 = tpu.memref_slice %arg7[%mul3A_644, %dma_wait3A_650] : memref<10000x128xf32, #tpu.memory_space<vmem_shared>> -> memref<40x128xf32, #tpu.memory_space<vmem_shared>>
        %dma_wait3A_652 = arith.constant 0 : i32
        %dma_wait3A_653 = arith.constant 0 : i32
        %dma_wait3A_654 = tpu.memref_slice %run_scoped3A_4[%dma_wait3A_652, %dma_wait3A_653] : memref<80x128xf32, #tpu.memory_space<vmem>> -> memref<40x128xf32, #tpu.memory_space<vmem>>
        tpu.wait_dma2 semaphore(%run_scoped3A_10 : memref<!tpu.dma_semaphore, #tpu.memory_space<semaphore_mem>>) src(%dma_wait3A_654 : memref<40x128xf32, #tpu.memory_space<vmem>>) dst(%dma_wait3A_651 : memref<40x128xf32, #tpu.memory_space<vmem_shared>>)
      } else {
      }
      %mul3A_259 = arith.constant 16 : i32
      %mul3A_260 = arith.muli %arg1, %mul3A_259 : i32
      %add3A_261 = arith.constant 9 : i32
      %add3A_262 = arith.addi %mul3A_260, %add3A_261 : i32
      %lt3A_263 = arith.constant 250 : i32
      %lt3A_264 = arith.cmpi slt, %add3A_262, %lt3A_263 : i32
      %convert_element_type3A_265 = arith.extui %lt3A_264 : i1 to i32
      %cond3A_266 = arith.constant 0 : i32
      %cond3A_267 = arith.cmpi ne, %convert_element_type3A_265, %cond3A_266 : i32
      scf.if %cond3A_267 {
        %mul3A_643 = arith.constant 40 : i32
        %mul3A_644 = arith.muli %add3A_262, %mul3A_643 : i32
        %dma_wait3A_645 = arith.constant 0 : i32
        %dma_wait3A_646 = arith.constant 0 : i32
        %dma_wait3A_647 = tpu.memref_slice %run_scoped3A_4[%dma_wait3A_645, %dma_wait3A_646] : memref<80x128xf32, #tpu.memory_space<vmem>> -> memref<40x128xf32, #tpu.memory_space<vmem>>
        %dma_wait3A_648 = arith.constant 0 : i32
        %dma_wait3A_649 = tpu.memref_slice %arg7[%mul3A_644, %dma_wait3A_648] : memref<10000x128xf32, #tpu.memory_space<vmem_shared>> -> memref<40x128xf32, #tpu.memory_space<vmem_shared>>
        %dma_wait3A_650 = arith.constant 0 : i32
        %dma_wait3A_651 = tpu.memref_slice %arg7[%mul3A_644, %dma_wait3A_650] : memref<10000x128xf32, #tpu.memory_space<vmem_shared>> -> memref<40x128xf32, #tpu.memory_space<vmem_shared>>
        %dma_wait3A_652 = arith.constant 0 : i32
        %dma_wait3A_653 = arith.constant 0 : i32
        %dma_wait3A_654 = tpu.memref_slice %run_scoped3A_4[%dma_wait3A_652, %dma_wait3A_653] : memref<80x128xf32, #tpu.memory_space<vmem>> -> memref<40x128xf32, #tpu.memory_space<vmem>>
        tpu.wait_dma2 semaphore(%run_scoped3A_10 : memref<!tpu.dma_semaphore, #tpu.memory_space<semaphore_mem>>) src(%dma_wait3A_654 : memref<40x128xf32, #tpu.memory_space<vmem>>) dst(%dma_wait3A_651 : memref<40x128xf32, #tpu.memory_space<vmem_shared>>)
      } else {
      }
      %mul3A_268 = arith.constant 16 : i32
      %mul3A_269 = arith.muli %arg1, %mul3A_268 : i32
      %add3A_270 = arith.constant 10 : i32
      %add3A_271 = arith.addi %mul3A_269, %add3A_270 : i32
      %lt3A_272 = arith.constant 250 : i32
      %lt3A_273 = arith.cmpi slt, %add3A_271, %lt3A_272 : i32
      %convert_element_type3A_274 = arith.extui %lt3A_273 : i1 to i32
      %cond3A_275 = arith.constant 0 : i32
      %cond3A_276 = arith.cmpi ne, %convert_element_type3A_274, %cond3A_275 : i32
      scf.if %cond3A_276 {
        %mul3A_643 = arith.constant 40 : i32
        %mul3A_644 = arith.muli %add3A_271, %mul3A_643 : i32
        %dma_wait3A_645 = arith.constant 0 : i32
        %dma_wait3A_646 = arith.constant 0 : i32
        %dma_wait3A_647 = tpu.memref_slice %run_scoped3A_4[%dma_wait3A_645, %dma_wait3A_646] : memref<80x128xf32, #tpu.memory_space<vmem>> -> memref<40x128xf32, #tpu.memory_space<vmem>>
        %dma_wait3A_648 = arith.constant 0 : i32
        %dma_wait3A_649 = tpu.memref_slice %arg7[%mul3A_644, %dma_wait3A_648] : memref<10000x128xf32, #tpu.memory_space<vmem_shared>> -> memref<40x128xf32, #tpu.memory_space<vmem_shared>>
        %dma_wait3A_650 = arith.constant 0 : i32
        %dma_wait3A_651 = tpu.memref_slice %arg7[%mul3A_644, %dma_wait3A_650] : memref<10000x128xf32, #tpu.memory_space<vmem_shared>> -> memref<40x128xf32, #tpu.memory_space<vmem_shared>>
        %dma_wait3A_652 = arith.constant 0 : i32
        %dma_wait3A_653 = arith.constant 0 : i32
        %dma_wait3A_654 = tpu.memref_slice %run_scoped3A_4[%dma_wait3A_652, %dma_wait3A_653] : memref<80x128xf32, #tpu.memory_space<vmem>> -> memref<40x128xf32, #tpu.memory_space<vmem>>
        tpu.wait_dma2 semaphore(%run_scoped3A_10 : memref<!tpu.dma_semaphore, #tpu.memory_space<semaphore_mem>>) src(%dma_wait3A_654 : memref<40x128xf32, #tpu.memory_space<vmem>>) dst(%dma_wait3A_651 : memref<40x128xf32, #tpu.memory_space<vmem_shared>>)
      } else {
      }
      %mul3A_277 = arith.constant 16 : i32
      %mul3A_278 = arith.muli %arg1, %mul3A_277 : i32
      %add3A_279 = arith.constant 11 : i32
      %add3A_280 = arith.addi %mul3A_278, %add3A_279 : i32
      %lt3A_281 = arith.constant 250 : i32
      %lt3A_282 = arith.cmpi slt, %add3A_280, %lt3A_281 : i32
      %convert_element_type3A_283 = arith.extui %lt3A_282 : i1 to i32
      %cond3A_284 = arith.constant 0 : i32
      %cond3A_285 = arith.cmpi ne, %convert_element_type3A_283, %cond3A_284 : i32
      scf.if %cond3A_285 {
        %mul3A_643 = arith.constant 40 : i32
        %mul3A_644 = arith.muli %add3A_280, %mul3A_643 : i32
        %dma_wait3A_645 = arith.constant 0 : i32
        %dma_wait3A_646 = arith.constant 0 : i32
        %dma_wait3A_647 = tpu.memref_slice %run_scoped3A_4[%dma_wait3A_645, %dma_wait3A_646] : memref<80x128xf32, #tpu.memory_space<vmem>> -> memref<40x128xf32, #tpu.memory_space<vmem>>
        %dma_wait3A_648 = arith.constant 0 : i32
        %dma_wait3A_649 = tpu.memref_slice %arg7[%mul3A_644, %dma_wait3A_648] : memref<10000x128xf32, #tpu.memory_space<vmem_shared>> -> memref<40x128xf32, #tpu.memory_space<vmem_shared>>
        %dma_wait3A_650 = arith.constant 0 : i32
        %dma_wait3A_651 = tpu.memref_slice %arg7[%mul3A_644, %dma_wait3A_650] : memref<10000x128xf32, #tpu.memory_space<vmem_shared>> -> memref<40x128xf32, #tpu.memory_space<vmem_shared>>
        %dma_wait3A_652 = arith.constant 0 : i32
        %dma_wait3A_653 = arith.constant 0 : i32
        %dma_wait3A_654 = tpu.memref_slice %run_scoped3A_4[%dma_wait3A_652, %dma_wait3A_653] : memref<80x128xf32, #tpu.memory_space<vmem>> -> memref<40x128xf32, #tpu.memory_space<vmem>>
        tpu.wait_dma2 semaphore(%run_scoped3A_10 : memref<!tpu.dma_semaphore, #tpu.memory_space<semaphore_mem>>) src(%dma_wait3A_654 : memref<40x128xf32, #tpu.memory_space<vmem>>) dst(%dma_wait3A_651 : memref<40x128xf32, #tpu.memory_space<vmem_shared>>)
      } else {
      }
      %mul3A_286 = arith.constant 16 : i32
      %mul3A_287 = arith.muli %arg1, %mul3A_286 : i32
      %add3A_288 = arith.constant 12 : i32
      %add3A_289 = arith.addi %mul3A_287, %add3A_288 : i32
      %lt3A_290 = arith.constant 250 : i32
      %lt3A_291 = arith.cmpi slt, %add3A_289, %lt3A_290 : i32
      %convert_element_type3A_292 = arith.extui %lt3A_291 : i1 to i32
      %cond3A_293 = arith.constant 0 : i32
      %cond3A_294 = arith.cmpi ne, %convert_element_type3A_292, %cond3A_293 : i32
      scf.if %cond3A_294 {
        %mul3A_643 = arith.constant 40 : i32
        %mul3A_644 = arith.muli %add3A_289, %mul3A_643 : i32
        %dma_wait3A_645 = arith.constant 0 : i32
        %dma_wait3A_646 = arith.constant 0 : i32
        %dma_wait3A_647 = tpu.memref_slice %run_scoped3A_4[%dma_wait3A_645, %dma_wait3A_646] : memref<80x128xf32, #tpu.memory_space<vmem>> -> memref<40x128xf32, #tpu.memory_space<vmem>>
        %dma_wait3A_648 = arith.constant 0 : i32
        %dma_wait3A_649 = tpu.memref_slice %arg7[%mul3A_644, %dma_wait3A_648] : memref<10000x128xf32, #tpu.memory_space<vmem_shared>> -> memref<40x128xf32, #tpu.memory_space<vmem_shared>>
        %dma_wait3A_650 = arith.constant 0 : i32
        %dma_wait3A_651 = tpu.memref_slice %arg7[%mul3A_644, %dma_wait3A_650] : memref<10000x128xf32, #tpu.memory_space<vmem_shared>> -> memref<40x128xf32, #tpu.memory_space<vmem_shared>>
        %dma_wait3A_652 = arith.constant 0 : i32
        %dma_wait3A_653 = arith.constant 0 : i32
        %dma_wait3A_654 = tpu.memref_slice %run_scoped3A_4[%dma_wait3A_652, %dma_wait3A_653] : memref<80x128xf32, #tpu.memory_space<vmem>> -> memref<40x128xf32, #tpu.memory_space<vmem>>
        tpu.wait_dma2 semaphore(%run_scoped3A_10 : memref<!tpu.dma_semaphore, #tpu.memory_space<semaphore_mem>>) src(%dma_wait3A_654 : memref<40x128xf32, #tpu.memory_space<vmem>>) dst(%dma_wait3A_651 : memref<40x128xf32, #tpu.memory_space<vmem_shared>>)
      } else {
      }
      %mul3A_295 = arith.constant 16 : i32
      %mul3A_296 = arith.muli %arg1, %mul3A_295 : i32
      %add3A_297 = arith.constant 13 : i32
      %add3A_298 = arith.addi %mul3A_296, %add3A_297 : i32
      %lt3A_299 = arith.constant 250 : i32
      %lt3A_300 = arith.cmpi slt, %add3A_298, %lt3A_299 : i32
      %convert_element_type3A_301 = arith.extui %lt3A_300 : i1 to i32
      %cond3A_302 = arith.constant 0 : i32
      %cond3A_303 = arith.cmpi ne, %convert_element_type3A_301, %cond3A_302 : i32
      scf.if %cond3A_303 {
        %mul3A_643 = arith.constant 40 : i32
        %mul3A_644 = arith.muli %add3A_298, %mul3A_643 : i32
        %dma_wait3A_645 = arith.constant 0 : i32
        %dma_wait3A_646 = arith.constant 0 : i32
        %dma_wait3A_647 = tpu.memref_slice %run_scoped3A_4[%dma_wait3A_645, %dma_wait3A_646] : memref<80x128xf32, #tpu.memory_space<vmem>> -> memref<40x128xf32, #tpu.memory_space<vmem>>
        %dma_wait3A_648 = arith.constant 0 : i32
        %dma_wait3A_649 = tpu.memref_slice %arg7[%mul3A_644, %dma_wait3A_648] : memref<10000x128xf32, #tpu.memory_space<vmem_shared>> -> memref<40x128xf32, #tpu.memory_space<vmem_shared>>
        %dma_wait3A_650 = arith.constant 0 : i32
        %dma_wait3A_651 = tpu.memref_slice %arg7[%mul3A_644, %dma_wait3A_650] : memref<10000x128xf32, #tpu.memory_space<vmem_shared>> -> memref<40x128xf32, #tpu.memory_space<vmem_shared>>
        %dma_wait3A_652 = arith.constant 0 : i32
        %dma_wait3A_653 = arith.constant 0 : i32
        %dma_wait3A_654 = tpu.memref_slice %run_scoped3A_4[%dma_wait3A_652, %dma_wait3A_653] : memref<80x128xf32, #tpu.memory_space<vmem>> -> memref<40x128xf32, #tpu.memory_space<vmem>>
        tpu.wait_dma2 semaphore(%run_scoped3A_10 : memref<!tpu.dma_semaphore, #tpu.memory_space<semaphore_mem>>) src(%dma_wait3A_654 : memref<40x128xf32, #tpu.memory_space<vmem>>) dst(%dma_wait3A_651 : memref<40x128xf32, #tpu.memory_space<vmem_shared>>)
      } else {
      }
      %mul3A_304 = arith.constant 16 : i32
      %mul3A_305 = arith.muli %arg1, %mul3A_304 : i32
      %add3A_306 = arith.constant 14 : i32
      %add3A_307 = arith.addi %mul3A_305, %add3A_306 : i32
      %lt3A_308 = arith.constant 250 : i32
      %lt3A_309 = arith.cmpi slt, %add3A_307, %lt3A_308 : i32
      %convert_element_type3A_310 = arith.extui %lt3A_309 : i1 to i32
      %cond3A_311 = arith.constant 0 : i32
      %cond3A_312 = arith.cmpi ne, %convert_element_type3A_310, %cond3A_311 : i32
      scf.if %cond3A_312 {
        %mul3A_643 = arith.constant 40 : i32
        %mul3A_644 = arith.muli %add3A_307, %mul3A_643 : i32
        %dma_wait3A_645 = arith.constant 0 : i32
        %dma_wait3A_646 = arith.constant 0 : i32
        %dma_wait3A_647 = tpu.memref_slice %run_scoped3A_4[%dma_wait3A_645, %dma_wait3A_646] : memref<80x128xf32, #tpu.memory_space<vmem>> -> memref<40x128xf32, #tpu.memory_space<vmem>>
        %dma_wait3A_648 = arith.constant 0 : i32
        %dma_wait3A_649 = tpu.memref_slice %arg7[%mul3A_644, %dma_wait3A_648] : memref<10000x128xf32, #tpu.memory_space<vmem_shared>> -> memref<40x128xf32, #tpu.memory_space<vmem_shared>>
        %dma_wait3A_650 = arith.constant 0 : i32
        %dma_wait3A_651 = tpu.memref_slice %arg7[%mul3A_644, %dma_wait3A_650] : memref<10000x128xf32, #tpu.memory_space<vmem_shared>> -> memref<40x128xf32, #tpu.memory_space<vmem_shared>>
        %dma_wait3A_652 = arith.constant 0 : i32
        %dma_wait3A_653 = arith.constant 0 : i32
        %dma_wait3A_654 = tpu.memref_slice %run_scoped3A_4[%dma_wait3A_652, %dma_wait3A_653] : memref<80x128xf32, #tpu.memory_space<vmem>> -> memref<40x128xf32, #tpu.memory_space<vmem>>
        tpu.wait_dma2 semaphore(%run_scoped3A_10 : memref<!tpu.dma_semaphore, #tpu.memory_space<semaphore_mem>>) src(%dma_wait3A_654 : memref<40x128xf32, #tpu.memory_space<vmem>>) dst(%dma_wait3A_651 : memref<40x128xf32, #tpu.memory_space<vmem_shared>>)
      } else {
      }
      %mul3A_313 = arith.constant 16 : i32
      %mul3A_314 = arith.muli %arg1, %mul3A_313 : i32
      %add3A_315 = arith.constant 15 : i32
      %add3A_316 = arith.addi %mul3A_314, %add3A_315 : i32
      %lt3A_317 = arith.constant 250 : i32
      %lt3A_318 = arith.cmpi slt, %add3A_316, %lt3A_317 : i32
      %convert_element_type3A_319 = arith.extui %lt3A_318 : i1 to i32
      %cond3A_320 = arith.constant 0 : i32
      %cond3A_321 = arith.cmpi ne, %convert_element_type3A_319, %cond3A_320 : i32
      scf.if %cond3A_321 {
        %mul3A_643 = arith.constant 40 : i32
        %mul3A_644 = arith.muli %add3A_316, %mul3A_643 : i32
        %dma_wait3A_645 = arith.constant 0 : i32
        %dma_wait3A_646 = arith.constant 0 : i32
        %dma_wait3A_647 = tpu.memref_slice %run_scoped3A_4[%dma_wait3A_645, %dma_wait3A_646] : memref<80x128xf32, #tpu.memory_space<vmem>> -> memref<40x128xf32, #tpu.memory_space<vmem>>
        %dma_wait3A_648 = arith.constant 0 : i32
        %dma_wait3A_649 = tpu.memref_slice %arg7[%mul3A_644, %dma_wait3A_648] : memref<10000x128xf32, #tpu.memory_space<vmem_shared>> -> memref<40x128xf32, #tpu.memory_space<vmem_shared>>
        %dma_wait3A_650 = arith.constant 0 : i32
        %dma_wait3A_651 = tpu.memref_slice %arg7[%mul3A_644, %dma_wait3A_650] : memref<10000x128xf32, #tpu.memory_space<vmem_shared>> -> memref<40x128xf32, #tpu.memory_space<vmem_shared>>
        %dma_wait3A_652 = arith.constant 0 : i32
        %dma_wait3A_653 = arith.constant 0 : i32
        %dma_wait3A_654 = tpu.memref_slice %run_scoped3A_4[%dma_wait3A_652, %dma_wait3A_653] : memref<80x128xf32, #tpu.memory_space<vmem>> -> memref<40x128xf32, #tpu.memory_space<vmem>>
        tpu.wait_dma2 semaphore(%run_scoped3A_10 : memref<!tpu.dma_semaphore, #tpu.memory_space<semaphore_mem>>) src(%dma_wait3A_654 : memref<40x128xf32, #tpu.memory_space<vmem>>) dst(%dma_wait3A_651 : memref<40x128xf32, #tpu.memory_space<vmem_shared>>)
      } else {
      }
      %barrier3A = arith.constant 0 : index
      tpu.barrier barrier_id(%barrier3A)
      %scan3A = arith.constant 0 : i32
      %scan3A_322 = arith.constant 0 : i32
      %scan3A_323 = arith.constant 62 : i32
      %scan3A_324 = arith.addi %scan3A_322, %scan3A_323 : i32
      %scan3A_325 = arith.constant 1 : i32
      scf.for %scan3A_643 = %scan3A_322 to %scan3A_324 step %scan3A_325  : i32 {
        %mul3A_644 = arith.constant 2 : i32
        %mul3A_645 = arith.muli %mul3A_644, %scan3A_643 : i32
        %add3A_646 = arith.constant 1 : i32
        %add3A_647 = arith.addi %mul3A_645, %add3A_646 : i32
        %dma_start3A_648 = arith.constant 0 : i32
        %dma_start3A_649 = arith.constant 0 : i32
        %dma_start3A_650 = tpu.memref_slice %arg5[%add3A, %add3A_647, %dma_start3A_648, %dma_start3A_649] : memref<32x125x80x128xf32, #tpu.memory_space<hbm>> -> memref<1x1x80x128xf32, #tpu.memory_space<hbm>>
        %dma_start3A_651 = tpu.memref_squeeze %dma_start3A_650 : memref<1x1x80x128xf32, #tpu.memory_space<hbm>> -> memref<80x128xf32, #tpu.memory_space<hbm>>
        %dma_start3A_652 = arith.constant 0 : i32
        %dma_start3A_653 = arith.constant 0 : i32
        %dma_start3A_654 = tpu.memref_slice %arg5[%add3A, %add3A_647, %dma_start3A_652, %dma_start3A_653] : memref<32x125x80x128xf32, #tpu.memory_space<hbm>> -> memref<1x1x80x128xf32, #tpu.memory_space<hbm>>
        %dma_start3A_655 = tpu.memref_squeeze %dma_start3A_654 : memref<1x1x80x128xf32, #tpu.memory_space<hbm>> -> memref<80x128xf32, #tpu.memory_space<hbm>>
        tpu.enqueue_dma source(%dma_start3A_655 : memref<80x128xf32, #tpu.memory_space<hbm>>) target(%run_scoped3A_4 : memref<80x128xf32, #tpu.memory_space<vmem>>) target_semaphore(%run_scoped3A_8 : memref<!tpu.dma_semaphore, #tpu.memory_space<semaphore_mem>>)
        %dma_start3A_656 = arith.constant 0 : i32
        %dma_start3A_657 = tpu.memref_slice %run_scoped3A[%add3A_647, %dma_start3A_656] : memref<125x80xi32, #tpu.memory_space<vmem>> -> memref<1x80xi32, #tpu.memory_space<vmem>>
        %dma_start3A_658 = tpu.memref_squeeze %dma_start3A_657 : memref<1x80xi32, #tpu.memory_space<vmem>> -> memref<80xi32, #tpu.memory_space<vmem>>
        %dma_start3A_659 = arith.constant 0 : i32
        %dma_start3A_660 = arith.constant 0 : i32
        %dma_start3A_661 = tpu.memref_slice %arg2[%dma_start3A_659, %dma_start3A_660] : memref<10000x128xf32, #tpu.memory_space<hbm>> -> memref<10000x128xf32, #tpu.memory_space<hbm>>
        tpu.enqueue_indirect_dma source(%dma_start3A_661 : memref<10000x128xf32, #tpu.memory_space<hbm>>) target(%run_scoped3A_2 : memref<80x128xf32, #tpu.memory_space<vmem>>) offsets(%dma_start3A_658 : memref<80xi32, #tpu.memory_space<vmem>>) semaphore(%run_scoped3A_6 : memref<!tpu.dma_semaphore, #tpu.memory_space<semaphore_mem>>)
        %dma_wait3A_662 = arith.constant 0 : i32
        %dma_wait3A_663 = arith.constant 0 : i32
        %dma_wait3A_664 = arith.constant 0 : i32
        %dma_wait3A_665 = tpu.memref_slice %arg5[%add3A, %dma_wait3A_662, %dma_wait3A_663, %dma_wait3A_664] : memref<32x125x80x128xf32, #tpu.memory_space<hbm>> -> memref<1x1x80x128xf32, #tpu.memory_space<hbm>>
        %dma_wait3A_666 = tpu.memref_squeeze %dma_wait3A_665 : memref<1x1x80x128xf32, #tpu.memory_space<hbm>> -> memref<80x128xf32, #tpu.memory_space<hbm>>
        %dma_wait3A_667 = arith.constant 0 : i32
        %dma_wait3A_668 = arith.constant 0 : i32
        %dma_wait3A_669 = tpu.memref_slice %arg5[%add3A, %dma_wait3A_662, %dma_wait3A_667, %dma_wait3A_668] : memref<32x125x80x128xf32, #tpu.memory_space<hbm>> -> memref<1x1x80x128xf32, #tpu.memory_space<hbm>>
        %dma_wait3A_670 = tpu.memref_squeeze %dma_wait3A_669 : memref<1x1x80x128xf32, #tpu.memory_space<hbm>> -> memref<80x128xf32, #tpu.memory_space<hbm>>
        tpu.wait_dma2 semaphore(%run_scoped3A_7 : memref<!tpu.dma_semaphore, #tpu.memory_space<semaphore_mem>>) src(%dma_wait3A_670 : memref<80x128xf32, #tpu.memory_space<hbm>>) dst(%run_scoped3A_3 : memref<80x128xf32, #tpu.memory_space<vmem>>)
        %dma_wait3A_671 = arith.constant 0 : i32
        %dma_wait3A_672 = arith.constant 0 : i32
        %dma_wait3A_673 = arith.constant 0 : i32
        %dma_wait3A_674 = tpu.memref_slice %arg5[%add3A, %dma_wait3A_671, %dma_wait3A_672, %dma_wait3A_673] : memref<32x125x80x128xf32, #tpu.memory_space<hbm>> -> memref<1x1x80x128xf32, #tpu.memory_space<hbm>>
        %dma_wait3A_675 = tpu.memref_squeeze %dma_wait3A_674 : memref<1x1x80x128xf32, #tpu.memory_space<hbm>> -> memref<80x128xf32, #tpu.memory_space<hbm>>
        %dma_wait3A_676 = arith.constant 0 : i32
        %dma_wait3A_677 = arith.constant 0 : i32
        %dma_wait3A_678 = tpu.memref_slice %arg5[%add3A, %dma_wait3A_671, %dma_wait3A_676, %dma_wait3A_677] : memref<32x125x80x128xf32, #tpu.memory_space<hbm>> -> memref<1x1x80x128xf32, #tpu.memory_space<hbm>>
        %dma_wait3A_679 = tpu.memref_squeeze %dma_wait3A_678 : memref<1x1x80x128xf32, #tpu.memory_space<hbm>> -> memref<80x128xf32, #tpu.memory_space<hbm>>
        tpu.wait_dma2 semaphore(%run_scoped3A_5 : memref<!tpu.dma_semaphore, #tpu.memory_space<semaphore_mem>>) src(%dma_wait3A_679 : memref<80x128xf32, #tpu.memory_space<hbm>>) dst(%run_scoped3A_1 : memref<80x128xf32, #tpu.memory_space<vmem>>)
        %parallel_loop3A_680 = arith.constant 0 : i32
        %parallel_loop3A_681 = arith.constant 80 : i32
        %parallel_loop3A_682 = arith.constant 1 : i32
        scf.for %parallel_loop3A_750 = %parallel_loop3A_680 to %parallel_loop3A_681 step %parallel_loop3A_682  : i32 {
          %parallel_loop3A_751 = arith.index_cast %parallel_loop3A_750 : i32 to index
          %parallel_loop3A_752 = arith.constant 0 : index
          %parallel_loop3A_753 = tpu.vector_load %run_scoped3A_1[%parallel_loop3A_751, %parallel_loop3A_752] {strides = array<i32>} : memref<80x128xf32, #tpu.memory_space<vmem>>, vector<1x16xf32>,
          %parallel_loop3A_754 = vector.shape_cast %parallel_loop3A_753 : vector<1x16xf32> to vector<16xf32>
          %parallel_loop3A_755 = arith.index_cast %parallel_loop3A_750 : i32 to index
          %parallel_loop3A_756 = arith.constant 0 : index
          %parallel_loop3A_757 = tpu.vector_load %run_scoped3A_3[%parallel_loop3A_755, %parallel_loop3A_756] {strides = array<i32>} : memref<80x128xf32, #tpu.memory_space<vmem>>, vector<1x16xf32>,
          %parallel_loop3A_758 = vector.shape_cast %parallel_loop3A_757 : vector<1x16xf32> to vector<16xf32>
          %parallel_loop3A_759 = arith.addf %parallel_loop3A_754, %parallel_loop3A_758 : vector<16xf32>
          %parallel_loop3A_760 = arith.constant 0.000000e+00 : f32
          %parallel_loop3A_761 = vector.broadcast %parallel_loop3A_760 : f32 to vector<16xf32>
          %parallel_loop3A_762 = arith.maximumf %parallel_loop3A_759, %parallel_loop3A_761 : vector<16xf32>
          %parallel_loop3A_763 = arith.index_cast %parallel_loop3A_750 : i32 to index
          %parallel_loop3A_764 = arith.constant 0 : index
          %parallel_loop3A_765 = tpu.vector_load %run_scoped3A_3[%parallel_loop3A_763, %parallel_loop3A_764] {strides = array<i32>} : memref<80x128xf32, #tpu.memory_space<vmem>>, vector<1x16xf32>,
          %parallel_loop3A_766 = vector.shape_cast %parallel_loop3A_765 : vector<1x16xf32> to vector<16xf32>
          %parallel_loop3A_767 = vector.shape_cast %parallel_loop3A_762 : vector<16xf32> to vector<1x16xf32>
          tpu.vector_store %run_scoped3A_3[%parallel_loop3A_763, %parallel_loop3A_764], %parallel_loop3A_767 {strides = array<i32>} : memref<80x128xf32, #tpu.memory_space<vmem>>, vector<1x16xf32>,
          %parallel_loop3A_768 = arith.index_cast %parallel_loop3A_750 : i32 to index
          %parallel_loop3A_769 = arith.constant 16 : index
          %parallel_loop3A_770 = tpu.vector_load %run_scoped3A_1[%parallel_loop3A_768, %parallel_loop3A_769] {strides = array<i32>} : memref<80x128xf32, #tpu.memory_space<vmem>>, vector<1x16xf32>,
          %parallel_loop3A_771 = vector.shape_cast %parallel_loop3A_770 : vector<1x16xf32> to vector<16xf32>
          %parallel_loop3A_772 = arith.index_cast %parallel_loop3A_750 : i32 to index
          %parallel_loop3A_773 = arith.constant 16 : index
          %parallel_loop3A_774 = tpu.vector_load %run_scoped3A_3[%parallel_loop3A_772, %parallel_loop3A_773] {strides = array<i32>} : memref<80x128xf32, #tpu.memory_space<vmem>>, vector<1x16xf32>,
          %parallel_loop3A_775 = vector.shape_cast %parallel_loop3A_774 : vector<1x16xf32> to vector<16xf32>
          %parallel_loop3A_776 = arith.addf %parallel_loop3A_771, %parallel_loop3A_775 : vector<16xf32>
          %parallel_loop3A_777 = arith.constant 0.000000e+00 : f32
          %parallel_loop3A_778 = vector.broadcast %parallel_loop3A_777 : f32 to vector<16xf32>
          %parallel_loop3A_779 = arith.maximumf %parallel_loop3A_776, %parallel_loop3A_778 : vector<16xf32>
          %parallel_loop3A_780 = arith.index_cast %parallel_loop3A_750 : i32 to index
          %parallel_loop3A_781 = arith.constant 16 : index
          %parallel_loop3A_782 = tpu.vector_load %run_scoped3A_3[%parallel_loop3A_780, %parallel_loop3A_781] {strides = array<i32>} : memref<80x128xf32, #tpu.memory_space<vmem>>, vector<1x16xf32>,
          %parallel_loop3A_783 = vector.shape_cast %parallel_loop3A_782 : vector<1x16xf32> to vector<16xf32>
          %parallel_loop3A_784 = vector.shape_cast %parallel_loop3A_779 : vector<16xf32> to vector<1x16xf32>
          tpu.vector_store %run_scoped3A_3[%parallel_loop3A_780, %parallel_loop3A_781], %parallel_loop3A_784 {strides = array<i32>} : memref<80x128xf32, #tpu.memory_space<vmem>>, vector<1x16xf32>,
          %parallel_loop3A_785 = arith.index_cast %parallel_loop3A_750 : i32 to index
          %parallel_loop3A_786 = arith.constant 32 : index
          %parallel_loop3A_787 = tpu.vector_load %run_scoped3A_1[%parallel_loop3A_785, %parallel_loop3A_786] {strides = array<i32>} : memref<80x128xf32, #tpu.memory_space<vmem>>, vector<1x16xf32>,
          %parallel_loop3A_788 = vector.shape_cast %parallel_loop3A_787 : vector<1x16xf32> to vector<16xf32>
          %parallel_loop3A_789 = arith.index_cast %parallel_loop3A_750 : i32 to index
          %parallel_loop3A_790 = arith.constant 32 : index
          %parallel_loop3A_791 = tpu.vector_load %run_scoped3A_3[%parallel_loop3A_789, %parallel_loop3A_790] {strides = array<i32>} : memref<80x128xf32, #tpu.memory_space<vmem>>, vector<1x16xf32>,
          %parallel_loop3A_792 = vector.shape_cast %parallel_loop3A_791 : vector<1x16xf32> to vector<16xf32>
          %parallel_loop3A_793 = arith.addf %parallel_loop3A_788, %parallel_loop3A_792 : vector<16xf32>
          %parallel_loop3A_794 = arith.constant 0.000000e+00 : f32
          %parallel_loop3A_795 = vector.broadcast %parallel_loop3A_794 : f32 to vector<16xf32>
          %parallel_loop3A_796 = arith.maximumf %parallel_loop3A_793, %parallel_loop3A_795 : vector<16xf32>
          %parallel_loop3A_797 = arith.index_cast %parallel_loop3A_750 : i32 to index
          %parallel_loop3A_798 = arith.constant 32 : index
          %parallel_loop3A_799 = tpu.vector_load %run_scoped3A_3[%parallel_loop3A_797, %parallel_loop3A_798] {strides = array<i32>} : memref<80x128xf32, #tpu.memory_space<vmem>>, vector<1x16xf32>,
          %parallel_loop3A_800 = vector.shape_cast %parallel_loop3A_799 : vector<1x16xf32> to vector<16xf32>
          %parallel_loop3A_801 = vector.shape_cast %parallel_loop3A_796 : vector<16xf32> to vector<1x16xf32>
          tpu.vector_store %run_scoped3A_3[%parallel_loop3A_797, %parallel_loop3A_798], %parallel_loop3A_801 {strides = array<i32>} : memref<80x128xf32, #tpu.memory_space<vmem>>, vector<1x16xf32>,
          %parallel_loop3A_802 = arith.index_cast %parallel_loop3A_750 : i32 to index
          %parallel_loop3A_803 = arith.constant 48 : index
          %parallel_loop3A_804 = tpu.vector_load %run_scoped3A_1[%parallel_loop3A_802, %parallel_loop3A_803] {strides = array<i32>} : memref<80x128xf32, #tpu.memory_space<vmem>>, vector<1x16xf32>,
          %parallel_loop3A_805 = vector.shape_cast %parallel_loop3A_804 : vector<1x16xf32> to vector<16xf32>
          %parallel_loop3A_806 = arith.index_cast %parallel_loop3A_750 : i32 to index
          %parallel_loop3A_807 = arith.constant 48 : index
          %parallel_loop3A_808 = tpu.vector_load %run_scoped3A_3[%parallel_loop3A_806, %parallel_loop3A_807] {strides = array<i32>} : memref<80x128xf32, #tpu.memory_space<vmem>>, vector<1x16xf32>,
          %parallel_loop3A_809 = vector.shape_cast %parallel_loop3A_808 : vector<1x16xf32> to vector<16xf32>
          %parallel_loop3A_810 = arith.addf %parallel_loop3A_805, %parallel_loop3A_809 : vector<16xf32>
          %parallel_loop3A_811 = arith.constant 0.000000e+00 : f32
          %parallel_loop3A_812 = vector.broadcast %parallel_loop3A_811 : f32 to vector<16xf32>
          %parallel_loop3A_813 = arith.maximumf %parallel_loop3A_810, %parallel_loop3A_812 : vector<16xf32>
          %parallel_loop3A_814 = arith.index_cast %parallel_loop3A_750 : i32 to index
          %parallel_loop3A_815 = arith.constant 48 : index
          %parallel_loop3A_816 = tpu.vector_load %run_scoped3A_3[%parallel_loop3A_814, %parallel_loop3A_815] {strides = array<i32>} : memref<80x128xf32, #tpu.memory_space<vmem>>, vector<1x16xf32>,
          %parallel_loop3A_817 = vector.shape_cast %parallel_loop3A_816 : vector<1x16xf32> to vector<16xf32>
          %parallel_loop3A_818 = vector.shape_cast %parallel_loop3A_813 : vector<16xf32> to vector<1x16xf32>
          tpu.vector_store %run_scoped3A_3[%parallel_loop3A_814, %parallel_loop3A_815], %parallel_loop3A_818 {strides = array<i32>} : memref<80x128xf32, #tpu.memory_space<vmem>>, vector<1x16xf32>,
          %parallel_loop3A_819 = arith.index_cast %parallel_loop3A_750 : i32 to index
          %parallel_loop3A_820 = arith.constant 64 : index
          %parallel_loop3A_821 = tpu.vector_load %run_scoped3A_1[%parallel_loop3A_819, %parallel_loop3A_820] {strides = array<i32>} : memref<80x128xf32, #tpu.memory_space<vmem>>, vector<1x16xf32>,
          %parallel_loop3A_822 = vector.shape_cast %parallel_loop3A_821 : vector<1x16xf32> to vector<16xf32>
          %parallel_loop3A_823 = arith.index_cast %parallel_loop3A_750 : i32 to index
          %parallel_loop3A_824 = arith.constant 64 : index
          %parallel_loop3A_825 = tpu.vector_load %run_scoped3A_3[%parallel_loop3A_823, %parallel_loop3A_824] {strides = array<i32>} : memref<80x128xf32, #tpu.memory_space<vmem>>, vector<1x16xf32>,
          %parallel_loop3A_826 = vector.shape_cast %parallel_loop3A_825 : vector<1x16xf32> to vector<16xf32>
          %parallel_loop3A_827 = arith.addf %parallel_loop3A_822, %parallel_loop3A_826 : vector<16xf32>
          %parallel_loop3A_828 = arith.constant 0.000000e+00 : f32
          %parallel_loop3A_829 = vector.broadcast %parallel_loop3A_828 : f32 to vector<16xf32>
          %parallel_loop3A_830 = arith.maximumf %parallel_loop3A_827, %parallel_loop3A_829 : vector<16xf32>
          %parallel_loop3A_831 = arith.index_cast %parallel_loop3A_750 : i32 to index
          %parallel_loop3A_832 = arith.constant 64 : index
          %parallel_loop3A_833 = tpu.vector_load %run_scoped3A_3[%parallel_loop3A_831, %parallel_loop3A_832] {strides = array<i32>} : memref<80x128xf32, #tpu.memory_space<vmem>>, vector<1x16xf32>,
          %parallel_loop3A_834 = vector.shape_cast %parallel_loop3A_833 : vector<1x16xf32> to vector<16xf32>
          %parallel_loop3A_835 = vector.shape_cast %parallel_loop3A_830 : vector<16xf32> to vector<1x16xf32>
          tpu.vector_store %run_scoped3A_3[%parallel_loop3A_831, %parallel_loop3A_832], %parallel_loop3A_835 {strides = array<i32>} : memref<80x128xf32, #tpu.memory_space<vmem>>, vector<1x16xf32>,
          %parallel_loop3A_836 = arith.index_cast %parallel_loop3A_750 : i32 to index
          %parallel_loop3A_837 = arith.constant 80 : index
          %parallel_loop3A_838 = tpu.vector_load %run_scoped3A_1[%parallel_loop3A_836, %parallel_loop3A_837] {strides = array<i32>} : memref<80x128xf32, #tpu.memory_space<vmem>>, vector<1x16xf32>,
          %parallel_loop3A_839 = vector.shape_cast %parallel_loop3A_838 : vector<1x16xf32> to vector<16xf32>
          %parallel_loop3A_840 = arith.index_cast %parallel_loop3A_750 : i32 to index
          %parallel_loop3A_841 = arith.constant 80 : index
          %parallel_loop3A_842 = tpu.vector_load %run_scoped3A_3[%parallel_loop3A_840, %parallel_loop3A_841] {strides = array<i32>} : memref<80x128xf32, #tpu.memory_space<vmem>>, vector<1x16xf32>,
          %parallel_loop3A_843 = vector.shape_cast %parallel_loop3A_842 : vector<1x16xf32> to vector<16xf32>
          %parallel_loop3A_844 = arith.addf %parallel_loop3A_839, %parallel_loop3A_843 : vector<16xf32>
          %parallel_loop3A_845 = arith.constant 0.000000e+00 : f32
          %parallel_loop3A_846 = vector.broadcast %parallel_loop3A_845 : f32 to vector<16xf32>
          %parallel_loop3A_847 = arith.maximumf %parallel_loop3A_844, %parallel_loop3A_846 : vector<16xf32>
          %parallel_loop3A_848 = arith.index_cast %parallel_loop3A_750 : i32 to index
          %parallel_loop3A_849 = arith.constant 80 : index
          %parallel_loop3A_850 = tpu.vector_load %run_scoped3A_3[%parallel_loop3A_848, %parallel_loop3A_849] {strides = array<i32>} : memref<80x128xf32, #tpu.memory_space<vmem>>, vector<1x16xf32>,
          %parallel_loop3A_851 = vector.shape_cast %parallel_loop3A_850 : vector<1x16xf32> to vector<16xf32>
          %parallel_loop3A_852 = vector.shape_cast %parallel_loop3A_847 : vector<16xf32> to vector<1x16xf32>
          tpu.vector_store %run_scoped3A_3[%parallel_loop3A_848, %parallel_loop3A_849], %parallel_loop3A_852 {strides = array<i32>} : memref<80x128xf32, #tpu.memory_space<vmem>>, vector<1x16xf32>,
          %parallel_loop3A_853 = arith.index_cast %parallel_loop3A_750 : i32 to index
          %parallel_loop3A_854 = arith.constant 96 : index
          %parallel_loop3A_855 = tpu.vector_load %run_scoped3A_1[%parallel_loop3A_853, %parallel_loop3A_854] {strides = array<i32>} : memref<80x128xf32, #tpu.memory_space<vmem>>, vector<1x16xf32>,
          %parallel_loop3A_856 = vector.shape_cast %parallel_loop3A_855 : vector<1x16xf32> to vector<16xf32>
          %parallel_loop3A_857 = arith.index_cast %parallel_loop3A_750 : i32 to index
          %parallel_loop3A_858 = arith.constant 96 : index
          %parallel_loop3A_859 = tpu.vector_load %run_scoped3A_3[%parallel_loop3A_857, %parallel_loop3A_858] {strides = array<i32>} : memref<80x128xf32, #tpu.memory_space<vmem>>, vector<1x16xf32>,
          %parallel_loop3A_860 = vector.shape_cast %parallel_loop3A_859 : vector<1x16xf32> to vector<16xf32>
          %parallel_loop3A_861 = arith.addf %parallel_loop3A_856, %parallel_loop3A_860 : vector<16xf32>
          %parallel_loop3A_862 = arith.constant 0.000000e+00 : f32
          %parallel_loop3A_863 = vector.broadcast %parallel_loop3A_862 : f32 to vector<16xf32>
          %parallel_loop3A_864 = arith.maximumf %parallel_loop3A_861, %parallel_loop3A_863 : vector<16xf32>
          %parallel_loop3A_865 = arith.index_cast %parallel_loop3A_750 : i32 to index
          %parallel_loop3A_866 = arith.constant 96 : index
          %parallel_loop3A_867 = tpu.vector_load %run_scoped3A_3[%parallel_loop3A_865, %parallel_loop3A_866] {strides = array<i32>} : memref<80x128xf32, #tpu.memory_space<vmem>>, vector<1x16xf32>,
          %parallel_loop3A_868 = vector.shape_cast %parallel_loop3A_867 : vector<1x16xf32> to vector<16xf32>
          %parallel_loop3A_869 = vector.shape_cast %parallel_loop3A_864 : vector<16xf32> to vector<1x16xf32>
          tpu.vector_store %run_scoped3A_3[%parallel_loop3A_865, %parallel_loop3A_866], %parallel_loop3A_869 {strides = array<i32>} : memref<80x128xf32, #tpu.memory_space<vmem>>, vector<1x16xf32>,
          %parallel_loop3A_870 = arith.index_cast %parallel_loop3A_750 : i32 to index
          %parallel_loop3A_871 = arith.constant 112 : index
          %parallel_loop3A_872 = tpu.vector_load %run_scoped3A_1[%parallel_loop3A_870, %parallel_loop3A_871] {strides = array<i32>} : memref<80x128xf32, #tpu.memory_space<vmem>>, vector<1x16xf32>,
          %parallel_loop3A_873 = vector.shape_cast %parallel_loop3A_872 : vector<1x16xf32> to vector<16xf32>
          %parallel_loop3A_874 = arith.index_cast %parallel_loop3A_750 : i32 to index
          %parallel_loop3A_875 = arith.constant 112 : index
          %parallel_loop3A_876 = tpu.vector_load %run_scoped3A_3[%parallel_loop3A_874, %parallel_loop3A_875] {strides = array<i32>} : memref<80x128xf32, #tpu.memory_space<vmem>>, vector<1x16xf32>,
          %parallel_loop3A_877 = vector.shape_cast %parallel_loop3A_876 : vector<1x16xf32> to vector<16xf32>
          %parallel_loop3A_878 = arith.addf %parallel_loop3A_873, %parallel_loop3A_877 : vector<16xf32>
          %parallel_loop3A_879 = arith.constant 0.000000e+00 : f32
          %parallel_loop3A_880 = vector.broadcast %parallel_loop3A_879 : f32 to vector<16xf32>
          %parallel_loop3A_881 = arith.maximumf %parallel_loop3A_878, %parallel_loop3A_880 : vector<16xf32>
          %parallel_loop3A_882 = arith.index_cast %parallel_loop3A_750 : i32 to index
          %parallel_loop3A_883 = arith.constant 112 : index
          %parallel_loop3A_884 = tpu.vector_load %run_scoped3A_3[%parallel_loop3A_882, %parallel_loop3A_883] {strides = array<i32>} : memref<80x128xf32, #tpu.memory_space<vmem>>, vector<1x16xf32>,
          %parallel_loop3A_885 = vector.shape_cast %parallel_loop3A_884 : vector<1x16xf32> to vector<16xf32>
          %parallel_loop3A_886 = vector.shape_cast %parallel_loop3A_881 : vector<16xf32> to vector<1x16xf32>
          tpu.vector_store %run_scoped3A_3[%parallel_loop3A_882, %parallel_loop3A_883], %parallel_loop3A_886 {strides = array<i32>} : memref<80x128xf32, #tpu.memory_space<vmem>>, vector<1x16xf32>,
        } {sc.loop_unroll_factor = 4 : i64, sc.parallel_access}
        %dma_wait3A_683 = arith.constant 0 : i32
        %dma_wait3A_684 = arith.constant 0 : i32
        %dma_wait3A_685 = tpu.memref_slice %arg4[%add3A, %dma_wait3A_683, %dma_wait3A_684] : memref<32x125x80xi32, #tpu.memory_space<hbm>> -> memref<1x1x80xi32, #tpu.memory_space<hbm>>
        %dma_wait3A_686 = tpu.memref_squeeze %dma_wait3A_685 : memref<1x1x80xi32, #tpu.memory_space<hbm>> -> memref<80xi32, #tpu.memory_space<hbm>>
        %dma_wait3A_687 = arith.constant 0 : i32
        %dma_wait3A_688 = tpu.memref_slice %arg4[%add3A, %dma_wait3A_683, %dma_wait3A_687] : memref<32x125x80xi32, #tpu.memory_space<hbm>> -> memref<1x1x80xi32, #tpu.memory_space<hbm>>
        %dma_wait3A_689 = tpu.memref_squeeze %dma_wait3A_688 : memref<1x1x80xi32, #tpu.memory_space<hbm>> -> memref<80xi32, #tpu.memory_space<hbm>>
        tpu.wait_dma2 semaphore(%run_scoped3A_9 : memref<!tpu.dma_semaphore, #tpu.memory_space<semaphore_mem>>) src(%dma_wait3A_689 : memref<80xi32, #tpu.memory_space<hbm>>) dst(%run_scoped3A_0 : memref<80xi32, #tpu.memory_space<vmem>>)
        "tpu.region"() ({
          %run_scoped3A_750 = tpu.sem_alloc : memref<!tpu.dma_semaphore, #tpu.memory_space<semaphore_mem>>
          %dma_start3A_751 = arith.constant 0 : i32
          %dma_start3A_752 = arith.constant 0 : i32
          %dma_start3A_753 = tpu.memref_slice %arg7[%dma_start3A_751, %dma_start3A_752] : memref<10000x128xf32, #tpu.memory_space<vmem_shared>> -> memref<10000x128xf32, #tpu.memory_space<vmem_shared>>
          tpu.enqueue_indirect_dma source(%run_scoped3A_3 : memref<80x128xf32, #tpu.memory_space<vmem>>) target(%dma_start3A_753 : memref<10000x128xf32, #tpu.memory_space<vmem_shared>>) offsets(%run_scoped3A_0 : memref<80xi32, #tpu.memory_space<vmem>>) semaphore(%run_scoped3A_750 : memref<!tpu.dma_semaphore, #tpu.memory_space<semaphore_mem>>) {add = true}
          %dma_wait3A_754 = arith.constant 0 : i32
          %dma_wait3A_755 = arith.constant 0 : i32
          %dma_wait3A_756 = tpu.memref_slice %arg7[%dma_wait3A_754, %dma_wait3A_755] : memref<10000x128xf32, #tpu.memory_space<vmem_shared>> -> memref<10000x128xf32, #tpu.memory_space<vmem_shared>>
          tpu.wait_indirect_dma semaphore(%run_scoped3A_750 : memref<!tpu.dma_semaphore, #tpu.memory_space<semaphore_mem>>) src(%run_scoped3A_3 : memref<80x128xf32, #tpu.memory_space<vmem>>) dst(%dma_wait3A_756 : memref<10000x128xf32, #tpu.memory_space<vmem_shared>>)
          tpu.yield
        }) : () -> ()
        %add3A_690 = arith.constant 1 : i32
        %add3A_691 = arith.addi %mul3A_645, %add3A_690 : i32
        %dma_start3A_692 = arith.constant 0 : i32
        %dma_start3A_693 = tpu.memref_slice %arg4[%add3A, %add3A_691, %dma_start3A_692] : memref<32x125x80xi32, #tpu.memory_space<hbm>> -> memref<1x1x80xi32, #tpu.memory_space<hbm>>
        %dma_start3A_694 = tpu.memref_squeeze %dma_start3A_693 : memref<1x1x80xi32, #tpu.memory_space<hbm>> -> memref<80xi32, #tpu.memory_space<hbm>>
        %dma_start3A_695 = arith.constant 0 : i32
        %dma_start3A_696 = tpu.memref_slice %arg4[%add3A, %add3A_691, %dma_start3A_695] : memref<32x125x80xi32, #tpu.memory_space<hbm>> -> memref<1x1x80xi32, #tpu.memory_space<hbm>>
        %dma_start3A_697 = tpu.memref_squeeze %dma_start3A_696 : memref<1x1x80xi32, #tpu.memory_space<hbm>> -> memref<80xi32, #tpu.memory_space<hbm>>
        tpu.enqueue_dma source(%dma_start3A_697 : memref<80xi32, #tpu.memory_space<hbm>>) target(%run_scoped3A_0 : memref<80xi32, #tpu.memory_space<vmem>>) target_semaphore(%run_scoped3A_9 : memref<!tpu.dma_semaphore, #tpu.memory_space<semaphore_mem>>)
        %add3A_698 = arith.constant 2 : i32
        %add3A_699 = arith.addi %mul3A_645, %add3A_698 : i32
        %dma_start3A_700 = arith.constant 0 : i32
        %dma_start3A_701 = arith.constant 0 : i32
        %dma_start3A_702 = tpu.memref_slice %arg5[%add3A, %add3A_699, %dma_start3A_700, %dma_start3A_701] : memref<32x125x80x128xf32, #tpu.memory_space<hbm>> -> memref<1x1x80x128xf32, #tpu.memory_space<hbm>>
        %dma_start3A_703 = tpu.memref_squeeze %dma_start3A_702 : memref<1x1x80x128xf32, #tpu.memory_space<hbm>> -> memref<80x128xf32, #tpu.memory_space<hbm>>
        %dma_start3A_704 = arith.constant 0 : i32
        %dma_start3A_705 = arith.constant 0 : i32
        %dma_start3A_706 = tpu.memref_slice %arg5[%add3A, %add3A_699, %dma_start3A_704, %dma_start3A_705] : memref<32x125x80x128xf32, #tpu.memory_space<hbm>> -> memref<1x1x80x128xf32, #tpu.memory_space<hbm>>
        %dma_start3A_707 = tpu.memref_squeeze %dma_start3A_706 : memref<1x1x80x128xf32, #tpu.memory_space<hbm>> -> memref<80x128xf32, #tpu.memory_space<hbm>>
        tpu.enqueue_dma source(%dma_start3A_707 : memref<80x128xf32, #tpu.memory_space<hbm>>) target(%run_scoped3A_3 : memref<80x128xf32, #tpu.memory_space<vmem>>) target_semaphore(%run_scoped3A_7 : memref<!tpu.dma_semaphore, #tpu.memory_space<semaphore_mem>>)
        %dma_start3A_708 = arith.constant 0 : i32
        %dma_start3A_709 = tpu.memref_slice %run_scoped3A[%add3A_699, %dma_start3A_708] : memref<125x80xi32, #tpu.memory_space<vmem>> -> memref<1x80xi32, #tpu.memory_space<vmem>>
        %dma_start3A_710 = tpu.memref_squeeze %dma_start3A_709 : memref<1x80xi32, #tpu.memory_space<vmem>> -> memref<80xi32, #tpu.memory_space<vmem>>
        %dma_start3A_711 = arith.constant 0 : i32
        %dma_start3A_712 = arith.constant 0 : i32
        %dma_start3A_713 = tpu.memref_slice %arg2[%dma_start3A_711, %dma_start3A_712] : memref<10000x128xf32, #tpu.memory_space<hbm>> -> memref<10000x128xf32, #tpu.memory_space<hbm>>
        tpu.enqueue_indirect_dma source(%dma_start3A_713 : memref<10000x128xf32, #tpu.memory_space<hbm>>) target(%run_scoped3A_1 : memref<80x128xf32, #tpu.memory_space<vmem>>) offsets(%dma_start3A_710 : memref<80xi32, #tpu.memory_space<vmem>>) semaphore(%run_scoped3A_5 : memref<!tpu.dma_semaphore, #tpu.memory_space<semaphore_mem>>)
        %dma_wait3A_714 = arith.constant 0 : i32
        %dma_wait3A_715 = arith.constant 0 : i32
        %dma_wait3A_716 = arith.constant 0 : i32
        %dma_wait3A_717 = tpu.memref_slice %arg5[%add3A, %dma_wait3A_714, %dma_wait3A_715, %dma_wait3A_716] : memref<32x125x80x128xf32, #tpu.memory_space<hbm>> -> memref<1x1x80x128xf32, #tpu.memory_space<hbm>>
        %dma_wait3A_718 = tpu.memref_squeeze %dma_wait3A_717 : memref<1x1x80x128xf32, #tpu.memory_space<hbm>> -> memref<80x128xf32, #tpu.memory_space<hbm>>
        %dma_wait3A_719 = arith.constant 0 : i32
        %dma_wait3A_720 = arith.constant 0 : i32
        %dma_wait3A_721 = tpu.memref_slice %arg5[%add3A, %dma_wait3A_714, %dma_wait3A_719, %dma_wait3A_720] : memref<32x125x80x128xf32, #tpu.memory_space<hbm>> -> memref<1x1x80x128xf32, #tpu.memory_space<hbm>>
        %dma_wait3A_722 = tpu.memref_squeeze %dma_wait3A_721 : memref<1x1x80x128xf32, #tpu.memory_space<hbm>> -> memref<80x128xf32, #tpu.memory_space<hbm>>
        tpu.wait_dma2 semaphore(%run_scoped3A_8 : memref<!tpu.dma_semaphore, #tpu.memory_space<semaphore_mem>>) src(%dma_wait3A_722 : memref<80x128xf32, #tpu.memory_space<hbm>>) dst(%run_scoped3A_4 : memref<80x128xf32, #tpu.memory_space<vmem>>)
        %dma_wait3A_723 = arith.constant 0 : i32
        %dma_wait3A_724 = arith.constant 0 : i32
        %dma_wait3A_725 = arith.constant 0 : i32
        %dma_wait3A_726 = tpu.memref_slice %arg5[%add3A, %dma_wait3A_723, %dma_wait3A_724, %dma_wait3A_725] : memref<32x125x80x128xf32, #tpu.memory_space<hbm>> -> memref<1x1x80x128xf32, #tpu.memory_space<hbm>>
        %dma_wait3A_727 = tpu.memref_squeeze %dma_wait3A_726 : memref<1x1x80x128xf32, #tpu.memory_space<hbm>> -> memref<80x128xf32, #tpu.memory_space<hbm>>
        %dma_wait3A_728 = arith.constant 0 : i32
        %dma_wait3A_729 = arith.constant 0 : i32
        %dma_wait3A_730 = tpu.memref_slice %arg5[%add3A, %dma_wait3A_723, %dma_wait3A_728, %dma_wait3A_729] : memref<32x125x80x128xf32, #tpu.memory_space<hbm>> -> memref<1x1x80x128xf32, #tpu.memory_space<hbm>>
        %dma_wait3A_731 = tpu.memref_squeeze %dma_wait3A_730 : memref<1x1x80x128xf32, #tpu.memory_space<hbm>> -> memref<80x128xf32, #tpu.memory_space<hbm>>
        tpu.wait_dma2 semaphore(%run_scoped3A_6 : memref<!tpu.dma_semaphore, #tpu.memory_space<semaphore_mem>>) src(%dma_wait3A_731 : memref<80x128xf32, #tpu.memory_space<hbm>>) dst(%run_scoped3A_2 : memref<80x128xf32, #tpu.memory_space<vmem>>)
        %parallel_loop3A_732 = arith.constant 0 : i32
        %parallel_loop3A_733 = arith.constant 80 : i32
        %parallel_loop3A_734 = arith.constant 1 : i32
        scf.for %parallel_loop3A_750 = %parallel_loop3A_732 to %parallel_loop3A_733 step %parallel_loop3A_734  : i32 {
          %parallel_loop3A_751 = arith.index_cast %parallel_loop3A_750 : i32 to index
          %parallel_loop3A_752 = arith.constant 0 : index
          %parallel_loop3A_753 = tpu.vector_load %run_scoped3A_2[%parallel_loop3A_751, %parallel_loop3A_752] {strides = array<i32>} : memref<80x128xf32, #tpu.memory_space<vmem>>, vector<1x16xf32>,
          %parallel_loop3A_754 = vector.shape_cast %parallel_loop3A_753 : vector<1x16xf32> to vector<16xf32>
          %parallel_loop3A_755 = arith.index_cast %parallel_loop3A_750 : i32 to index
          %parallel_loop3A_756 = arith.constant 0 : index
          %parallel_loop3A_757 = tpu.vector_load %run_scoped3A_4[%parallel_loop3A_755, %parallel_loop3A_756] {strides = array<i32>} : memref<80x128xf32, #tpu.memory_space<vmem>>, vector<1x16xf32>,
          %parallel_loop3A_758 = vector.shape_cast %parallel_loop3A_757 : vector<1x16xf32> to vector<16xf32>
          %parallel_loop3A_759 = arith.addf %parallel_loop3A_754, %parallel_loop3A_758 : vector<16xf32>
          %parallel_loop3A_760 = arith.constant 0.000000e+00 : f32
          %parallel_loop3A_761 = vector.broadcast %parallel_loop3A_760 : f32 to vector<16xf32>
          %parallel_loop3A_762 = arith.maximumf %parallel_loop3A_759, %parallel_loop3A_761 : vector<16xf32>
          %parallel_loop3A_763 = arith.index_cast %parallel_loop3A_750 : i32 to index
          %parallel_loop3A_764 = arith.constant 0 : index
          %parallel_loop3A_765 = tpu.vector_load %run_scoped3A_4[%parallel_loop3A_763, %parallel_loop3A_764] {strides = array<i32>} : memref<80x128xf32, #tpu.memory_space<vmem>>, vector<1x16xf32>,
          %parallel_loop3A_766 = vector.shape_cast %parallel_loop3A_765 : vector<1x16xf32> to vector<16xf32>
          %parallel_loop3A_767 = vector.shape_cast %parallel_loop3A_762 : vector<16xf32> to vector<1x16xf32>
          tpu.vector_store %run_scoped3A_4[%parallel_loop3A_763, %parallel_loop3A_764], %parallel_loop3A_767 {strides = array<i32>} : memref<80x128xf32, #tpu.memory_space<vmem>>, vector<1x16xf32>,
          %parallel_loop3A_768 = arith.index_cast %parallel_loop3A_750 : i32 to index
          %parallel_loop3A_769 = arith.constant 16 : index
          %parallel_loop3A_770 = tpu.vector_load %run_scoped3A_2[%parallel_loop3A_768, %parallel_loop3A_769] {strides = array<i32>} : memref<80x128xf32, #tpu.memory_space<vmem>>, vector<1x16xf32>,
          %parallel_loop3A_771 = vector.shape_cast %parallel_loop3A_770 : vector<1x16xf32> to vector<16xf32>
          %parallel_loop3A_772 = arith.index_cast %parallel_loop3A_750 : i32 to index
          %parallel_loop3A_773 = arith.constant 16 : index
          %parallel_loop3A_774 = tpu.vector_load %run_scoped3A_4[%parallel_loop3A_772, %parallel_loop3A_773] {strides = array<i32>} : memref<80x128xf32, #tpu.memory_space<vmem>>, vector<1x16xf32>,
          %parallel_loop3A_775 = vector.shape_cast %parallel_loop3A_774 : vector<1x16xf32> to vector<16xf32>
          %parallel_loop3A_776 = arith.addf %parallel_loop3A_771, %parallel_loop3A_775 : vector<16xf32>
          %parallel_loop3A_777 = arith.constant 0.000000e+00 : f32
          %parallel_loop3A_778 = vector.broadcast %parallel_loop3A_777 : f32 to vector<16xf32>
          %parallel_loop3A_779 = arith.maximumf %parallel_loop3A_776, %parallel_loop3A_778 : vector<16xf32>
          %parallel_loop3A_780 = arith.index_cast %parallel_loop3A_750 : i32 to index
          %parallel_loop3A_781 = arith.constant 16 : index
          %parallel_loop3A_782 = tpu.vector_load %run_scoped3A_4[%parallel_loop3A_780, %parallel_loop3A_781] {strides = array<i32>} : memref<80x128xf32, #tpu.memory_space<vmem>>, vector<1x16xf32>,
          %parallel_loop3A_783 = vector.shape_cast %parallel_loop3A_782 : vector<1x16xf32> to vector<16xf32>
          %parallel_loop3A_784 = vector.shape_cast %parallel_loop3A_779 : vector<16xf32> to vector<1x16xf32>
          tpu.vector_store %run_scoped3A_4[%parallel_loop3A_780, %parallel_loop3A_781], %parallel_loop3A_784 {strides = array<i32>} : memref<80x128xf32, #tpu.memory_space<vmem>>, vector<1x16xf32>,
          %parallel_loop3A_785 = arith.index_cast %parallel_loop3A_750 : i32 to index
          %parallel_loop3A_786 = arith.constant 32 : index
          %parallel_loop3A_787 = tpu.vector_load %run_scoped3A_2[%parallel_loop3A_785, %parallel_loop3A_786] {strides = array<i32>} : memref<80x128xf32, #tpu.memory_space<vmem>>, vector<1x16xf32>,
          %parallel_loop3A_788 = vector.shape_cast %parallel_loop3A_787 : vector<1x16xf32> to vector<16xf32>
          %parallel_loop3A_789 = arith.index_cast %parallel_loop3A_750 : i32 to index
          %parallel_loop3A_790 = arith.constant 32 : index
          %parallel_loop3A_791 = tpu.vector_load %run_scoped3A_4[%parallel_loop3A_789, %parallel_loop3A_790] {strides = array<i32>} : memref<80x128xf32, #tpu.memory_space<vmem>>, vector<1x16xf32>,
          %parallel_loop3A_792 = vector.shape_cast %parallel_loop3A_791 : vector<1x16xf32> to vector<16xf32>
          %parallel_loop3A_793 = arith.addf %parallel_loop3A_788, %parallel_loop3A_792 : vector<16xf32>
          %parallel_loop3A_794 = arith.constant 0.000000e+00 : f32
          %parallel_loop3A_795 = vector.broadcast %parallel_loop3A_794 : f32 to vector<16xf32>
          %parallel_loop3A_796 = arith.maximumf %parallel_loop3A_793, %parallel_loop3A_795 : vector<16xf32>
          %parallel_loop3A_797 = arith.index_cast %parallel_loop3A_750 : i32 to index
          %parallel_loop3A_798 = arith.constant 32 : index
          %parallel_loop3A_799 = tpu.vector_load %run_scoped3A_4[%parallel_loop3A_797, %parallel_loop3A_798] {strides = array<i32>} : memref<80x128xf32, #tpu.memory_space<vmem>>, vector<1x16xf32>,
          %parallel_loop3A_800 = vector.shape_cast %parallel_loop3A_799 : vector<1x16xf32> to vector<16xf32>
          %parallel_loop3A_801 = vector.shape_cast %parallel_loop3A_796 : vector<16xf32> to vector<1x16xf32>
          tpu.vector_store %run_scoped3A_4[%parallel_loop3A_797, %parallel_loop3A_798], %parallel_loop3A_801 {strides = array<i32>} : memref<80x128xf32, #tpu.memory_space<vmem>>, vector<1x16xf32>,
          %parallel_loop3A_802 = arith.index_cast %parallel_loop3A_750 : i32 to index
          %parallel_loop3A_803 = arith.constant 48 : index
          %parallel_loop3A_804 = tpu.vector_load %run_scoped3A_2[%parallel_loop3A_802, %parallel_loop3A_803] {strides = array<i32>} : memref<80x128xf32, #tpu.memory_space<vmem>>, vector<1x16xf32>,
          %parallel_loop3A_805 = vector.shape_cast %parallel_loop3A_804 : vector<1x16xf32> to vector<16xf32>
          %parallel_loop3A_806 = arith.index_cast %parallel_loop3A_750 : i32 to index
          %parallel_loop3A_807 = arith.constant 48 : index
          %parallel_loop3A_808 = tpu.vector_load %run_scoped3A_4[%parallel_loop3A_806, %parallel_loop3A_807] {strides = array<i32>} : memref<80x128xf32, #tpu.memory_space<vmem>>, vector<1x16xf32>,
          %parallel_loop3A_809 = vector.shape_cast %parallel_loop3A_808 : vector<1x16xf32> to vector<16xf32>
          %parallel_loop3A_810 = arith.addf %parallel_loop3A_805, %parallel_loop3A_809 : vector<16xf32>
          %parallel_loop3A_811 = arith.constant 0.000000e+00 : f32
          %parallel_loop3A_812 = vector.broadcast %parallel_loop3A_811 : f32 to vector<16xf32>
          %parallel_loop3A_813 = arith.maximumf %parallel_loop3A_810, %parallel_loop3A_812 : vector<16xf32>
          %parallel_loop3A_814 = arith.index_cast %parallel_loop3A_750 : i32 to index
          %parallel_loop3A_815 = arith.constant 48 : index
          %parallel_loop3A_816 = tpu.vector_load %run_scoped3A_4[%parallel_loop3A_814, %parallel_loop3A_815] {strides = array<i32>} : memref<80x128xf32, #tpu.memory_space<vmem>>, vector<1x16xf32>,
          %parallel_loop3A_817 = vector.shape_cast %parallel_loop3A_816 : vector<1x16xf32> to vector<16xf32>
          %parallel_loop3A_818 = vector.shape_cast %parallel_loop3A_813 : vector<16xf32> to vector<1x16xf32>
          tpu.vector_store %run_scoped3A_4[%parallel_loop3A_814, %parallel_loop3A_815], %parallel_loop3A_818 {strides = array<i32>} : memref<80x128xf32, #tpu.memory_space<vmem>>, vector<1x16xf32>,
          %parallel_loop3A_819 = arith.index_cast %parallel_loop3A_750 : i32 to index
          %parallel_loop3A_820 = arith.constant 64 : index
          %parallel_loop3A_821 = tpu.vector_load %run_scoped3A_2[%parallel_loop3A_819, %parallel_loop3A_820] {strides = array<i32>} : memref<80x128xf32, #tpu.memory_space<vmem>>, vector<1x16xf32>,
          %parallel_loop3A_822 = vector.shape_cast %parallel_loop3A_821 : vector<1x16xf32> to vector<16xf32>
          %parallel_loop3A_823 = arith.index_cast %parallel_loop3A_750 : i32 to index
          %parallel_loop3A_824 = arith.constant 64 : index
          %parallel_loop3A_825 = tpu.vector_load %run_scoped3A_4[%parallel_loop3A_823, %parallel_loop3A_824] {strides = array<i32>} : memref<80x128xf32, #tpu.memory_space<vmem>>, vector<1x16xf32>,
          %parallel_loop3A_826 = vector.shape_cast %parallel_loop3A_825 : vector<1x16xf32> to vector<16xf32>
          %parallel_loop3A_827 = arith.addf %parallel_loop3A_822, %parallel_loop3A_826 : vector<16xf32>
          %parallel_loop3A_828 = arith.constant 0.000000e+00 : f32
          %parallel_loop3A_829 = vector.broadcast %parallel_loop3A_828 : f32 to vector<16xf32>
          %parallel_loop3A_830 = arith.maximumf %parallel_loop3A_827, %parallel_loop3A_829 : vector<16xf32>
          %parallel_loop3A_831 = arith.index_cast %parallel_loop3A_750 : i32 to index
          %parallel_loop3A_832 = arith.constant 64 : index
          %parallel_loop3A_833 = tpu.vector_load %run_scoped3A_4[%parallel_loop3A_831, %parallel_loop3A_832] {strides = array<i32>} : memref<80x128xf32, #tpu.memory_space<vmem>>, vector<1x16xf32>,
          %parallel_loop3A_834 = vector.shape_cast %parallel_loop3A_833 : vector<1x16xf32> to vector<16xf32>
          %parallel_loop3A_835 = vector.shape_cast %parallel_loop3A_830 : vector<16xf32> to vector<1x16xf32>
          tpu.vector_store %run_scoped3A_4[%parallel_loop3A_831, %parallel_loop3A_832], %parallel_loop3A_835 {strides = array<i32>} : memref<80x128xf32, #tpu.memory_space<vmem>>, vector<1x16xf32>,
          %parallel_loop3A_836 = arith.index_cast %parallel_loop3A_750 : i32 to index
          %parallel_loop3A_837 = arith.constant 80 : index
          %parallel_loop3A_838 = tpu.vector_load %run_scoped3A_2[%parallel_loop3A_836, %parallel_loop3A_837] {strides = array<i32>} : memref<80x128xf32, #tpu.memory_space<vmem>>, vector<1x16xf32>,
          %parallel_loop3A_839 = vector.shape_cast %parallel_loop3A_838 : vector<1x16xf32> to vector<16xf32>
          %parallel_loop3A_840 = arith.index_cast %parallel_loop3A_750 : i32 to index
          %parallel_loop3A_841 = arith.constant 80 : index
          %parallel_loop3A_842 = tpu.vector_load %run_scoped3A_4[%parallel_loop3A_840, %parallel_loop3A_841] {strides = array<i32>} : memref<80x128xf32, #tpu.memory_space<vmem>>, vector<1x16xf32>,
          %parallel_loop3A_843 = vector.shape_cast %parallel_loop3A_842 : vector<1x16xf32> to vector<16xf32>
          %parallel_loop3A_844 = arith.addf %parallel_loop3A_839, %parallel_loop3A_843 : vector<16xf32>
          %parallel_loop3A_845 = arith.constant 0.000000e+00 : f32
          %parallel_loop3A_846 = vector.broadcast %parallel_loop3A_845 : f32 to vector<16xf32>
          %parallel_loop3A_847 = arith.maximumf %parallel_loop3A_844, %parallel_loop3A_846 : vector<16xf32>
          %parallel_loop3A_848 = arith.index_cast %parallel_loop3A_750 : i32 to index
          %parallel_loop3A_849 = arith.constant 80 : index
          %parallel_loop3A_850 = tpu.vector_load %run_scoped3A_4[%parallel_loop3A_848, %parallel_loop3A_849] {strides = array<i32>} : memref<80x128xf32, #tpu.memory_space<vmem>>, vector<1x16xf32>,
          %parallel_loop3A_851 = vector.shape_cast %parallel_loop3A_850 : vector<1x16xf32> to vector<16xf32>
          %parallel_loop3A_852 = vector.shape_cast %parallel_loop3A_847 : vector<16xf32> to vector<1x16xf32>
          tpu.vector_store %run_scoped3A_4[%parallel_loop3A_848, %parallel_loop3A_849], %parallel_loop3A_852 {strides = array<i32>} : memref<80x128xf32, #tpu.memory_space<vmem>>, vector<1x16xf32>,
          %parallel_loop3A_853 = arith.index_cast %parallel_loop3A_750 : i32 to index
          %parallel_loop3A_854 = arith.constant 96 : index
          %parallel_loop3A_855 = tpu.vector_load %run_scoped3A_2[%parallel_loop3A_853, %parallel_loop3A_854] {strides = array<i32>} : memref<80x128xf32, #tpu.memory_space<vmem>>, vector<1x16xf32>,
          %parallel_loop3A_856 = vector.shape_cast %parallel_loop3A_855 : vector<1x16xf32> to vector<16xf32>
          %parallel_loop3A_857 = arith.index_cast %parallel_loop3A_750 : i32 to index
          %parallel_loop3A_858 = arith.constant 96 : index
          %parallel_loop3A_859 = tpu.vector_load %run_scoped3A_4[%parallel_loop3A_857, %parallel_loop3A_858] {strides = array<i32>} : memref<80x128xf32, #tpu.memory_space<vmem>>, vector<1x16xf32>,
          %parallel_loop3A_860 = vector.shape_cast %parallel_loop3A_859 : vector<1x16xf32> to vector<16xf32>
          %parallel_loop3A_861 = arith.addf %parallel_loop3A_856, %parallel_loop3A_860 : vector<16xf32>
          %parallel_loop3A_862 = arith.constant 0.000000e+00 : f32
          %parallel_loop3A_863 = vector.broadcast %parallel_loop3A_862 : f32 to vector<16xf32>
          %parallel_loop3A_864 = arith.maximumf %parallel_loop3A_861, %parallel_loop3A_863 : vector<16xf32>
          %parallel_loop3A_865 = arith.index_cast %parallel_loop3A_750 : i32 to index
          %parallel_loop3A_866 = arith.constant 96 : index
          %parallel_loop3A_867 = tpu.vector_load %run_scoped3A_4[%parallel_loop3A_865, %parallel_loop3A_866] {strides = array<i32>} : memref<80x128xf32, #tpu.memory_space<vmem>>, vector<1x16xf32>,
          %parallel_loop3A_868 = vector.shape_cast %parallel_loop3A_867 : vector<1x16xf32> to vector<16xf32>
          %parallel_loop3A_869 = vector.shape_cast %parallel_loop3A_864 : vector<16xf32> to vector<1x16xf32>
          tpu.vector_store %run_scoped3A_4[%parallel_loop3A_865, %parallel_loop3A_866], %parallel_loop3A_869 {strides = array<i32>} : memref<80x128xf32, #tpu.memory_space<vmem>>, vector<1x16xf32>,
          %parallel_loop3A_870 = arith.index_cast %parallel_loop3A_750 : i32 to index
          %parallel_loop3A_871 = arith.constant 112 : index
          %parallel_loop3A_872 = tpu.vector_load %run_scoped3A_2[%parallel_loop3A_870, %parallel_loop3A_871] {strides = array<i32>} : memref<80x128xf32, #tpu.memory_space<vmem>>, vector<1x16xf32>,
          %parallel_loop3A_873 = vector.shape_cast %parallel_loop3A_872 : vector<1x16xf32> to vector<16xf32>
          %parallel_loop3A_874 = arith.index_cast %parallel_loop3A_750 : i32 to index
          %parallel_loop3A_875 = arith.constant 112 : index
          %parallel_loop3A_876 = tpu.vector_load %run_scoped3A_4[%parallel_loop3A_874, %parallel_loop3A_875] {strides = array<i32>} : memref<80x128xf32, #tpu.memory_space<vmem>>, vector<1x16xf32>,
          %parallel_loop3A_877 = vector.shape_cast %parallel_loop3A_876 : vector<1x16xf32> to vector<16xf32>
          %parallel_loop3A_878 = arith.addf %parallel_loop3A_873, %parallel_loop3A_877 : vector<16xf32>
          %parallel_loop3A_879 = arith.constant 0.000000e+00 : f32
          %parallel_loop3A_880 = vector.broadcast %parallel_loop3A_879 : f32 to vector<16xf32>
          %parallel_loop3A_881 = arith.maximumf %parallel_loop3A_878, %parallel_loop3A_880 : vector<16xf32>
          %parallel_loop3A_882 = arith.index_cast %parallel_loop3A_750 : i32 to index
          %parallel_loop3A_883 = arith.constant 112 : index
          %parallel_loop3A_884 = tpu.vector_load %run_scoped3A_4[%parallel_loop3A_882, %parallel_loop3A_883] {strides = array<i32>} : memref<80x128xf32, #tpu.memory_space<vmem>>, vector<1x16xf32>,
          %parallel_loop3A_885 = vector.shape_cast %parallel_loop3A_884 : vector<1x16xf32> to vector<16xf32>
          %parallel_loop3A_886 = vector.shape_cast %parallel_loop3A_881 : vector<16xf32> to vector<1x16xf32>
          tpu.vector_store %run_scoped3A_4[%parallel_loop3A_882, %parallel_loop3A_883], %parallel_loop3A_886 {strides = array<i32>} : memref<80x128xf32, #tpu.memory_space<vmem>>, vector<1x16xf32>,
        } {sc.loop_unroll_factor = 4 : i64, sc.parallel_access}
        %dma_wait3A_735 = arith.constant 0 : i32
        %dma_wait3A_736 = arith.constant 0 : i32
        %dma_wait3A_737 = tpu.memref_slice %arg4[%add3A, %dma_wait3A_735, %dma_wait3A_736] : memref<32x125x80xi32, #tpu.memory_space<hbm>> -> memref<1x1x80xi32, #tpu.memory_space<hbm>>
        %dma_wait3A_738 = tpu.memref_squeeze %dma_wait3A_737 : memref<1x1x80xi32, #tpu.memory_space<hbm>> -> memref<80xi32, #tpu.memory_space<hbm>>
        %dma_wait3A_739 = arith.constant 0 : i32
        %dma_wait3A_740 = tpu.memref_slice %arg4[%add3A, %dma_wait3A_735, %dma_wait3A_739] : memref<32x125x80xi32, #tpu.memory_space<hbm>> -> memref<1x1x80xi32, #tpu.memory_space<hbm>>
        %dma_wait3A_741 = tpu.memref_squeeze %dma_wait3A_740 : memref<1x1x80xi32, #tpu.memory_space<hbm>> -> memref<80xi32, #tpu.memory_space<hbm>>
        tpu.wait_dma2 semaphore(%run_scoped3A_9 : memref<!tpu.dma_semaphore, #tpu.memory_space<semaphore_mem>>) src(%dma_wait3A_741 : memref<80xi32, #tpu.memory_space<hbm>>) dst(%run_scoped3A_0 : memref<80xi32, #tpu.memory_space<vmem>>)
        "tpu.region"() ({
          %run_scoped3A_750 = tpu.sem_alloc : memref<!tpu.dma_semaphore, #tpu.memory_space<semaphore_mem>>
          %dma_start3A_751 = arith.constant 0 : i32
          %dma_start3A_752 = arith.constant 0 : i32
          %dma_start3A_753 = tpu.memref_slice %arg7[%dma_start3A_751, %dma_start3A_752] : memref<10000x128xf32, #tpu.memory_space<vmem_shared>> -> memref<10000x128xf32, #tpu.memory_space<vmem_shared>>
          tpu.enqueue_indirect_dma source(%run_scoped3A_4 : memref<80x128xf32, #tpu.memory_space<vmem>>) target(%dma_start3A_753 : memref<10000x128xf32, #tpu.memory_space<vmem_shared>>) offsets(%run_scoped3A_0 : memref<80xi32, #tpu.memory_space<vmem>>) semaphore(%run_scoped3A_750 : memref<!tpu.dma_semaphore, #tpu.memory_space<semaphore_mem>>) {add = true}
          %dma_wait3A_754 = arith.constant 0 : i32
          %dma_wait3A_755 = arith.constant 0 : i32
          %dma_wait3A_756 = tpu.memref_slice %arg7[%dma_wait3A_754, %dma_wait3A_755] : memref<10000x128xf32, #tpu.memory_space<vmem_shared>> -> memref<10000x128xf32, #tpu.memory_space<vmem_shared>>
          tpu.wait_indirect_dma semaphore(%run_scoped3A_750 : memref<!tpu.dma_semaphore, #tpu.memory_space<semaphore_mem>>) src(%run_scoped3A_4 : memref<80x128xf32, #tpu.memory_space<vmem>>) dst(%dma_wait3A_756 : memref<10000x128xf32, #tpu.memory_space<vmem_shared>>)
          tpu.yield
        }) : () -> ()
        %add3A_742 = arith.constant 2 : i32
        %add3A_743 = arith.addi %mul3A_645, %add3A_742 : i32
        %dma_start3A_744 = arith.constant 0 : i32
        %dma_start3A_745 = tpu.memref_slice %arg4[%add3A, %add3A_743, %dma_start3A_744] : memref<32x125x80xi32, #tpu.memory_space<hbm>> -> memref<1x1x80xi32, #tpu.memory_space<hbm>>
        %dma_start3A_746 = tpu.memref_squeeze %dma_start3A_745 : memref<1x1x80xi32, #tpu.memory_space<hbm>> -> memref<80xi32, #tpu.memory_space<hbm>>
        %dma_start3A_747 = arith.constant 0 : i32
        %dma_start3A_748 = tpu.memref_slice %arg4[%add3A, %add3A_743, %dma_start3A_747] : memref<32x125x80xi32, #tpu.memory_space<hbm>> -> memref<1x1x80xi32, #tpu.memory_space<hbm>>
        %dma_start3A_749 = tpu.memref_squeeze %dma_start3A_748 : memref<1x1x80xi32, #tpu.memory_space<hbm>> -> memref<80xi32, #tpu.memory_space<hbm>>
        tpu.enqueue_dma source(%dma_start3A_749 : memref<80xi32, #tpu.memory_space<hbm>>) target(%run_scoped3A_0 : memref<80xi32, #tpu.memory_space<vmem>>) target_semaphore(%run_scoped3A_9 : memref<!tpu.dma_semaphore, #tpu.memory_space<semaphore_mem>>)
      }
      %scan3A_326 = arith.constant 62 : i32
      %dma_wait3A = arith.constant 0 : i32
      %dma_wait3A_327 = arith.constant 0 : i32
      %dma_wait3A_328 = arith.constant 0 : i32
      %dma_wait3A_329 = tpu.memref_slice %arg5[%add3A, %dma_wait3A, %dma_wait3A_327, %dma_wait3A_328] : memref<32x125x80x128xf32, #tpu.memory_space<hbm>> -> memref<1x1x80x128xf32, #tpu.memory_space<hbm>>
      %dma_wait3A_330 = tpu.memref_squeeze %dma_wait3A_329 : memref<1x1x80x128xf32, #tpu.memory_space<hbm>> -> memref<80x128xf32, #tpu.memory_space<hbm>>
      %dma_wait3A_331 = arith.constant 0 : i32
      %dma_wait3A_332 = arith.constant 0 : i32
      %dma_wait3A_333 = tpu.memref_slice %arg5[%add3A, %dma_wait3A, %dma_wait3A_331, %dma_wait3A_332] : memref<32x125x80x128xf32, #tpu.memory_space<hbm>> -> memref<1x1x80x128xf32, #tpu.memory_space<hbm>>
      %dma_wait3A_334 = tpu.memref_squeeze %dma_wait3A_333 : memref<1x1x80x128xf32, #tpu.memory_space<hbm>> -> memref<80x128xf32, #tpu.memory_space<hbm>>
      tpu.wait_dma2 semaphore(%run_scoped3A_7 : memref<!tpu.dma_semaphore, #tpu.memory_space<semaphore_mem>>) src(%dma_wait3A_334 : memref<80x128xf32, #tpu.memory_space<hbm>>) dst(%run_scoped3A_3 : memref<80x128xf32, #tpu.memory_space<vmem>>)
      %dma_wait3A_335 = arith.constant 0 : i32
      %dma_wait3A_336 = arith.constant 0 : i32
      %dma_wait3A_337 = arith.constant 0 : i32
      %dma_wait3A_338 = tpu.memref_slice %arg5[%add3A, %dma_wait3A_335, %dma_wait3A_336, %dma_wait3A_337] : memref<32x125x80x128xf32, #tpu.memory_space<hbm>> -> memref<1x1x80x128xf32, #tpu.memory_space<hbm>>
      %dma_wait3A_339 = tpu.memref_squeeze %dma_wait3A_338 : memref<1x1x80x128xf32, #tpu.memory_space<hbm>> -> memref<80x128xf32, #tpu.memory_space<hbm>>
      %dma_wait3A_340 = arith.constant 0 : i32
      %dma_wait3A_341 = arith.constant 0 : i32
      %dma_wait3A_342 = tpu.memref_slice %arg5[%add3A, %dma_wait3A_335, %dma_wait3A_340, %dma_wait3A_341] : memref<32x125x80x128xf32, #tpu.memory_space<hbm>> -> memref<1x1x80x128xf32, #tpu.memory_space<hbm>>
      %dma_wait3A_343 = tpu.memref_squeeze %dma_wait3A_342 : memref<1x1x80x128xf32, #tpu.memory_space<hbm>> -> memref<80x128xf32, #tpu.memory_space<hbm>>
      tpu.wait_dma2 semaphore(%run_scoped3A_5 : memref<!tpu.dma_semaphore, #tpu.memory_space<semaphore_mem>>) src(%dma_wait3A_343 : memref<80x128xf32, #tpu.memory_space<hbm>>) dst(%run_scoped3A_1 : memref<80x128xf32, #tpu.memory_space<vmem>>)
      %parallel_loop3A_344 = arith.constant 0 : i32
      %parallel_loop3A_345 = arith.constant 80 : i32
      %parallel_loop3A_346 = arith.constant 1 : i32
      scf.for %parallel_loop3A_643 = %parallel_loop3A_344 to %parallel_loop3A_345 step %parallel_loop3A_346  : i32 {
        %parallel_loop3A_644 = arith.index_cast %parallel_loop3A_643 : i32 to index
        %parallel_loop3A_645 = arith.constant 0 : index
        %parallel_loop3A_646 = tpu.vector_load %run_scoped3A_1[%parallel_loop3A_644, %parallel_loop3A_645] {strides = array<i32>} : memref<80x128xf32, #tpu.memory_space<vmem>>, vector<1x16xf32>,
        %parallel_loop3A_647 = vector.shape_cast %parallel_loop3A_646 : vector<1x16xf32> to vector<16xf32>
        %parallel_loop3A_648 = arith.index_cast %parallel_loop3A_643 : i32 to index
        %parallel_loop3A_649 = arith.constant 0 : index
        %parallel_loop3A_650 = tpu.vector_load %run_scoped3A_3[%parallel_loop3A_648, %parallel_loop3A_649] {strides = array<i32>} : memref<80x128xf32, #tpu.memory_space<vmem>>, vector<1x16xf32>,
        %parallel_loop3A_651 = vector.shape_cast %parallel_loop3A_650 : vector<1x16xf32> to vector<16xf32>
        %parallel_loop3A_652 = arith.addf %parallel_loop3A_647, %parallel_loop3A_651 : vector<16xf32>
        %parallel_loop3A_653 = arith.constant 0.000000e+00 : f32
        %parallel_loop3A_654 = vector.broadcast %parallel_loop3A_653 : f32 to vector<16xf32>
        %parallel_loop3A_655 = arith.maximumf %parallel_loop3A_652, %parallel_loop3A_654 : vector<16xf32>
        %parallel_loop3A_656 = arith.index_cast %parallel_loop3A_643 : i32 to index
        %parallel_loop3A_657 = arith.constant 0 : index
        %parallel_loop3A_658 = tpu.vector_load %run_scoped3A_3[%parallel_loop3A_656, %parallel_loop3A_657] {strides = array<i32>} : memref<80x128xf32, #tpu.memory_space<vmem>>, vector<1x16xf32>,
        %parallel_loop3A_659 = vector.shape_cast %parallel_loop3A_658 : vector<1x16xf32> to vector<16xf32>
        %parallel_loop3A_660 = vector.shape_cast %parallel_loop3A_655 : vector<16xf32> to vector<1x16xf32>
        tpu.vector_store %run_scoped3A_3[%parallel_loop3A_656, %parallel_loop3A_657], %parallel_loop3A_660 {strides = array<i32>} : memref<80x128xf32, #tpu.memory_space<vmem>>, vector<1x16xf32>,
        %parallel_loop3A_661 = arith.index_cast %parallel_loop3A_643 : i32 to index
        %parallel_loop3A_662 = arith.constant 16 : index
        %parallel_loop3A_663 = tpu.vector_load %run_scoped3A_1[%parallel_loop3A_661, %parallel_loop3A_662] {strides = array<i32>} : memref<80x128xf32, #tpu.memory_space<vmem>>, vector<1x16xf32>,
        %parallel_loop3A_664 = vector.shape_cast %parallel_loop3A_663 : vector<1x16xf32> to vector<16xf32>
        %parallel_loop3A_665 = arith.index_cast %parallel_loop3A_643 : i32 to index
        %parallel_loop3A_666 = arith.constant 16 : index
        %parallel_loop3A_667 = tpu.vector_load %run_scoped3A_3[%parallel_loop3A_665, %parallel_loop3A_666] {strides = array<i32>} : memref<80x128xf32, #tpu.memory_space<vmem>>, vector<1x16xf32>,
        %parallel_loop3A_668 = vector.shape_cast %parallel_loop3A_667 : vector<1x16xf32> to vector<16xf32>
        %parallel_loop3A_669 = arith.addf %parallel_loop3A_664, %parallel_loop3A_668 : vector<16xf32>
        %parallel_loop3A_670 = arith.constant 0.000000e+00 : f32
        %parallel_loop3A_671 = vector.broadcast %parallel_loop3A_670 : f32 to vector<16xf32>
        %parallel_loop3A_672 = arith.maximumf %parallel_loop3A_669, %parallel_loop3A_671 : vector<16xf32>
        %parallel_loop3A_673 = arith.index_cast %parallel_loop3A_643 : i32 to index
        %parallel_loop3A_674 = arith.constant 16 : index
        %parallel_loop3A_675 = tpu.vector_load %run_scoped3A_3[%parallel_loop3A_673, %parallel_loop3A_674] {strides = array<i32>} : memref<80x128xf32, #tpu.memory_space<vmem>>, vector<1x16xf32>,
        %parallel_loop3A_676 = vector.shape_cast %parallel_loop3A_675 : vector<1x16xf32> to vector<16xf32>
        %parallel_loop3A_677 = vector.shape_cast %parallel_loop3A_672 : vector<16xf32> to vector<1x16xf32>
        tpu.vector_store %run_scoped3A_3[%parallel_loop3A_673, %parallel_loop3A_674], %parallel_loop3A_677 {strides = array<i32>} : memref<80x128xf32, #tpu.memory_space<vmem>>, vector<1x16xf32>,
        %parallel_loop3A_678 = arith.index_cast %parallel_loop3A_643 : i32 to index
        %parallel_loop3A_679 = arith.constant 32 : index
        %parallel_loop3A_680 = tpu.vector_load %run_scoped3A_1[%parallel_loop3A_678, %parallel_loop3A_679] {strides = array<i32>} : memref<80x128xf32, #tpu.memory_space<vmem>>, vector<1x16xf32>,
        %parallel_loop3A_681 = vector.shape_cast %parallel_loop3A_680 : vector<1x16xf32> to vector<16xf32>
        %parallel_loop3A_682 = arith.index_cast %parallel_loop3A_643 : i32 to index
        %parallel_loop3A_683 = arith.constant 32 : index
        %parallel_loop3A_684 = tpu.vector_load %run_scoped3A_3[%parallel_loop3A_682, %parallel_loop3A_683] {strides = array<i32>} : memref<80x128xf32, #tpu.memory_space<vmem>>, vector<1x16xf32>,
        %parallel_loop3A_685 = vector.shape_cast %parallel_loop3A_684 : vector<1x16xf32> to vector<16xf32>
        %parallel_loop3A_686 = arith.addf %parallel_loop3A_681, %parallel_loop3A_685 : vector<16xf32>
        %parallel_loop3A_687 = arith.constant 0.000000e+00 : f32
        %parallel_loop3A_688 = vector.broadcast %parallel_loop3A_687 : f32 to vector<16xf32>
        %parallel_loop3A_689 = arith.maximumf %parallel_loop3A_686, %parallel_loop3A_688 : vector<16xf32>
        %parallel_loop3A_690 = arith.index_cast %parallel_loop3A_643 : i32 to index
        %parallel_loop3A_691 = arith.constant 32 : index
        %parallel_loop3A_692 = tpu.vector_load %run_scoped3A_3[%parallel_loop3A_690, %parallel_loop3A_691] {strides = array<i32>} : memref<80x128xf32, #tpu.memory_space<vmem>>, vector<1x16xf32>,
        %parallel_loop3A_693 = vector.shape_cast %parallel_loop3A_692 : vector<1x16xf32> to vector<16xf32>
        %parallel_loop3A_694 = vector.shape_cast %parallel_loop3A_689 : vector<16xf32> to vector<1x16xf32>
        tpu.vector_store %run_scoped3A_3[%parallel_loop3A_690, %parallel_loop3A_691], %parallel_loop3A_694 {strides = array<i32>} : memref<80x128xf32, #tpu.memory_space<vmem>>, vector<1x16xf32>,
        %parallel_loop3A_695 = arith.index_cast %parallel_loop3A_643 : i32 to index
        %parallel_loop3A_696 = arith.constant 48 : index
        %parallel_loop3A_697 = tpu.vector_load %run_scoped3A_1[%parallel_loop3A_695, %parallel_loop3A_696] {strides = array<i32>} : memref<80x128xf32, #tpu.memory_space<vmem>>, vector<1x16xf32>,
        %parallel_loop3A_698 = vector.shape_cast %parallel_loop3A_697 : vector<1x16xf32> to vector<16xf32>
        %parallel_loop3A_699 = arith.index_cast %parallel_loop3A_643 : i32 to index
        %parallel_loop3A_700 = arith.constant 48 : index
        %parallel_loop3A_701 = tpu.vector_load %run_scoped3A_3[%parallel_loop3A_699, %parallel_loop3A_700] {strides = array<i32>} : memref<80x128xf32, #tpu.memory_space<vmem>>, vector<1x16xf32>,
        %parallel_loop3A_702 = vector.shape_cast %parallel_loop3A_701 : vector<1x16xf32> to vector<16xf32>
        %parallel_loop3A_703 = arith.addf %parallel_loop3A_698, %parallel_loop3A_702 : vector<16xf32>
        %parallel_loop3A_704 = arith.constant 0.000000e+00 : f32
        %parallel_loop3A_705 = vector.broadcast %parallel_loop3A_704 : f32 to vector<16xf32>
        %parallel_loop3A_706 = arith.maximumf %parallel_loop3A_703, %parallel_loop3A_705 : vector<16xf32>
        %parallel_loop3A_707 = arith.index_cast %parallel_loop3A_643 : i32 to index
        %parallel_loop3A_708 = arith.constant 48 : index
        %parallel_loop3A_709 = tpu.vector_load %run_scoped3A_3[%parallel_loop3A_707, %parallel_loop3A_708] {strides = array<i32>} : memref<80x128xf32, #tpu.memory_space<vmem>>, vector<1x16xf32>,
        %parallel_loop3A_710 = vector.shape_cast %parallel_loop3A_709 : vector<1x16xf32> to vector<16xf32>
        %parallel_loop3A_711 = vector.shape_cast %parallel_loop3A_706 : vector<16xf32> to vector<1x16xf32>
        tpu.vector_store %run_scoped3A_3[%parallel_loop3A_707, %parallel_loop3A_708], %parallel_loop3A_711 {strides = array<i32>} : memref<80x128xf32, #tpu.memory_space<vmem>>, vector<1x16xf32>,
        %parallel_loop3A_712 = arith.index_cast %parallel_loop3A_643 : i32 to index
        %parallel_loop3A_713 = arith.constant 64 : index
        %parallel_loop3A_714 = tpu.vector_load %run_scoped3A_1[%parallel_loop3A_712, %parallel_loop3A_713] {strides = array<i32>} : memref<80x128xf32, #tpu.memory_space<vmem>>, vector<1x16xf32>,
        %parallel_loop3A_715 = vector.shape_cast %parallel_loop3A_714 : vector<1x16xf32> to vector<16xf32>
        %parallel_loop3A_716 = arith.index_cast %parallel_loop3A_643 : i32 to index
        %parallel_loop3A_717 = arith.constant 64 : index
        %parallel_loop3A_718 = tpu.vector_load %run_scoped3A_3[%parallel_loop3A_716, %parallel_loop3A_717] {strides = array<i32>} : memref<80x128xf32, #tpu.memory_space<vmem>>, vector<1x16xf32>,
        %parallel_loop3A_719 = vector.shape_cast %parallel_loop3A_718 : vector<1x16xf32> to vector<16xf32>
        %parallel_loop3A_720 = arith.addf %parallel_loop3A_715, %parallel_loop3A_719 : vector<16xf32>
        %parallel_loop3A_721 = arith.constant 0.000000e+00 : f32
        %parallel_loop3A_722 = vector.broadcast %parallel_loop3A_721 : f32 to vector<16xf32>
        %parallel_loop3A_723 = arith.maximumf %parallel_loop3A_720, %parallel_loop3A_722 : vector<16xf32>
        %parallel_loop3A_724 = arith.index_cast %parallel_loop3A_643 : i32 to index
        %parallel_loop3A_725 = arith.constant 64 : index
        %parallel_loop3A_726 = tpu.vector_load %run_scoped3A_3[%parallel_loop3A_724, %parallel_loop3A_725] {strides = array<i32>} : memref<80x128xf32, #tpu.memory_space<vmem>>, vector<1x16xf32>,
        %parallel_loop3A_727 = vector.shape_cast %parallel_loop3A_726 : vector<1x16xf32> to vector<16xf32>
        %parallel_loop3A_728 = vector.shape_cast %parallel_loop3A_723 : vector<16xf32> to vector<1x16xf32>
        tpu.vector_store %run_scoped3A_3[%parallel_loop3A_724, %parallel_loop3A_725], %parallel_loop3A_728 {strides = array<i32>} : memref<80x128xf32, #tpu.memory_space<vmem>>, vector<1x16xf32>,
        %parallel_loop3A_729 = arith.index_cast %parallel_loop3A_643 : i32 to index
        %parallel_loop3A_730 = arith.constant 80 : index
        %parallel_loop3A_731 = tpu.vector_load %run_scoped3A_1[%parallel_loop3A_729, %parallel_loop3A_730] {strides = array<i32>} : memref<80x128xf32, #tpu.memory_space<vmem>>, vector<1x16xf32>,
        %parallel_loop3A_732 = vector.shape_cast %parallel_loop3A_731 : vector<1x16xf32> to vector<16xf32>
        %parallel_loop3A_733 = arith.index_cast %parallel_loop3A_643 : i32 to index
        %parallel_loop3A_734 = arith.constant 80 : index
        %parallel_loop3A_735 = tpu.vector_load %run_scoped3A_3[%parallel_loop3A_733, %parallel_loop3A_734] {strides = array<i32>} : memref<80x128xf32, #tpu.memory_space<vmem>>, vector<1x16xf32>,
        %parallel_loop3A_736 = vector.shape_cast %parallel_loop3A_735 : vector<1x16xf32> to vector<16xf32>
        %parallel_loop3A_737 = arith.addf %parallel_loop3A_732, %parallel_loop3A_736 : vector<16xf32>
        %parallel_loop3A_738 = arith.constant 0.000000e+00 : f32
        %parallel_loop3A_739 = vector.broadcast %parallel_loop3A_738 : f32 to vector<16xf32>
        %parallel_loop3A_740 = arith.maximumf %parallel_loop3A_737, %parallel_loop3A_739 : vector<16xf32>
        %parallel_loop3A_741 = arith.index_cast %parallel_loop3A_643 : i32 to index
        %parallel_loop3A_742 = arith.constant 80 : index
        %parallel_loop3A_743 = tpu.vector_load %run_scoped3A_3[%parallel_loop3A_741, %parallel_loop3A_742] {strides = array<i32>} : memref<80x128xf32, #tpu.memory_space<vmem>>, vector<1x16xf32>,
        %parallel_loop3A_744 = vector.shape_cast %parallel_loop3A_743 : vector<1x16xf32> to vector<16xf32>
        %parallel_loop3A_745 = vector.shape_cast %parallel_loop3A_740 : vector<16xf32> to vector<1x16xf32>
        tpu.vector_store %run_scoped3A_3[%parallel_loop3A_741, %parallel_loop3A_742], %parallel_loop3A_745 {strides = array<i32>} : memref<80x128xf32, #tpu.memory_space<vmem>>, vector<1x16xf32>,
        %parallel_loop3A_746 = arith.index_cast %parallel_loop3A_643 : i32 to index
        %parallel_loop3A_747 = arith.constant 96 : index
        %parallel_loop3A_748 = tpu.vector_load %run_scoped3A_1[%parallel_loop3A_746, %parallel_loop3A_747] {strides = array<i32>} : memref<80x128xf32, #tpu.memory_space<vmem>>, vector<1x16xf32>,
        %parallel_loop3A_749 = vector.shape_cast %parallel_loop3A_748 : vector<1x16xf32> to vector<16xf32>
        %parallel_loop3A_750 = arith.index_cast %parallel_loop3A_643 : i32 to index
        %parallel_loop3A_751 = arith.constant 96 : index
        %parallel_loop3A_752 = tpu.vector_load %run_scoped3A_3[%parallel_loop3A_750, %parallel_loop3A_751] {strides = array<i32>} : memref<80x128xf32, #tpu.memory_space<vmem>>, vector<1x16xf32>,
        %parallel_loop3A_753 = vector.shape_cast %parallel_loop3A_752 : vector<1x16xf32> to vector<16xf32>
        %parallel_loop3A_754 = arith.addf %parallel_loop3A_749, %parallel_loop3A_753 : vector<16xf32>
        %parallel_loop3A_755 = arith.constant 0.000000e+00 : f32
        %parallel_loop3A_756 = vector.broadcast %parallel_loop3A_755 : f32 to vector<16xf32>
        %parallel_loop3A_757 = arith.maximumf %parallel_loop3A_754, %parallel_loop3A_756 : vector<16xf32>
        %parallel_loop3A_758 = arith.index_cast %parallel_loop3A_643 : i32 to index
        %parallel_loop3A_759 = arith.constant 96 : index
        %parallel_loop3A_760 = tpu.vector_load %run_scoped3A_3[%parallel_loop3A_758, %parallel_loop3A_759] {strides = array<i32>} : memref<80x128xf32, #tpu.memory_space<vmem>>, vector<1x16xf32>,
        %parallel_loop3A_761 = vector.shape_cast %parallel_loop3A_760 : vector<1x16xf32> to vector<16xf32>
        %parallel_loop3A_762 = vector.shape_cast %parallel_loop3A_757 : vector<16xf32> to vector<1x16xf32>
        tpu.vector_store %run_scoped3A_3[%parallel_loop3A_758, %parallel_loop3A_759], %parallel_loop3A_762 {strides = array<i32>} : memref<80x128xf32, #tpu.memory_space<vmem>>, vector<1x16xf32>,
        %parallel_loop3A_763 = arith.index_cast %parallel_loop3A_643 : i32 to index
        %parallel_loop3A_764 = arith.constant 112 : index
        %parallel_loop3A_765 = tpu.vector_load %run_scoped3A_1[%parallel_loop3A_763, %parallel_loop3A_764] {strides = array<i32>} : memref<80x128xf32, #tpu.memory_space<vmem>>, vector<1x16xf32>,
        %parallel_loop3A_766 = vector.shape_cast %parallel_loop3A_765 : vector<1x16xf32> to vector<16xf32>
        %parallel_loop3A_767 = arith.index_cast %parallel_loop3A_643 : i32 to index
        %parallel_loop3A_768 = arith.constant 112 : index
        %parallel_loop3A_769 = tpu.vector_load %run_scoped3A_3[%parallel_loop3A_767, %parallel_loop3A_768] {strides = array<i32>} : memref<80x128xf32, #tpu.memory_space<vmem>>, vector<1x16xf32>,
        %parallel_loop3A_770 = vector.shape_cast %parallel_loop3A_769 : vector<1x16xf32> to vector<16xf32>
        %parallel_loop3A_771 = arith.addf %parallel_loop3A_766, %parallel_loop3A_770 : vector<16xf32>
        %parallel_loop3A_772 = arith.constant 0.000000e+00 : f32
        %parallel_loop3A_773 = vector.broadcast %parallel_loop3A_772 : f32 to vector<16xf32>
        %parallel_loop3A_774 = arith.maximumf %parallel_loop3A_771, %parallel_loop3A_773 : vector<16xf32>
        %parallel_loop3A_775 = arith.index_cast %parallel_loop3A_643 : i32 to index
        %parallel_loop3A_776 = arith.constant 112 : index
        %parallel_loop3A_777 = tpu.vector_load %run_scoped3A_3[%parallel_loop3A_775, %parallel_loop3A_776] {strides = array<i32>} : memref<80x128xf32, #tpu.memory_space<vmem>>, vector<1x16xf32>,
        %parallel_loop3A_778 = vector.shape_cast %parallel_loop3A_777 : vector<1x16xf32> to vector<16xf32>
        %parallel_loop3A_779 = vector.shape_cast %parallel_loop3A_774 : vector<16xf32> to vector<1x16xf32>
        tpu.vector_store %run_scoped3A_3[%parallel_loop3A_775, %parallel_loop3A_776], %parallel_loop3A_779 {strides = array<i32>} : memref<80x128xf32, #tpu.memory_space<vmem>>, vector<1x16xf32>,
      } {sc.loop_unroll_factor = 4 : i64, sc.parallel_access}
      %dma_wait3A_347 = arith.constant 0 : i32
      %dma_wait3A_348 = arith.constant 0 : i32
      %dma_wait3A_349 = tpu.memref_slice %arg4[%add3A, %dma_wait3A_347, %dma_wait3A_348] : memref<32x125x80xi32, #tpu.memory_space<hbm>> -> memref<1x1x80xi32, #tpu.memory_space<hbm>>
      %dma_wait3A_350 = tpu.memref_squeeze %dma_wait3A_349 : memref<1x1x80xi32, #tpu.memory_space<hbm>> -> memref<80xi32, #tpu.memory_space<hbm>>
      %dma_wait3A_351 = arith.constant 0 : i32
      %dma_wait3A_352 = tpu.memref_slice %arg4[%add3A, %dma_wait3A_347, %dma_wait3A_351] : memref<32x125x80xi32, #tpu.memory_space<hbm>> -> memref<1x1x80xi32, #tpu.memory_space<hbm>>
      %dma_wait3A_353 = tpu.memref_squeeze %dma_wait3A_352 : memref<1x1x80xi32, #tpu.memory_space<hbm>> -> memref<80xi32, #tpu.memory_space<hbm>>
      tpu.wait_dma2 semaphore(%run_scoped3A_9 : memref<!tpu.dma_semaphore, #tpu.memory_space<semaphore_mem>>) src(%dma_wait3A_353 : memref<80xi32, #tpu.memory_space<hbm>>) dst(%run_scoped3A_0 : memref<80xi32, #tpu.memory_space<vmem>>)
      "tpu.region"() ({
        %run_scoped3A_643 = tpu.sem_alloc : memref<!tpu.dma_semaphore, #tpu.memory_space<semaphore_mem>>
        %dma_start3A_644 = arith.constant 0 : i32
        %dma_start3A_645 = arith.constant 0 : i32
        %dma_start3A_646 = tpu.memref_slice %arg7[%dma_start3A_644, %dma_start3A_645] : memref<10000x128xf32, #tpu.memory_space<vmem_shared>> -> memref<10000x128xf32, #tpu.memory_space<vmem_shared>>
        tpu.enqueue_indirect_dma source(%run_scoped3A_3 : memref<80x128xf32, #tpu.memory_space<vmem>>) target(%dma_start3A_646 : memref<10000x128xf32, #tpu.memory_space<vmem_shared>>) offsets(%run_scoped3A_0 : memref<80xi32, #tpu.memory_space<vmem>>) semaphore(%run_scoped3A_643 : memref<!tpu.dma_semaphore, #tpu.memory_space<semaphore_mem>>) {add = true}
        %dma_wait3A_647 = arith.constant 0 : i32
        %dma_wait3A_648 = arith.constant 0 : i32
        %dma_wait3A_649 = tpu.memref_slice %arg7[%dma_wait3A_647, %dma_wait3A_648] : memref<10000x128xf32, #tpu.memory_space<vmem_shared>> -> memref<10000x128xf32, #tpu.memory_space<vmem_shared>>
        tpu.wait_indirect_dma semaphore(%run_scoped3A_643 : memref<!tpu.dma_semaphore, #tpu.memory_space<semaphore_mem>>) src(%run_scoped3A_3 : memref<80x128xf32, #tpu.memory_space<vmem>>) dst(%dma_wait3A_649 : memref<10000x128xf32, #tpu.memory_space<vmem_shared>>)
        tpu.yield
      }) : () -> ()
      %barrier3A_354 = arith.constant 0 : index
      tpu.barrier barrier_id(%barrier3A_354)
      %mul3A_355 = arith.constant 16 : i32
      %mul3A_356 = arith.muli %arg1, %mul3A_355 : i32
      %add3A_357 = arith.constant 0 : i32
      %add3A_358 = arith.addi %mul3A_356, %add3A_357 : i32
      %lt3A_359 = arith.constant 250 : i32
      %lt3A_360 = arith.cmpi slt, %add3A_358, %lt3A_359 : i32
      %convert_element_type3A_361 = arith.extui %lt3A_360 : i1 to i32
      %cond3A_362 = arith.constant 0 : i32
      %cond3A_363 = arith.cmpi ne, %convert_element_type3A_361, %cond3A_362 : i32
      scf.if %cond3A_363 {
        %mul3A_643 = arith.constant 40 : i32
        %mul3A_644 = arith.muli %add3A_358, %mul3A_643 : i32
        %mul3A_645 = arith.constant 40 : i32
        %mul3A_646 = arith.muli %add3A_358, %mul3A_645 : i32
        %dma_start3A_647 = arith.constant 0 : i32
        %dma_start3A_648 = tpu.memref_slice %arg6[%arg0, %mul3A_646, %dma_start3A_647] : memref<2x10000x128xf32, #tpu.memory_space<hbm>> -> memref<1x40x128xf32, #tpu.memory_space<hbm>>
        %dma_start3A_649 = tpu.memref_squeeze %dma_start3A_648 : memref<1x40x128xf32, #tpu.memory_space<hbm>> -> memref<40x128xf32, #tpu.memory_space<hbm>>
        %dma_start3A_650 = arith.constant 0 : i32
        %dma_start3A_651 = tpu.memref_slice %arg7[%mul3A_644, %dma_start3A_650] : memref<10000x128xf32, #tpu.memory_space<vmem_shared>> -> memref<40x128xf32, #tpu.memory_space<vmem_shared>>
        tpu.enqueue_dma source(%dma_start3A_651 : memref<40x128xf32, #tpu.memory_space<vmem_shared>>) target(%dma_start3A_649 : memref<40x128xf32, #tpu.memory_space<hbm>>) target_semaphore(%run_scoped3A_10 : memref<!tpu.dma_semaphore, #tpu.memory_space<semaphore_mem>>)
      } else {
      }
      %mul3A_364 = arith.constant 16 : i32
      %mul3A_365 = arith.muli %arg1, %mul3A_364 : i32
      %add3A_366 = arith.constant 1 : i32
      %add3A_367 = arith.addi %mul3A_365, %add3A_366 : i32
      %lt3A_368 = arith.constant 250 : i32
      %lt3A_369 = arith.cmpi slt, %add3A_367, %lt3A_368 : i32
      %convert_element_type3A_370 = arith.extui %lt3A_369 : i1 to i32
      %cond3A_371 = arith.constant 0 : i32
      %cond3A_372 = arith.cmpi ne, %convert_element_type3A_370, %cond3A_371 : i32
      scf.if %cond3A_372 {
        %mul3A_643 = arith.constant 40 : i32
        %mul3A_644 = arith.muli %add3A_367, %mul3A_643 : i32
        %mul3A_645 = arith.constant 40 : i32
        %mul3A_646 = arith.muli %add3A_367, %mul3A_645 : i32
        %dma_start3A_647 = arith.constant 0 : i32
        %dma_start3A_648 = tpu.memref_slice %arg6[%arg0, %mul3A_646, %dma_start3A_647] : memref<2x10000x128xf32, #tpu.memory_space<hbm>> -> memref<1x40x128xf32, #tpu.memory_space<hbm>>
        %dma_start3A_649 = tpu.memref_squeeze %dma_start3A_648 : memref<1x40x128xf32, #tpu.memory_space<hbm>> -> memref<40x128xf32, #tpu.memory_space<hbm>>
        %dma_start3A_650 = arith.constant 0 : i32
        %dma_start3A_651 = tpu.memref_slice %arg7[%mul3A_644, %dma_start3A_650] : memref<10000x128xf32, #tpu.memory_space<vmem_shared>> -> memref<40x128xf32, #tpu.memory_space<vmem_shared>>
        tpu.enqueue_dma source(%dma_start3A_651 : memref<40x128xf32, #tpu.memory_space<vmem_shared>>) target(%dma_start3A_649 : memref<40x128xf32, #tpu.memory_space<hbm>>) target_semaphore(%run_scoped3A_10 : memref<!tpu.dma_semaphore, #tpu.memory_space<semaphore_mem>>)
      } else {
      }
      %mul3A_373 = arith.constant 16 : i32
      %mul3A_374 = arith.muli %arg1, %mul3A_373 : i32
      %add3A_375 = arith.constant 2 : i32
      %add3A_376 = arith.addi %mul3A_374, %add3A_375 : i32
      %lt3A_377 = arith.constant 250 : i32
      %lt3A_378 = arith.cmpi slt, %add3A_376, %lt3A_377 : i32
      %convert_element_type3A_379 = arith.extui %lt3A_378 : i1 to i32
      %cond3A_380 = arith.constant 0 : i32
      %cond3A_381 = arith.cmpi ne, %convert_element_type3A_379, %cond3A_380 : i32
      scf.if %cond3A_381 {
        %mul3A_643 = arith.constant 40 : i32
        %mul3A_644 = arith.muli %add3A_376, %mul3A_643 : i32
        %mul3A_645 = arith.constant 40 : i32
        %mul3A_646 = arith.muli %add3A_376, %mul3A_645 : i32
        %dma_start3A_647 = arith.constant 0 : i32
        %dma_start3A_648 = tpu.memref_slice %arg6[%arg0, %mul3A_646, %dma_start3A_647] : memref<2x10000x128xf32, #tpu.memory_space<hbm>> -> memref<1x40x128xf32, #tpu.memory_space<hbm>>
        %dma_start3A_649 = tpu.memref_squeeze %dma_start3A_648 : memref<1x40x128xf32, #tpu.memory_space<hbm>> -> memref<40x128xf32, #tpu.memory_space<hbm>>
        %dma_start3A_650 = arith.constant 0 : i32
        %dma_start3A_651 = tpu.memref_slice %arg7[%mul3A_644, %dma_start3A_650] : memref<10000x128xf32, #tpu.memory_space<vmem_shared>> -> memref<40x128xf32, #tpu.memory_space<vmem_shared>>
        tpu.enqueue_dma source(%dma_start3A_651 : memref<40x128xf32, #tpu.memory_space<vmem_shared>>) target(%dma_start3A_649 : memref<40x128xf32, #tpu.memory_space<hbm>>) target_semaphore(%run_scoped3A_10 : memref<!tpu.dma_semaphore, #tpu.memory_space<semaphore_mem>>)
      } else {
      }
      %mul3A_382 = arith.constant 16 : i32
      %mul3A_383 = arith.muli %arg1, %mul3A_382 : i32
      %add3A_384 = arith.constant 3 : i32
      %add3A_385 = arith.addi %mul3A_383, %add3A_384 : i32
      %lt3A_386 = arith.constant 250 : i32
      %lt3A_387 = arith.cmpi slt, %add3A_385, %lt3A_386 : i32
      %convert_element_type3A_388 = arith.extui %lt3A_387 : i1 to i32
      %cond3A_389 = arith.constant 0 : i32
      %cond3A_390 = arith.cmpi ne, %convert_element_type3A_388, %cond3A_389 : i32
      scf.if %cond3A_390 {
        %mul3A_643 = arith.constant 40 : i32
        %mul3A_644 = arith.muli %add3A_385, %mul3A_643 : i32
        %mul3A_645 = arith.constant 40 : i32
        %mul3A_646 = arith.muli %add3A_385, %mul3A_645 : i32
        %dma_start3A_647 = arith.constant 0 : i32
        %dma_start3A_648 = tpu.memref_slice %arg6[%arg0, %mul3A_646, %dma_start3A_647] : memref<2x10000x128xf32, #tpu.memory_space<hbm>> -> memref<1x40x128xf32, #tpu.memory_space<hbm>>
        %dma_start3A_649 = tpu.memref_squeeze %dma_start3A_648 : memref<1x40x128xf32, #tpu.memory_space<hbm>> -> memref<40x128xf32, #tpu.memory_space<hbm>>
        %dma_start3A_650 = arith.constant 0 : i32
        %dma_start3A_651 = tpu.memref_slice %arg7[%mul3A_644, %dma_start3A_650] : memref<10000x128xf32, #tpu.memory_space<vmem_shared>> -> memref<40x128xf32, #tpu.memory_space<vmem_shared>>
        tpu.enqueue_dma source(%dma_start3A_651 : memref<40x128xf32, #tpu.memory_space<vmem_shared>>) target(%dma_start3A_649 : memref<40x128xf32, #tpu.memory_space<hbm>>) target_semaphore(%run_scoped3A_10 : memref<!tpu.dma_semaphore, #tpu.memory_space<semaphore_mem>>)
      } else {
      }
      %mul3A_391 = arith.constant 16 : i32
      %mul3A_392 = arith.muli %arg1, %mul3A_391 : i32
      %add3A_393 = arith.constant 4 : i32
      %add3A_394 = arith.addi %mul3A_392, %add3A_393 : i32
      %lt3A_395 = arith.constant 250 : i32
      %lt3A_396 = arith.cmpi slt, %add3A_394, %lt3A_395 : i32
      %convert_element_type3A_397 = arith.extui %lt3A_396 : i1 to i32
      %cond3A_398 = arith.constant 0 : i32
      %cond3A_399 = arith.cmpi ne, %convert_element_type3A_397, %cond3A_398 : i32
      scf.if %cond3A_399 {
        %mul3A_643 = arith.constant 40 : i32
        %mul3A_644 = arith.muli %add3A_394, %mul3A_643 : i32
        %mul3A_645 = arith.constant 40 : i32
        %mul3A_646 = arith.muli %add3A_394, %mul3A_645 : i32
        %dma_start3A_647 = arith.constant 0 : i32
        %dma_start3A_648 = tpu.memref_slice %arg6[%arg0, %mul3A_646, %dma_start3A_647] : memref<2x10000x128xf32, #tpu.memory_space<hbm>> -> memref<1x40x128xf32, #tpu.memory_space<hbm>>
        %dma_start3A_649 = tpu.memref_squeeze %dma_start3A_648 : memref<1x40x128xf32, #tpu.memory_space<hbm>> -> memref<40x128xf32, #tpu.memory_space<hbm>>
        %dma_start3A_650 = arith.constant 0 : i32
        %dma_start3A_651 = tpu.memref_slice %arg7[%mul3A_644, %dma_start3A_650] : memref<10000x128xf32, #tpu.memory_space<vmem_shared>> -> memref<40x128xf32, #tpu.memory_space<vmem_shared>>
        tpu.enqueue_dma source(%dma_start3A_651 : memref<40x128xf32, #tpu.memory_space<vmem_shared>>) target(%dma_start3A_649 : memref<40x128xf32, #tpu.memory_space<hbm>>) target_semaphore(%run_scoped3A_10 : memref<!tpu.dma_semaphore, #tpu.memory_space<semaphore_mem>>)
      } else {
      }
      %mul3A_400 = arith.constant 16 : i32
      %mul3A_401 = arith.muli %arg1, %mul3A_400 : i32
      %add3A_402 = arith.constant 5 : i32
      %add3A_403 = arith.addi %mul3A_401, %add3A_402 : i32
      %lt3A_404 = arith.constant 250 : i32
      %lt3A_405 = arith.cmpi slt, %add3A_403, %lt3A_404 : i32
      %convert_element_type3A_406 = arith.extui %lt3A_405 : i1 to i32
      %cond3A_407 = arith.constant 0 : i32
      %cond3A_408 = arith.cmpi ne, %convert_element_type3A_406, %cond3A_407 : i32
      scf.if %cond3A_408 {
        %mul3A_643 = arith.constant 40 : i32
        %mul3A_644 = arith.muli %add3A_403, %mul3A_643 : i32
        %mul3A_645 = arith.constant 40 : i32
        %mul3A_646 = arith.muli %add3A_403, %mul3A_645 : i32
        %dma_start3A_647 = arith.constant 0 : i32
        %dma_start3A_648 = tpu.memref_slice %arg6[%arg0, %mul3A_646, %dma_start3A_647] : memref<2x10000x128xf32, #tpu.memory_space<hbm>> -> memref<1x40x128xf32, #tpu.memory_space<hbm>>
        %dma_start3A_649 = tpu.memref_squeeze %dma_start3A_648 : memref<1x40x128xf32, #tpu.memory_space<hbm>> -> memref<40x128xf32, #tpu.memory_space<hbm>>
        %dma_start3A_650 = arith.constant 0 : i32
        %dma_start3A_651 = tpu.memref_slice %arg7[%mul3A_644, %dma_start3A_650] : memref<10000x128xf32, #tpu.memory_space<vmem_shared>> -> memref<40x128xf32, #tpu.memory_space<vmem_shared>>
        tpu.enqueue_dma source(%dma_start3A_651 : memref<40x128xf32, #tpu.memory_space<vmem_shared>>) target(%dma_start3A_649 : memref<40x128xf32, #tpu.memory_space<hbm>>) target_semaphore(%run_scoped3A_10 : memref<!tpu.dma_semaphore, #tpu.memory_space<semaphore_mem>>)
      } else {
      }
      %mul3A_409 = arith.constant 16 : i32
      %mul3A_410 = arith.muli %arg1, %mul3A_409 : i32
      %add3A_411 = arith.constant 6 : i32
      %add3A_412 = arith.addi %mul3A_410, %add3A_411 : i32
      %lt3A_413 = arith.constant 250 : i32
      %lt3A_414 = arith.cmpi slt, %add3A_412, %lt3A_413 : i32
      %convert_element_type3A_415 = arith.extui %lt3A_414 : i1 to i32
      %cond3A_416 = arith.constant 0 : i32
      %cond3A_417 = arith.cmpi ne, %convert_element_type3A_415, %cond3A_416 : i32
      scf.if %cond3A_417 {
        %mul3A_643 = arith.constant 40 : i32
        %mul3A_644 = arith.muli %add3A_412, %mul3A_643 : i32
        %mul3A_645 = arith.constant 40 : i32
        %mul3A_646 = arith.muli %add3A_412, %mul3A_645 : i32
        %dma_start3A_647 = arith.constant 0 : i32
        %dma_start3A_648 = tpu.memref_slice %arg6[%arg0, %mul3A_646, %dma_start3A_647] : memref<2x10000x128xf32, #tpu.memory_space<hbm>> -> memref<1x40x128xf32, #tpu.memory_space<hbm>>
        %dma_start3A_649 = tpu.memref_squeeze %dma_start3A_648 : memref<1x40x128xf32, #tpu.memory_space<hbm>> -> memref<40x128xf32, #tpu.memory_space<hbm>>
        %dma_start3A_650 = arith.constant 0 : i32
        %dma_start3A_651 = tpu.memref_slice %arg7[%mul3A_644, %dma_start3A_650] : memref<10000x128xf32, #tpu.memory_space<vmem_shared>> -> memref<40x128xf32, #tpu.memory_space<vmem_shared>>
        tpu.enqueue_dma source(%dma_start3A_651 : memref<40x128xf32, #tpu.memory_space<vmem_shared>>) target(%dma_start3A_649 : memref<40x128xf32, #tpu.memory_space<hbm>>) target_semaphore(%run_scoped3A_10 : memref<!tpu.dma_semaphore, #tpu.memory_space<semaphore_mem>>)
      } else {
      }
      %mul3A_418 = arith.constant 16 : i32
      %mul3A_419 = arith.muli %arg1, %mul3A_418 : i32
      %add3A_420 = arith.constant 7 : i32
      %add3A_421 = arith.addi %mul3A_419, %add3A_420 : i32
      %lt3A_422 = arith.constant 250 : i32
      %lt3A_423 = arith.cmpi slt, %add3A_421, %lt3A_422 : i32
      %convert_element_type3A_424 = arith.extui %lt3A_423 : i1 to i32
      %cond3A_425 = arith.constant 0 : i32
      %cond3A_426 = arith.cmpi ne, %convert_element_type3A_424, %cond3A_425 : i32
      scf.if %cond3A_426 {
        %mul3A_643 = arith.constant 40 : i32
        %mul3A_644 = arith.muli %add3A_421, %mul3A_643 : i32
        %mul3A_645 = arith.constant 40 : i32
        %mul3A_646 = arith.muli %add3A_421, %mul3A_645 : i32
        %dma_start3A_647 = arith.constant 0 : i32
        %dma_start3A_648 = tpu.memref_slice %arg6[%arg0, %mul3A_646, %dma_start3A_647] : memref<2x10000x128xf32, #tpu.memory_space<hbm>> -> memref<1x40x128xf32, #tpu.memory_space<hbm>>
        %dma_start3A_649 = tpu.memref_squeeze %dma_start3A_648 : memref<1x40x128xf32, #tpu.memory_space<hbm>> -> memref<40x128xf32, #tpu.memory_space<hbm>>
        %dma_start3A_650 = arith.constant 0 : i32
        %dma_start3A_651 = tpu.memref_slice %arg7[%mul3A_644, %dma_start3A_650] : memref<10000x128xf32, #tpu.memory_space<vmem_shared>> -> memref<40x128xf32, #tpu.memory_space<vmem_shared>>
        tpu.enqueue_dma source(%dma_start3A_651 : memref<40x128xf32, #tpu.memory_space<vmem_shared>>) target(%dma_start3A_649 : memref<40x128xf32, #tpu.memory_space<hbm>>) target_semaphore(%run_scoped3A_10 : memref<!tpu.dma_semaphore, #tpu.memory_space<semaphore_mem>>)
      } else {
      }
      %mul3A_427 = arith.constant 16 : i32
      %mul3A_428 = arith.muli %arg1, %mul3A_427 : i32
      %add3A_429 = arith.constant 8 : i32
      %add3A_430 = arith.addi %mul3A_428, %add3A_429 : i32
      %lt3A_431 = arith.constant 250 : i32
      %lt3A_432 = arith.cmpi slt, %add3A_430, %lt3A_431 : i32
      %convert_element_type3A_433 = arith.extui %lt3A_432 : i1 to i32
      %cond3A_434 = arith.constant 0 : i32
      %cond3A_435 = arith.cmpi ne, %convert_element_type3A_433, %cond3A_434 : i32
      scf.if %cond3A_435 {
        %mul3A_643 = arith.constant 40 : i32
        %mul3A_644 = arith.muli %add3A_430, %mul3A_643 : i32
        %mul3A_645 = arith.constant 40 : i32
        %mul3A_646 = arith.muli %add3A_430, %mul3A_645 : i32
        %dma_start3A_647 = arith.constant 0 : i32
        %dma_start3A_648 = tpu.memref_slice %arg6[%arg0, %mul3A_646, %dma_start3A_647] : memref<2x10000x128xf32, #tpu.memory_space<hbm>> -> memref<1x40x128xf32, #tpu.memory_space<hbm>>
        %dma_start3A_649 = tpu.memref_squeeze %dma_start3A_648 : memref<1x40x128xf32, #tpu.memory_space<hbm>> -> memref<40x128xf32, #tpu.memory_space<hbm>>
        %dma_start3A_650 = arith.constant 0 : i32
        %dma_start3A_651 = tpu.memref_slice %arg7[%mul3A_644, %dma_start3A_650] : memref<10000x128xf32, #tpu.memory_space<vmem_shared>> -> memref<40x128xf32, #tpu.memory_space<vmem_shared>>
        tpu.enqueue_dma source(%dma_start3A_651 : memref<40x128xf32, #tpu.memory_space<vmem_shared>>) target(%dma_start3A_649 : memref<40x128xf32, #tpu.memory_space<hbm>>) target_semaphore(%run_scoped3A_10 : memref<!tpu.dma_semaphore, #tpu.memory_space<semaphore_mem>>)
      } else {
      }
      %mul3A_436 = arith.constant 16 : i32
      %mul3A_437 = arith.muli %arg1, %mul3A_436 : i32
      %add3A_438 = arith.constant 9 : i32
      %add3A_439 = arith.addi %mul3A_437, %add3A_438 : i32
      %lt3A_440 = arith.constant 250 : i32
      %lt3A_441 = arith.cmpi slt, %add3A_439, %lt3A_440 : i32
      %convert_element_type3A_442 = arith.extui %lt3A_441 : i1 to i32
      %cond3A_443 = arith.constant 0 : i32
      %cond3A_444 = arith.cmpi ne, %convert_element_type3A_442, %cond3A_443 : i32
      scf.if %cond3A_444 {
        %mul3A_643 = arith.constant 40 : i32
        %mul3A_644 = arith.muli %add3A_439, %mul3A_643 : i32
        %mul3A_645 = arith.constant 40 : i32
        %mul3A_646 = arith.muli %add3A_439, %mul3A_645 : i32
        %dma_start3A_647 = arith.constant 0 : i32
        %dma_start3A_648 = tpu.memref_slice %arg6[%arg0, %mul3A_646, %dma_start3A_647] : memref<2x10000x128xf32, #tpu.memory_space<hbm>> -> memref<1x40x128xf32, #tpu.memory_space<hbm>>
        %dma_start3A_649 = tpu.memref_squeeze %dma_start3A_648 : memref<1x40x128xf32, #tpu.memory_space<hbm>> -> memref<40x128xf32, #tpu.memory_space<hbm>>
        %dma_start3A_650 = arith.constant 0 : i32
        %dma_start3A_651 = tpu.memref_slice %arg7[%mul3A_644, %dma_start3A_650] : memref<10000x128xf32, #tpu.memory_space<vmem_shared>> -> memref<40x128xf32, #tpu.memory_space<vmem_shared>>
        tpu.enqueue_dma source(%dma_start3A_651 : memref<40x128xf32, #tpu.memory_space<vmem_shared>>) target(%dma_start3A_649 : memref<40x128xf32, #tpu.memory_space<hbm>>) target_semaphore(%run_scoped3A_10 : memref<!tpu.dma_semaphore, #tpu.memory_space<semaphore_mem>>)
      } else {
      }
      %mul3A_445 = arith.constant 16 : i32
      %mul3A_446 = arith.muli %arg1, %mul3A_445 : i32
      %add3A_447 = arith.constant 10 : i32
      %add3A_448 = arith.addi %mul3A_446, %add3A_447 : i32
      %lt3A_449 = arith.constant 250 : i32
      %lt3A_450 = arith.cmpi slt, %add3A_448, %lt3A_449 : i32
      %convert_element_type3A_451 = arith.extui %lt3A_450 : i1 to i32
      %cond3A_452 = arith.constant 0 : i32
      %cond3A_453 = arith.cmpi ne, %convert_element_type3A_451, %cond3A_452 : i32
      scf.if %cond3A_453 {
        %mul3A_643 = arith.constant 40 : i32
        %mul3A_644 = arith.muli %add3A_448, %mul3A_643 : i32
        %mul3A_645 = arith.constant 40 : i32
        %mul3A_646 = arith.muli %add3A_448, %mul3A_645 : i32
        %dma_start3A_647 = arith.constant 0 : i32
        %dma_start3A_648 = tpu.memref_slice %arg6[%arg0, %mul3A_646, %dma_start3A_647] : memref<2x10000x128xf32, #tpu.memory_space<hbm>> -> memref<1x40x128xf32, #tpu.memory_space<hbm>>
        %dma_start3A_649 = tpu.memref_squeeze %dma_start3A_648 : memref<1x40x128xf32, #tpu.memory_space<hbm>> -> memref<40x128xf32, #tpu.memory_space<hbm>>
        %dma_start3A_650 = arith.constant 0 : i32
        %dma_start3A_651 = tpu.memref_slice %arg7[%mul3A_644, %dma_start3A_650] : memref<10000x128xf32, #tpu.memory_space<vmem_shared>> -> memref<40x128xf32, #tpu.memory_space<vmem_shared>>
        tpu.enqueue_dma source(%dma_start3A_651 : memref<40x128xf32, #tpu.memory_space<vmem_shared>>) target(%dma_start3A_649 : memref<40x128xf32, #tpu.memory_space<hbm>>) target_semaphore(%run_scoped3A_10 : memref<!tpu.dma_semaphore, #tpu.memory_space<semaphore_mem>>)
      } else {
      }
      %mul3A_454 = arith.constant 16 : i32
      %mul3A_455 = arith.muli %arg1, %mul3A_454 : i32
      %add3A_456 = arith.constant 11 : i32
      %add3A_457 = arith.addi %mul3A_455, %add3A_456 : i32
      %lt3A_458 = arith.constant 250 : i32
      %lt3A_459 = arith.cmpi slt, %add3A_457, %lt3A_458 : i32
      %convert_element_type3A_460 = arith.extui %lt3A_459 : i1 to i32
      %cond3A_461 = arith.constant 0 : i32
      %cond3A_462 = arith.cmpi ne, %convert_element_type3A_460, %cond3A_461 : i32
      scf.if %cond3A_462 {
        %mul3A_643 = arith.constant 40 : i32
        %mul3A_644 = arith.muli %add3A_457, %mul3A_643 : i32
        %mul3A_645 = arith.constant 40 : i32
        %mul3A_646 = arith.muli %add3A_457, %mul3A_645 : i32
        %dma_start3A_647 = arith.constant 0 : i32
        %dma_start3A_648 = tpu.memref_slice %arg6[%arg0, %mul3A_646, %dma_start3A_647] : memref<2x10000x128xf32, #tpu.memory_space<hbm>> -> memref<1x40x128xf32, #tpu.memory_space<hbm>>
        %dma_start3A_649 = tpu.memref_squeeze %dma_start3A_648 : memref<1x40x128xf32, #tpu.memory_space<hbm>> -> memref<40x128xf32, #tpu.memory_space<hbm>>
        %dma_start3A_650 = arith.constant 0 : i32
        %dma_start3A_651 = tpu.memref_slice %arg7[%mul3A_644, %dma_start3A_650] : memref<10000x128xf32, #tpu.memory_space<vmem_shared>> -> memref<40x128xf32, #tpu.memory_space<vmem_shared>>
        tpu.enqueue_dma source(%dma_start3A_651 : memref<40x128xf32, #tpu.memory_space<vmem_shared>>) target(%dma_start3A_649 : memref<40x128xf32, #tpu.memory_space<hbm>>) target_semaphore(%run_scoped3A_10 : memref<!tpu.dma_semaphore, #tpu.memory_space<semaphore_mem>>)
      } else {
      }
      %mul3A_463 = arith.constant 16 : i32
      %mul3A_464 = arith.muli %arg1, %mul3A_463 : i32
      %add3A_465 = arith.constant 12 : i32
      %add3A_466 = arith.addi %mul3A_464, %add3A_465 : i32
      %lt3A_467 = arith.constant 250 : i32
      %lt3A_468 = arith.cmpi slt, %add3A_466, %lt3A_467 : i32
      %convert_element_type3A_469 = arith.extui %lt3A_468 : i1 to i32
      %cond3A_470 = arith.constant 0 : i32
      %cond3A_471 = arith.cmpi ne, %convert_element_type3A_469, %cond3A_470 : i32
      scf.if %cond3A_471 {
        %mul3A_643 = arith.constant 40 : i32
        %mul3A_644 = arith.muli %add3A_466, %mul3A_643 : i32
        %mul3A_645 = arith.constant 40 : i32
        %mul3A_646 = arith.muli %add3A_466, %mul3A_645 : i32
        %dma_start3A_647 = arith.constant 0 : i32
        %dma_start3A_648 = tpu.memref_slice %arg6[%arg0, %mul3A_646, %dma_start3A_647] : memref<2x10000x128xf32, #tpu.memory_space<hbm>> -> memref<1x40x128xf32, #tpu.memory_space<hbm>>
        %dma_start3A_649 = tpu.memref_squeeze %dma_start3A_648 : memref<1x40x128xf32, #tpu.memory_space<hbm>> -> memref<40x128xf32, #tpu.memory_space<hbm>>
        %dma_start3A_650 = arith.constant 0 : i32
        %dma_start3A_651 = tpu.memref_slice %arg7[%mul3A_644, %dma_start3A_650] : memref<10000x128xf32, #tpu.memory_space<vmem_shared>> -> memref<40x128xf32, #tpu.memory_space<vmem_shared>>
        tpu.enqueue_dma source(%dma_start3A_651 : memref<40x128xf32, #tpu.memory_space<vmem_shared>>) target(%dma_start3A_649 : memref<40x128xf32, #tpu.memory_space<hbm>>) target_semaphore(%run_scoped3A_10 : memref<!tpu.dma_semaphore, #tpu.memory_space<semaphore_mem>>)
      } else {
      }
      %mul3A_472 = arith.constant 16 : i32
      %mul3A_473 = arith.muli %arg1, %mul3A_472 : i32
      %add3A_474 = arith.constant 13 : i32
      %add3A_475 = arith.addi %mul3A_473, %add3A_474 : i32
      %lt3A_476 = arith.constant 250 : i32
      %lt3A_477 = arith.cmpi slt, %add3A_475, %lt3A_476 : i32
      %convert_element_type3A_478 = arith.extui %lt3A_477 : i1 to i32
      %cond3A_479 = arith.constant 0 : i32
      %cond3A_480 = arith.cmpi ne, %convert_element_type3A_478, %cond3A_479 : i32
      scf.if %cond3A_480 {
        %mul3A_643 = arith.constant 40 : i32
        %mul3A_644 = arith.muli %add3A_475, %mul3A_643 : i32
        %mul3A_645 = arith.constant 40 : i32
        %mul3A_646 = arith.muli %add3A_475, %mul3A_645 : i32
        %dma_start3A_647 = arith.constant 0 : i32
        %dma_start3A_648 = tpu.memref_slice %arg6[%arg0, %mul3A_646, %dma_start3A_647] : memref<2x10000x128xf32, #tpu.memory_space<hbm>> -> memref<1x40x128xf32, #tpu.memory_space<hbm>>
        %dma_start3A_649 = tpu.memref_squeeze %dma_start3A_648 : memref<1x40x128xf32, #tpu.memory_space<hbm>> -> memref<40x128xf32, #tpu.memory_space<hbm>>
        %dma_start3A_650 = arith.constant 0 : i32
        %dma_start3A_651 = tpu.memref_slice %arg7[%mul3A_644, %dma_start3A_650] : memref<10000x128xf32, #tpu.memory_space<vmem_shared>> -> memref<40x128xf32, #tpu.memory_space<vmem_shared>>
        tpu.enqueue_dma source(%dma_start3A_651 : memref<40x128xf32, #tpu.memory_space<vmem_shared>>) target(%dma_start3A_649 : memref<40x128xf32, #tpu.memory_space<hbm>>) target_semaphore(%run_scoped3A_10 : memref<!tpu.dma_semaphore, #tpu.memory_space<semaphore_mem>>)
      } else {
      }
      %mul3A_481 = arith.constant 16 : i32
      %mul3A_482 = arith.muli %arg1, %mul3A_481 : i32
      %add3A_483 = arith.constant 14 : i32
      %add3A_484 = arith.addi %mul3A_482, %add3A_483 : i32
      %lt3A_485 = arith.constant 250 : i32
      %lt3A_486 = arith.cmpi slt, %add3A_484, %lt3A_485 : i32
      %convert_element_type3A_487 = arith.extui %lt3A_486 : i1 to i32
      %cond3A_488 = arith.constant 0 : i32
      %cond3A_489 = arith.cmpi ne, %convert_element_type3A_487, %cond3A_488 : i32
      scf.if %cond3A_489 {
        %mul3A_643 = arith.constant 40 : i32
        %mul3A_644 = arith.muli %add3A_484, %mul3A_643 : i32
        %mul3A_645 = arith.constant 40 : i32
        %mul3A_646 = arith.muli %add3A_484, %mul3A_645 : i32
        %dma_start3A_647 = arith.constant 0 : i32
        %dma_start3A_648 = tpu.memref_slice %arg6[%arg0, %mul3A_646, %dma_start3A_647] : memref<2x10000x128xf32, #tpu.memory_space<hbm>> -> memref<1x40x128xf32, #tpu.memory_space<hbm>>
        %dma_start3A_649 = tpu.memref_squeeze %dma_start3A_648 : memref<1x40x128xf32, #tpu.memory_space<hbm>> -> memref<40x128xf32, #tpu.memory_space<hbm>>
        %dma_start3A_650 = arith.constant 0 : i32
        %dma_start3A_651 = tpu.memref_slice %arg7[%mul3A_644, %dma_start3A_650] : memref<10000x128xf32, #tpu.memory_space<vmem_shared>> -> memref<40x128xf32, #tpu.memory_space<vmem_shared>>
        tpu.enqueue_dma source(%dma_start3A_651 : memref<40x128xf32, #tpu.memory_space<vmem_shared>>) target(%dma_start3A_649 : memref<40x128xf32, #tpu.memory_space<hbm>>) target_semaphore(%run_scoped3A_10 : memref<!tpu.dma_semaphore, #tpu.memory_space<semaphore_mem>>)
      } else {
      }
      %mul3A_490 = arith.constant 16 : i32
      %mul3A_491 = arith.muli %arg1, %mul3A_490 : i32
      %add3A_492 = arith.constant 15 : i32
      %add3A_493 = arith.addi %mul3A_491, %add3A_492 : i32
      %lt3A_494 = arith.constant 250 : i32
      %lt3A_495 = arith.cmpi slt, %add3A_493, %lt3A_494 : i32
      %convert_element_type3A_496 = arith.extui %lt3A_495 : i1 to i32
      %cond3A_497 = arith.constant 0 : i32
      %cond3A_498 = arith.cmpi ne, %convert_element_type3A_496, %cond3A_497 : i32
      scf.if %cond3A_498 {
        %mul3A_643 = arith.constant 40 : i32
        %mul3A_644 = arith.muli %add3A_493, %mul3A_643 : i32
        %mul3A_645 = arith.constant 40 : i32
        %mul3A_646 = arith.muli %add3A_493, %mul3A_645 : i32
        %dma_start3A_647 = arith.constant 0 : i32
        %dma_start3A_648 = tpu.memref_slice %arg6[%arg0, %mul3A_646, %dma_start3A_647] : memref<2x10000x128xf32, #tpu.memory_space<hbm>> -> memref<1x40x128xf32, #tpu.memory_space<hbm>>
        %dma_start3A_649 = tpu.memref_squeeze %dma_start3A_648 : memref<1x40x128xf32, #tpu.memory_space<hbm>> -> memref<40x128xf32, #tpu.memory_space<hbm>>
        %dma_start3A_650 = arith.constant 0 : i32
        %dma_start3A_651 = tpu.memref_slice %arg7[%mul3A_644, %dma_start3A_650] : memref<10000x128xf32, #tpu.memory_space<vmem_shared>> -> memref<40x128xf32, #tpu.memory_space<vmem_shared>>
        tpu.enqueue_dma source(%dma_start3A_651 : memref<40x128xf32, #tpu.memory_space<vmem_shared>>) target(%dma_start3A_649 : memref<40x128xf32, #tpu.memory_space<hbm>>) target_semaphore(%run_scoped3A_10 : memref<!tpu.dma_semaphore, #tpu.memory_space<semaphore_mem>>)
      } else {
      }
      %mul3A_499 = arith.constant 16 : i32
      %mul3A_500 = arith.muli %arg1, %mul3A_499 : i32
      %add3A_501 = arith.constant 0 : i32
      %add3A_502 = arith.addi %mul3A_500, %add3A_501 : i32
      %lt3A_503 = arith.constant 250 : i32
      %lt3A_504 = arith.cmpi slt, %add3A_502, %lt3A_503 : i32
      %convert_element_type3A_505 = arith.extui %lt3A_504 : i1 to i32
      %cond3A_506 = arith.constant 0 : i32
      %cond3A_507 = arith.cmpi ne, %convert_element_type3A_505, %cond3A_506 : i32
      scf.if %cond3A_507 {
        %mul3A_643 = arith.constant 40 : i32
        %mul3A_644 = arith.muli %add3A_502, %mul3A_643 : i32
        %mul3A_645 = arith.constant 40 : i32
        %mul3A_646 = arith.muli %add3A_502, %mul3A_645 : i32
        %dma_wait3A_647 = arith.constant 0 : i32
        %dma_wait3A_648 = tpu.memref_slice %arg6[%arg0, %mul3A_646, %dma_wait3A_647] : memref<2x10000x128xf32, #tpu.memory_space<hbm>> -> memref<1x40x128xf32, #tpu.memory_space<hbm>>
        %dma_wait3A_649 = tpu.memref_squeeze %dma_wait3A_648 : memref<1x40x128xf32, #tpu.memory_space<hbm>> -> memref<40x128xf32, #tpu.memory_space<hbm>>
        %dma_wait3A_650 = arith.constant 0 : i32
        %dma_wait3A_651 = tpu.memref_slice %arg7[%mul3A_644, %dma_wait3A_650] : memref<10000x128xf32, #tpu.memory_space<vmem_shared>> -> memref<40x128xf32, #tpu.memory_space<vmem_shared>>
        tpu.wait_dma2 semaphore(%run_scoped3A_10 : memref<!tpu.dma_semaphore, #tpu.memory_space<semaphore_mem>>) src(%dma_wait3A_651 : memref<40x128xf32, #tpu.memory_space<vmem_shared>>) dst(%dma_wait3A_649 : memref<40x128xf32, #tpu.memory_space<hbm>>)
      } else {
      }
      %mul3A_508 = arith.constant 16 : i32
      %mul3A_509 = arith.muli %arg1, %mul3A_508 : i32
      %add3A_510 = arith.constant 1 : i32
      %add3A_511 = arith.addi %mul3A_509, %add3A_510 : i32
      %lt3A_512 = arith.constant 250 : i32
      %lt3A_513 = arith.cmpi slt, %add3A_511, %lt3A_512 : i32
      %convert_element_type3A_514 = arith.extui %lt3A_513 : i1 to i32
      %cond3A_515 = arith.constant 0 : i32
      %cond3A_516 = arith.cmpi ne, %convert_element_type3A_514, %cond3A_515 : i32
      scf.if %cond3A_516 {
        %mul3A_643 = arith.constant 40 : i32
        %mul3A_644 = arith.muli %add3A_511, %mul3A_643 : i32
        %mul3A_645 = arith.constant 40 : i32
        %mul3A_646 = arith.muli %add3A_511, %mul3A_645 : i32
        %dma_wait3A_647 = arith.constant 0 : i32
        %dma_wait3A_648 = tpu.memref_slice %arg6[%arg0, %mul3A_646, %dma_wait3A_647] : memref<2x10000x128xf32, #tpu.memory_space<hbm>> -> memref<1x40x128xf32, #tpu.memory_space<hbm>>
        %dma_wait3A_649 = tpu.memref_squeeze %dma_wait3A_648 : memref<1x40x128xf32, #tpu.memory_space<hbm>> -> memref<40x128xf32, #tpu.memory_space<hbm>>
        %dma_wait3A_650 = arith.constant 0 : i32
        %dma_wait3A_651 = tpu.memref_slice %arg7[%mul3A_644, %dma_wait3A_650] : memref<10000x128xf32, #tpu.memory_space<vmem_shared>> -> memref<40x128xf32, #tpu.memory_space<vmem_shared>>
        tpu.wait_dma2 semaphore(%run_scoped3A_10 : memref<!tpu.dma_semaphore, #tpu.memory_space<semaphore_mem>>) src(%dma_wait3A_651 : memref<40x128xf32, #tpu.memory_space<vmem_shared>>) dst(%dma_wait3A_649 : memref<40x128xf32, #tpu.memory_space<hbm>>)
      } else {
      }
      %mul3A_517 = arith.constant 16 : i32
      %mul3A_518 = arith.muli %arg1, %mul3A_517 : i32
      %add3A_519 = arith.constant 2 : i32
      %add3A_520 = arith.addi %mul3A_518, %add3A_519 : i32
      %lt3A_521 = arith.constant 250 : i32
      %lt3A_522 = arith.cmpi slt, %add3A_520, %lt3A_521 : i32
      %convert_element_type3A_523 = arith.extui %lt3A_522 : i1 to i32
      %cond3A_524 = arith.constant 0 : i32
      %cond3A_525 = arith.cmpi ne, %convert_element_type3A_523, %cond3A_524 : i32
      scf.if %cond3A_525 {
        %mul3A_643 = arith.constant 40 : i32
        %mul3A_644 = arith.muli %add3A_520, %mul3A_643 : i32
        %mul3A_645 = arith.constant 40 : i32
        %mul3A_646 = arith.muli %add3A_520, %mul3A_645 : i32
        %dma_wait3A_647 = arith.constant 0 : i32
        %dma_wait3A_648 = tpu.memref_slice %arg6[%arg0, %mul3A_646, %dma_wait3A_647] : memref<2x10000x128xf32, #tpu.memory_space<hbm>> -> memref<1x40x128xf32, #tpu.memory_space<hbm>>
        %dma_wait3A_649 = tpu.memref_squeeze %dma_wait3A_648 : memref<1x40x128xf32, #tpu.memory_space<hbm>> -> memref<40x128xf32, #tpu.memory_space<hbm>>
        %dma_wait3A_650 = arith.constant 0 : i32
        %dma_wait3A_651 = tpu.memref_slice %arg7[%mul3A_644, %dma_wait3A_650] : memref<10000x128xf32, #tpu.memory_space<vmem_shared>> -> memref<40x128xf32, #tpu.memory_space<vmem_shared>>
        tpu.wait_dma2 semaphore(%run_scoped3A_10 : memref<!tpu.dma_semaphore, #tpu.memory_space<semaphore_mem>>) src(%dma_wait3A_651 : memref<40x128xf32, #tpu.memory_space<vmem_shared>>) dst(%dma_wait3A_649 : memref<40x128xf32, #tpu.memory_space<hbm>>)
      } else {
      }
      %mul3A_526 = arith.constant 16 : i32
      %mul3A_527 = arith.muli %arg1, %mul3A_526 : i32
      %add3A_528 = arith.constant 3 : i32
      %add3A_529 = arith.addi %mul3A_527, %add3A_528 : i32
      %lt3A_530 = arith.constant 250 : i32
      %lt3A_531 = arith.cmpi slt, %add3A_529, %lt3A_530 : i32
      %convert_element_type3A_532 = arith.extui %lt3A_531 : i1 to i32
      %cond3A_533 = arith.constant 0 : i32
      %cond3A_534 = arith.cmpi ne, %convert_element_type3A_532, %cond3A_533 : i32
      scf.if %cond3A_534 {
        %mul3A_643 = arith.constant 40 : i32
        %mul3A_644 = arith.muli %add3A_529, %mul3A_643 : i32
        %mul3A_645 = arith.constant 40 : i32
        %mul3A_646 = arith.muli %add3A_529, %mul3A_645 : i32
        %dma_wait3A_647 = arith.constant 0 : i32
        %dma_wait3A_648 = tpu.memref_slice %arg6[%arg0, %mul3A_646, %dma_wait3A_647] : memref<2x10000x128xf32, #tpu.memory_space<hbm>> -> memref<1x40x128xf32, #tpu.memory_space<hbm>>
        %dma_wait3A_649 = tpu.memref_squeeze %dma_wait3A_648 : memref<1x40x128xf32, #tpu.memory_space<hbm>> -> memref<40x128xf32, #tpu.memory_space<hbm>>
        %dma_wait3A_650 = arith.constant 0 : i32
        %dma_wait3A_651 = tpu.memref_slice %arg7[%mul3A_644, %dma_wait3A_650] : memref<10000x128xf32, #tpu.memory_space<vmem_shared>> -> memref<40x128xf32, #tpu.memory_space<vmem_shared>>
        tpu.wait_dma2 semaphore(%run_scoped3A_10 : memref<!tpu.dma_semaphore, #tpu.memory_space<semaphore_mem>>) src(%dma_wait3A_651 : memref<40x128xf32, #tpu.memory_space<vmem_shared>>) dst(%dma_wait3A_649 : memref<40x128xf32, #tpu.memory_space<hbm>>)
      } else {
      }
      %mul3A_535 = arith.constant 16 : i32
      %mul3A_536 = arith.muli %arg1, %mul3A_535 : i32
      %add3A_537 = arith.constant 4 : i32
      %add3A_538 = arith.addi %mul3A_536, %add3A_537 : i32
      %lt3A_539 = arith.constant 250 : i32
      %lt3A_540 = arith.cmpi slt, %add3A_538, %lt3A_539 : i32
      %convert_element_type3A_541 = arith.extui %lt3A_540 : i1 to i32
      %cond3A_542 = arith.constant 0 : i32
      %cond3A_543 = arith.cmpi ne, %convert_element_type3A_541, %cond3A_542 : i32
      scf.if %cond3A_543 {
        %mul3A_643 = arith.constant 40 : i32
        %mul3A_644 = arith.muli %add3A_538, %mul3A_643 : i32
        %mul3A_645 = arith.constant 40 : i32
        %mul3A_646 = arith.muli %add3A_538, %mul3A_645 : i32
        %dma_wait3A_647 = arith.constant 0 : i32
        %dma_wait3A_648 = tpu.memref_slice %arg6[%arg0, %mul3A_646, %dma_wait3A_647] : memref<2x10000x128xf32, #tpu.memory_space<hbm>> -> memref<1x40x128xf32, #tpu.memory_space<hbm>>
        %dma_wait3A_649 = tpu.memref_squeeze %dma_wait3A_648 : memref<1x40x128xf32, #tpu.memory_space<hbm>> -> memref<40x128xf32, #tpu.memory_space<hbm>>
        %dma_wait3A_650 = arith.constant 0 : i32
        %dma_wait3A_651 = tpu.memref_slice %arg7[%mul3A_644, %dma_wait3A_650] : memref<10000x128xf32, #tpu.memory_space<vmem_shared>> -> memref<40x128xf32, #tpu.memory_space<vmem_shared>>
        tpu.wait_dma2 semaphore(%run_scoped3A_10 : memref<!tpu.dma_semaphore, #tpu.memory_space<semaphore_mem>>) src(%dma_wait3A_651 : memref<40x128xf32, #tpu.memory_space<vmem_shared>>) dst(%dma_wait3A_649 : memref<40x128xf32, #tpu.memory_space<hbm>>)
      } else {
      }
      %mul3A_544 = arith.constant 16 : i32
      %mul3A_545 = arith.muli %arg1, %mul3A_544 : i32
      %add3A_546 = arith.constant 5 : i32
      %add3A_547 = arith.addi %mul3A_545, %add3A_546 : i32
      %lt3A_548 = arith.constant 250 : i32
      %lt3A_549 = arith.cmpi slt, %add3A_547, %lt3A_548 : i32
      %convert_element_type3A_550 = arith.extui %lt3A_549 : i1 to i32
      %cond3A_551 = arith.constant 0 : i32
      %cond3A_552 = arith.cmpi ne, %convert_element_type3A_550, %cond3A_551 : i32
      scf.if %cond3A_552 {
        %mul3A_643 = arith.constant 40 : i32
        %mul3A_644 = arith.muli %add3A_547, %mul3A_643 : i32
        %mul3A_645 = arith.constant 40 : i32
        %mul3A_646 = arith.muli %add3A_547, %mul3A_645 : i32
        %dma_wait3A_647 = arith.constant 0 : i32
        %dma_wait3A_648 = tpu.memref_slice %arg6[%arg0, %mul3A_646, %dma_wait3A_647] : memref<2x10000x128xf32, #tpu.memory_space<hbm>> -> memref<1x40x128xf32, #tpu.memory_space<hbm>>
        %dma_wait3A_649 = tpu.memref_squeeze %dma_wait3A_648 : memref<1x40x128xf32, #tpu.memory_space<hbm>> -> memref<40x128xf32, #tpu.memory_space<hbm>>
        %dma_wait3A_650 = arith.constant 0 : i32
        %dma_wait3A_651 = tpu.memref_slice %arg7[%mul3A_644, %dma_wait3A_650] : memref<10000x128xf32, #tpu.memory_space<vmem_shared>> -> memref<40x128xf32, #tpu.memory_space<vmem_shared>>
        tpu.wait_dma2 semaphore(%run_scoped3A_10 : memref<!tpu.dma_semaphore, #tpu.memory_space<semaphore_mem>>) src(%dma_wait3A_651 : memref<40x128xf32, #tpu.memory_space<vmem_shared>>) dst(%dma_wait3A_649 : memref<40x128xf32, #tpu.memory_space<hbm>>)
      } else {
      }
      %mul3A_553 = arith.constant 16 : i32
      %mul3A_554 = arith.muli %arg1, %mul3A_553 : i32
      %add3A_555 = arith.constant 6 : i32
      %add3A_556 = arith.addi %mul3A_554, %add3A_555 : i32
      %lt3A_557 = arith.constant 250 : i32
      %lt3A_558 = arith.cmpi slt, %add3A_556, %lt3A_557 : i32
      %convert_element_type3A_559 = arith.extui %lt3A_558 : i1 to i32
      %cond3A_560 = arith.constant 0 : i32
      %cond3A_561 = arith.cmpi ne, %convert_element_type3A_559, %cond3A_560 : i32
      scf.if %cond3A_561 {
        %mul3A_643 = arith.constant 40 : i32
        %mul3A_644 = arith.muli %add3A_556, %mul3A_643 : i32
        %mul3A_645 = arith.constant 40 : i32
        %mul3A_646 = arith.muli %add3A_556, %mul3A_645 : i32
        %dma_wait3A_647 = arith.constant 0 : i32
        %dma_wait3A_648 = tpu.memref_slice %arg6[%arg0, %mul3A_646, %dma_wait3A_647] : memref<2x10000x128xf32, #tpu.memory_space<hbm>> -> memref<1x40x128xf32, #tpu.memory_space<hbm>>
        %dma_wait3A_649 = tpu.memref_squeeze %dma_wait3A_648 : memref<1x40x128xf32, #tpu.memory_space<hbm>> -> memref<40x128xf32, #tpu.memory_space<hbm>>
        %dma_wait3A_650 = arith.constant 0 : i32
        %dma_wait3A_651 = tpu.memref_slice %arg7[%mul3A_644, %dma_wait3A_650] : memref<10000x128xf32, #tpu.memory_space<vmem_shared>> -> memref<40x128xf32, #tpu.memory_space<vmem_shared>>
        tpu.wait_dma2 semaphore(%run_scoped3A_10 : memref<!tpu.dma_semaphore, #tpu.memory_space<semaphore_mem>>) src(%dma_wait3A_651 : memref<40x128xf32, #tpu.memory_space<vmem_shared>>) dst(%dma_wait3A_649 : memref<40x128xf32, #tpu.memory_space<hbm>>)
      } else {
      }
      %mul3A_562 = arith.constant 16 : i32
      %mul3A_563 = arith.muli %arg1, %mul3A_562 : i32
      %add3A_564 = arith.constant 7 : i32
      %add3A_565 = arith.addi %mul3A_563, %add3A_564 : i32
      %lt3A_566 = arith.constant 250 : i32
      %lt3A_567 = arith.cmpi slt, %add3A_565, %lt3A_566 : i32
      %convert_element_type3A_568 = arith.extui %lt3A_567 : i1 to i32
      %cond3A_569 = arith.constant 0 : i32
      %cond3A_570 = arith.cmpi ne, %convert_element_type3A_568, %cond3A_569 : i32
      scf.if %cond3A_570 {
        %mul3A_643 = arith.constant 40 : i32
        %mul3A_644 = arith.muli %add3A_565, %mul3A_643 : i32
        %mul3A_645 = arith.constant 40 : i32
        %mul3A_646 = arith.muli %add3A_565, %mul3A_645 : i32
        %dma_wait3A_647 = arith.constant 0 : i32
        %dma_wait3A_648 = tpu.memref_slice %arg6[%arg0, %mul3A_646, %dma_wait3A_647] : memref<2x10000x128xf32, #tpu.memory_space<hbm>> -> memref<1x40x128xf32, #tpu.memory_space<hbm>>
        %dma_wait3A_649 = tpu.memref_squeeze %dma_wait3A_648 : memref<1x40x128xf32, #tpu.memory_space<hbm>> -> memref<40x128xf32, #tpu.memory_space<hbm>>
        %dma_wait3A_650 = arith.constant 0 : i32
        %dma_wait3A_651 = tpu.memref_slice %arg7[%mul3A_644, %dma_wait3A_650] : memref<10000x128xf32, #tpu.memory_space<vmem_shared>> -> memref<40x128xf32, #tpu.memory_space<vmem_shared>>
        tpu.wait_dma2 semaphore(%run_scoped3A_10 : memref<!tpu.dma_semaphore, #tpu.memory_space<semaphore_mem>>) src(%dma_wait3A_651 : memref<40x128xf32, #tpu.memory_space<vmem_shared>>) dst(%dma_wait3A_649 : memref<40x128xf32, #tpu.memory_space<hbm>>)
      } else {
      }
      %mul3A_571 = arith.constant 16 : i32
      %mul3A_572 = arith.muli %arg1, %mul3A_571 : i32
      %add3A_573 = arith.constant 8 : i32
      %add3A_574 = arith.addi %mul3A_572, %add3A_573 : i32
      %lt3A_575 = arith.constant 250 : i32
      %lt3A_576 = arith.cmpi slt, %add3A_574, %lt3A_575 : i32
      %convert_element_type3A_577 = arith.extui %lt3A_576 : i1 to i32
      %cond3A_578 = arith.constant 0 : i32
      %cond3A_579 = arith.cmpi ne, %convert_element_type3A_577, %cond3A_578 : i32
      scf.if %cond3A_579 {
        %mul3A_643 = arith.constant 40 : i32
        %mul3A_644 = arith.muli %add3A_574, %mul3A_643 : i32
        %mul3A_645 = arith.constant 40 : i32
        %mul3A_646 = arith.muli %add3A_574, %mul3A_645 : i32
        %dma_wait3A_647 = arith.constant 0 : i32
        %dma_wait3A_648 = tpu.memref_slice %arg6[%arg0, %mul3A_646, %dma_wait3A_647] : memref<2x10000x128xf32, #tpu.memory_space<hbm>> -> memref<1x40x128xf32, #tpu.memory_space<hbm>>
        %dma_wait3A_649 = tpu.memref_squeeze %dma_wait3A_648 : memref<1x40x128xf32, #tpu.memory_space<hbm>> -> memref<40x128xf32, #tpu.memory_space<hbm>>
        %dma_wait3A_650 = arith.constant 0 : i32
        %dma_wait3A_651 = tpu.memref_slice %arg7[%mul3A_644, %dma_wait3A_650] : memref<10000x128xf32, #tpu.memory_space<vmem_shared>> -> memref<40x128xf32, #tpu.memory_space<vmem_shared>>
        tpu.wait_dma2 semaphore(%run_scoped3A_10 : memref<!tpu.dma_semaphore, #tpu.memory_space<semaphore_mem>>) src(%dma_wait3A_651 : memref<40x128xf32, #tpu.memory_space<vmem_shared>>) dst(%dma_wait3A_649 : memref<40x128xf32, #tpu.memory_space<hbm>>)
      } else {
      }
      %mul3A_580 = arith.constant 16 : i32
      %mul3A_581 = arith.muli %arg1, %mul3A_580 : i32
      %add3A_582 = arith.constant 9 : i32
      %add3A_583 = arith.addi %mul3A_581, %add3A_582 : i32
      %lt3A_584 = arith.constant 250 : i32
      %lt3A_585 = arith.cmpi slt, %add3A_583, %lt3A_584 : i32
      %convert_element_type3A_586 = arith.extui %lt3A_585 : i1 to i32
      %cond3A_587 = arith.constant 0 : i32
      %cond3A_588 = arith.cmpi ne, %convert_element_type3A_586, %cond3A_587 : i32
      scf.if %cond3A_588 {
        %mul3A_643 = arith.constant 40 : i32
        %mul3A_644 = arith.muli %add3A_583, %mul3A_643 : i32
        %mul3A_645 = arith.constant 40 : i32
        %mul3A_646 = arith.muli %add3A_583, %mul3A_645 : i32
        %dma_wait3A_647 = arith.constant 0 : i32
        %dma_wait3A_648 = tpu.memref_slice %arg6[%arg0, %mul3A_646, %dma_wait3A_647] : memref<2x10000x128xf32, #tpu.memory_space<hbm>> -> memref<1x40x128xf32, #tpu.memory_space<hbm>>
        %dma_wait3A_649 = tpu.memref_squeeze %dma_wait3A_648 : memref<1x40x128xf32, #tpu.memory_space<hbm>> -> memref<40x128xf32, #tpu.memory_space<hbm>>
        %dma_wait3A_650 = arith.constant 0 : i32
        %dma_wait3A_651 = tpu.memref_slice %arg7[%mul3A_644, %dma_wait3A_650] : memref<10000x128xf32, #tpu.memory_space<vmem_shared>> -> memref<40x128xf32, #tpu.memory_space<vmem_shared>>
        tpu.wait_dma2 semaphore(%run_scoped3A_10 : memref<!tpu.dma_semaphore, #tpu.memory_space<semaphore_mem>>) src(%dma_wait3A_651 : memref<40x128xf32, #tpu.memory_space<vmem_shared>>) dst(%dma_wait3A_649 : memref<40x128xf32, #tpu.memory_space<hbm>>)
      } else {
      }
      %mul3A_589 = arith.constant 16 : i32
      %mul3A_590 = arith.muli %arg1, %mul3A_589 : i32
      %add3A_591 = arith.constant 10 : i32
      %add3A_592 = arith.addi %mul3A_590, %add3A_591 : i32
      %lt3A_593 = arith.constant 250 : i32
      %lt3A_594 = arith.cmpi slt, %add3A_592, %lt3A_593 : i32
      %convert_element_type3A_595 = arith.extui %lt3A_594 : i1 to i32
      %cond3A_596 = arith.constant 0 : i32
      %cond3A_597 = arith.cmpi ne, %convert_element_type3A_595, %cond3A_596 : i32
      scf.if %cond3A_597 {
        %mul3A_643 = arith.constant 40 : i32
        %mul3A_644 = arith.muli %add3A_592, %mul3A_643 : i32
        %mul3A_645 = arith.constant 40 : i32
        %mul3A_646 = arith.muli %add3A_592, %mul3A_645 : i32
        %dma_wait3A_647 = arith.constant 0 : i32
        %dma_wait3A_648 = tpu.memref_slice %arg6[%arg0, %mul3A_646, %dma_wait3A_647] : memref<2x10000x128xf32, #tpu.memory_space<hbm>> -> memref<1x40x128xf32, #tpu.memory_space<hbm>>
        %dma_wait3A_649 = tpu.memref_squeeze %dma_wait3A_648 : memref<1x40x128xf32, #tpu.memory_space<hbm>> -> memref<40x128xf32, #tpu.memory_space<hbm>>
        %dma_wait3A_650 = arith.constant 0 : i32
        %dma_wait3A_651 = tpu.memref_slice %arg7[%mul3A_644, %dma_wait3A_650] : memref<10000x128xf32, #tpu.memory_space<vmem_shared>> -> memref<40x128xf32, #tpu.memory_space<vmem_shared>>
        tpu.wait_dma2 semaphore(%run_scoped3A_10 : memref<!tpu.dma_semaphore, #tpu.memory_space<semaphore_mem>>) src(%dma_wait3A_651 : memref<40x128xf32, #tpu.memory_space<vmem_shared>>) dst(%dma_wait3A_649 : memref<40x128xf32, #tpu.memory_space<hbm>>)
      } else {
      }
      %mul3A_598 = arith.constant 16 : i32
      %mul3A_599 = arith.muli %arg1, %mul3A_598 : i32
      %add3A_600 = arith.constant 11 : i32
      %add3A_601 = arith.addi %mul3A_599, %add3A_600 : i32
      %lt3A_602 = arith.constant 250 : i32
      %lt3A_603 = arith.cmpi slt, %add3A_601, %lt3A_602 : i32
      %convert_element_type3A_604 = arith.extui %lt3A_603 : i1 to i32
      %cond3A_605 = arith.constant 0 : i32
      %cond3A_606 = arith.cmpi ne, %convert_element_type3A_604, %cond3A_605 : i32
      scf.if %cond3A_606 {
        %mul3A_643 = arith.constant 40 : i32
        %mul3A_644 = arith.muli %add3A_601, %mul3A_643 : i32
        %mul3A_645 = arith.constant 40 : i32
        %mul3A_646 = arith.muli %add3A_601, %mul3A_645 : i32
        %dma_wait3A_647 = arith.constant 0 : i32
        %dma_wait3A_648 = tpu.memref_slice %arg6[%arg0, %mul3A_646, %dma_wait3A_647] : memref<2x10000x128xf32, #tpu.memory_space<hbm>> -> memref<1x40x128xf32, #tpu.memory_space<hbm>>
        %dma_wait3A_649 = tpu.memref_squeeze %dma_wait3A_648 : memref<1x40x128xf32, #tpu.memory_space<hbm>> -> memref<40x128xf32, #tpu.memory_space<hbm>>
        %dma_wait3A_650 = arith.constant 0 : i32
        %dma_wait3A_651 = tpu.memref_slice %arg7[%mul3A_644, %dma_wait3A_650] : memref<10000x128xf32, #tpu.memory_space<vmem_shared>> -> memref<40x128xf32, #tpu.memory_space<vmem_shared>>
        tpu.wait_dma2 semaphore(%run_scoped3A_10 : memref<!tpu.dma_semaphore, #tpu.memory_space<semaphore_mem>>) src(%dma_wait3A_651 : memref<40x128xf32, #tpu.memory_space<vmem_shared>>) dst(%dma_wait3A_649 : memref<40x128xf32, #tpu.memory_space<hbm>>)
      } else {
      }
      %mul3A_607 = arith.constant 16 : i32
      %mul3A_608 = arith.muli %arg1, %mul3A_607 : i32
      %add3A_609 = arith.constant 12 : i32
      %add3A_610 = arith.addi %mul3A_608, %add3A_609 : i32
      %lt3A_611 = arith.constant 250 : i32
      %lt3A_612 = arith.cmpi slt, %add3A_610, %lt3A_611 : i32
      %convert_element_type3A_613 = arith.extui %lt3A_612 : i1 to i32
      %cond3A_614 = arith.constant 0 : i32
      %cond3A_615 = arith.cmpi ne, %convert_element_type3A_613, %cond3A_614 : i32
      scf.if %cond3A_615 {
        %mul3A_643 = arith.constant 40 : i32
        %mul3A_644 = arith.muli %add3A_610, %mul3A_643 : i32
        %mul3A_645 = arith.constant 40 : i32
        %mul3A_646 = arith.muli %add3A_610, %mul3A_645 : i32
        %dma_wait3A_647 = arith.constant 0 : i32
        %dma_wait3A_648 = tpu.memref_slice %arg6[%arg0, %mul3A_646, %dma_wait3A_647] : memref<2x10000x128xf32, #tpu.memory_space<hbm>> -> memref<1x40x128xf32, #tpu.memory_space<hbm>>
        %dma_wait3A_649 = tpu.memref_squeeze %dma_wait3A_648 : memref<1x40x128xf32, #tpu.memory_space<hbm>> -> memref<40x128xf32, #tpu.memory_space<hbm>>
        %dma_wait3A_650 = arith.constant 0 : i32
        %dma_wait3A_651 = tpu.memref_slice %arg7[%mul3A_644, %dma_wait3A_650] : memref<10000x128xf32, #tpu.memory_space<vmem_shared>> -> memref<40x128xf32, #tpu.memory_space<vmem_shared>>
        tpu.wait_dma2 semaphore(%run_scoped3A_10 : memref<!tpu.dma_semaphore, #tpu.memory_space<semaphore_mem>>) src(%dma_wait3A_651 : memref<40x128xf32, #tpu.memory_space<vmem_shared>>) dst(%dma_wait3A_649 : memref<40x128xf32, #tpu.memory_space<hbm>>)
      } else {
      }
      %mul3A_616 = arith.constant 16 : i32
      %mul3A_617 = arith.muli %arg1, %mul3A_616 : i32
      %add3A_618 = arith.constant 13 : i32
      %add3A_619 = arith.addi %mul3A_617, %add3A_618 : i32
      %lt3A_620 = arith.constant 250 : i32
      %lt3A_621 = arith.cmpi slt, %add3A_619, %lt3A_620 : i32
      %convert_element_type3A_622 = arith.extui %lt3A_621 : i1 to i32
      %cond3A_623 = arith.constant 0 : i32
      %cond3A_624 = arith.cmpi ne, %convert_element_type3A_622, %cond3A_623 : i32
      scf.if %cond3A_624 {
        %mul3A_643 = arith.constant 40 : i32
        %mul3A_644 = arith.muli %add3A_619, %mul3A_643 : i32
        %mul3A_645 = arith.constant 40 : i32
        %mul3A_646 = arith.muli %add3A_619, %mul3A_645 : i32
        %dma_wait3A_647 = arith.constant 0 : i32
        %dma_wait3A_648 = tpu.memref_slice %arg6[%arg0, %mul3A_646, %dma_wait3A_647] : memref<2x10000x128xf32, #tpu.memory_space<hbm>> -> memref<1x40x128xf32, #tpu.memory_space<hbm>>
        %dma_wait3A_649 = tpu.memref_squeeze %dma_wait3A_648 : memref<1x40x128xf32, #tpu.memory_space<hbm>> -> memref<40x128xf32, #tpu.memory_space<hbm>>
        %dma_wait3A_650 = arith.constant 0 : i32
        %dma_wait3A_651 = tpu.memref_slice %arg7[%mul3A_644, %dma_wait3A_650] : memref<10000x128xf32, #tpu.memory_space<vmem_shared>> -> memref<40x128xf32, #tpu.memory_space<vmem_shared>>
        tpu.wait_dma2 semaphore(%run_scoped3A_10 : memref<!tpu.dma_semaphore, #tpu.memory_space<semaphore_mem>>) src(%dma_wait3A_651 : memref<40x128xf32, #tpu.memory_space<vmem_shared>>) dst(%dma_wait3A_649 : memref<40x128xf32, #tpu.memory_space<hbm>>)
      } else {
      }
      %mul3A_625 = arith.constant 16 : i32
      %mul3A_626 = arith.muli %arg1, %mul3A_625 : i32
      %add3A_627 = arith.constant 14 : i32
      %add3A_628 = arith.addi %mul3A_626, %add3A_627 : i32
      %lt3A_629 = arith.constant 250 : i32
      %lt3A_630 = arith.cmpi slt, %add3A_628, %lt3A_629 : i32
      %convert_element_type3A_631 = arith.extui %lt3A_630 : i1 to i32
      %cond3A_632 = arith.constant 0 : i32
      %cond3A_633 = arith.cmpi ne, %convert_element_type3A_631, %cond3A_632 : i32
      scf.if %cond3A_633 {
        %mul3A_643 = arith.constant 40 : i32
        %mul3A_644 = arith.muli %add3A_628, %mul3A_643 : i32
        %mul3A_645 = arith.constant 40 : i32
        %mul3A_646 = arith.muli %add3A_628, %mul3A_645 : i32
        %dma_wait3A_647 = arith.constant 0 : i32
        %dma_wait3A_648 = tpu.memref_slice %arg6[%arg0, %mul3A_646, %dma_wait3A_647] : memref<2x10000x128xf32, #tpu.memory_space<hbm>> -> memref<1x40x128xf32, #tpu.memory_space<hbm>>
        %dma_wait3A_649 = tpu.memref_squeeze %dma_wait3A_648 : memref<1x40x128xf32, #tpu.memory_space<hbm>> -> memref<40x128xf32, #tpu.memory_space<hbm>>
        %dma_wait3A_650 = arith.constant 0 : i32
        %dma_wait3A_651 = tpu.memref_slice %arg7[%mul3A_644, %dma_wait3A_650] : memref<10000x128xf32, #tpu.memory_space<vmem_shared>> -> memref<40x128xf32, #tpu.memory_space<vmem_shared>>
        tpu.wait_dma2 semaphore(%run_scoped3A_10 : memref<!tpu.dma_semaphore, #tpu.memory_space<semaphore_mem>>) src(%dma_wait3A_651 : memref<40x128xf32, #tpu.memory_space<vmem_shared>>) dst(%dma_wait3A_649 : memref<40x128xf32, #tpu.memory_space<hbm>>)
      } else {
      }
      %mul3A_634 = arith.constant 16 : i32
      %mul3A_635 = arith.muli %arg1, %mul3A_634 : i32
      %add3A_636 = arith.constant 15 : i32
      %add3A_637 = arith.addi %mul3A_635, %add3A_636 : i32
      %lt3A_638 = arith.constant 250 : i32
      %lt3A_639 = arith.cmpi slt, %add3A_637, %lt3A_638 : i32
      %convert_element_type3A_640 = arith.extui %lt3A_639 : i1 to i32
      %cond3A_641 = arith.constant 0 : i32
      %cond3A_642 = arith.cmpi ne, %convert_element_type3A_640, %cond3A_641 : i32
      scf.if %cond3A_642 {
        %mul3A_643 = arith.constant 40 : i32
        %mul3A_644 = arith.muli %add3A_637, %mul3A_643 : i32
        %mul3A_645 = arith.constant 40 : i32
        %mul3A_646 = arith.muli %add3A_637, %mul3A_645 : i32
        %dma_wait3A_647 = arith.constant 0 : i32
        %dma_wait3A_648 = tpu.memref_slice %arg6[%arg0, %mul3A_646, %dma_wait3A_647] : memref<2x10000x128xf32, #tpu.memory_space<hbm>> -> memref<1x40x128xf32, #tpu.memory_space<hbm>>
        %dma_wait3A_649 = tpu.memref_squeeze %dma_wait3A_648 : memref<1x40x128xf32, #tpu.memory_space<hbm>> -> memref<40x128xf32, #tpu.memory_space<hbm>>
        %dma_wait3A_650 = arith.constant 0 : i32
        %dma_wait3A_651 = tpu.memref_slice %arg7[%mul3A_644, %dma_wait3A_650] : memref<10000x128xf32, #tpu.memory_space<vmem_shared>> -> memref<40x128xf32, #tpu.memory_space<vmem_shared>>
        tpu.wait_dma2 semaphore(%run_scoped3A_10 : memref<!tpu.dma_semaphore, #tpu.memory_space<semaphore_mem>>) src(%dma_wait3A_651 : memref<40x128xf32, #tpu.memory_space<vmem_shared>>) dst(%dma_wait3A_649 : memref<40x128xf32, #tpu.memory_space<hbm>>)
      } else {
      }
      tpu.yield
    }) : () -> ()
    return
  }
}

module attributes {stable_mosaic.version = 14 : i64} {
  func.func @_tc_body(%arg0: memref<10000x128xf32, #tpu.memory_space<vmem>>, %arg1: memref<2x10000x128xf32, #tpu.memory_space<vmem>>, %arg2: memref<128x128xf32, #tpu.memory_space<vmem>>, %arg3: memref<1x128xf32, #tpu.memory_space<vmem>>, %arg4: memref<128x128xf32, #tpu.memory_space<vmem>>, %arg5: memref<1x128xf32, #tpu.memory_space<vmem>>, %arg6: memref<1x128xf32, #tpu.memory_space<vmem>>, %arg7: memref<1x128xf32, #tpu.memory_space<vmem>>, %arg8: memref<10000x128xf32, #tpu.memory_space<vmem>>) attributes {dimension_semantics = [], scalar_prefetch = 0 : i64, scratch_operands = 0 : i64, tpu.core_type = #tpu.core_type<tc>} {
    %get3A = arith.constant 0 : index
    %get3A_0 = arith.constant 0 : index
    %get3A_1 = vector.load %arg0[%get3A, %get3A_0] : memref<10000x128xf32, #tpu.memory_space<vmem>>, vector<10000x128xf32>
    %get3A_2 = arith.constant 0 : index
    %get3A_3 = arith.constant 0 : index
    %get3A_4 = arith.constant 0 : index
    %get3A_5 = vector.load %arg1[%get3A_2, %get3A_3, %get3A_4] : memref<2x10000x128xf32, #tpu.memory_space<vmem>>, vector<1x10000x128xf32>
    %get3A_6 = vector.shape_cast %get3A_5 : vector<1x10000x128xf32> to vector<10000x128xf32>
    %add3A = arith.addf %get3A_1, %get3A_6 : vector<10000x128xf32>
    %get3A_7 = arith.constant 1 : index
    %get3A_8 = arith.constant 0 : index
    %get3A_9 = arith.constant 0 : index
    %get3A_10 = vector.load %arg1[%get3A_7, %get3A_8, %get3A_9] : memref<2x10000x128xf32, #tpu.memory_space<vmem>>, vector<1x10000x128xf32>
    %get3A_11 = vector.shape_cast %get3A_10 : vector<1x10000x128xf32> to vector<10000x128xf32>
    %add3A_12 = arith.addf %add3A, %get3A_11 : vector<10000x128xf32>
    %get3A_13 = arith.constant 0 : index
    %get3A_14 = arith.constant 0 : index
    %get3A_15 = vector.load %arg2[%get3A_13, %get3A_14] : memref<128x128xf32, #tpu.memory_space<vmem>>, vector<128x128xf32>
    %dot_general3A = arith.constant dense<0.000000e+00> : vector<10000x128xf32>
    %dot_general3A_16 = tpu.matmul %add3A_12, %get3A_15, %dot_general3A {dimension_numbers = #tpu.dot_dimension_numbers<[1], [1], [0], [0], [0, 0, 1, 0], [], []>, transpose_lhs_hint = false} : vector<10000x128xf32>, vector<128x128xf32>, vector<10000x128xf32> -> vector<10000x128xf32>
    %get3A_17 = arith.constant 0 : index
    %get3A_18 = arith.constant 0 : index
    %get3A_19 = vector.load %arg3[%get3A_17, %get3A_18] : memref<1x128xf32, #tpu.memory_space<vmem>>, vector<1x128xf32>
    %add3A_20 = vector.broadcast %get3A_19 : vector<1x128xf32> to vector<10000x128xf32>
    %add3A_21 = arith.addf %dot_general3A_16, %add3A_20 : vector<10000x128xf32>
    %max3A = arith.constant 0.000000e+00 : f32
    %max3A_22 = vector.broadcast %max3A : f32 to vector<10000x128xf32>
    %max3A_23 = arith.maximumf %add3A_21, %max3A_22 : vector<10000x128xf32>
    %get3A_24 = arith.constant 0 : index
    %get3A_25 = arith.constant 0 : index
    %get3A_26 = vector.load %arg4[%get3A_24, %get3A_25] : memref<128x128xf32, #tpu.memory_space<vmem>>, vector<128x128xf32>
    %dot_general3A_27 = arith.constant dense<0.000000e+00> : vector<10000x128xf32>
    %dot_general3A_28 = tpu.matmul %max3A_23, %get3A_26, %dot_general3A_27 {dimension_numbers = #tpu.dot_dimension_numbers<[1], [1], [0], [0], [0, 0, 1, 0], [], []>, transpose_lhs_hint = false} : vector<10000x128xf32>, vector<128x128xf32>, vector<10000x128xf32> -> vector<10000x128xf32>
    %get3A_29 = arith.constant 0 : index
    %get3A_30 = arith.constant 0 : index
    %get3A_31 = vector.load %arg5[%get3A_29, %get3A_30] : memref<1x128xf32, #tpu.memory_space<vmem>>, vector<1x128xf32>
    %add3A_32 = vector.broadcast %get3A_31 : vector<1x128xf32> to vector<10000x128xf32>
    %add3A_33 = arith.addf %dot_general3A_28, %add3A_32 : vector<10000x128xf32>
    %reduce_sum3A = arith.constant dense<0.000000e+00> : vector<128xf32>
    %reduce_sum3A_34 = vector.multi_reduction <add>, %add3A_33, %reduce_sum3A [0] : vector<10000x128xf32> to vector<128xf32>
    %broadcast_in_dim3A = vector.shape_cast %reduce_sum3A_34 : vector<128xf32> to vector<1x128xf32>
    %div3A = arith.constant 1.000000e+04 : f32
    %div3A_35 = vector.broadcast %div3A : f32 to vector<1x128xf32>
    %div3A_36 = arith.divf %broadcast_in_dim3A, %div3A_35 : vector<1x128xf32>
    %sub3A = vector.broadcast %div3A_36 : vector<1x128xf32> to vector<10000x128xf32>
    %sub3A_37 = arith.subf %add3A_33, %sub3A : vector<10000x128xf32>
    %mul3A = arith.mulf %sub3A_37, %sub3A_37 : vector<10000x128xf32>
    %reduce_sum3A_38 = arith.constant dense<0.000000e+00> : vector<128xf32>
    %reduce_sum3A_39 = vector.multi_reduction <add>, %mul3A, %reduce_sum3A_38 [0] : vector<10000x128xf32> to vector<128xf32>
    %broadcast_in_dim3A_40 = vector.shape_cast %reduce_sum3A_39 : vector<128xf32> to vector<1x128xf32>
    %div3A_41 = arith.constant 1.000000e+04 : f32
    %div3A_42 = vector.broadcast %div3A_41 : f32 to vector<1x128xf32>
    %div3A_43 = arith.divf %broadcast_in_dim3A_40, %div3A_42 : vector<1x128xf32>
    %get3A_44 = arith.constant 0 : index
    %get3A_45 = arith.constant 0 : index
    %get3A_46 = vector.load %arg6[%get3A_44, %get3A_45] : memref<1x128xf32, #tpu.memory_space<vmem>>, vector<1x128xf32>
    %add3A_47 = arith.constant 9.99999974E-6 : f32
    %add3A_48 = vector.broadcast %add3A_47 : f32 to vector<1x128xf32>
    %add3A_49 = arith.addf %div3A_43, %add3A_48 : vector<1x128xf32>
    %rsqrt3A = math.rsqrt %add3A_49 : vector<1x128xf32>
    %mul3A_50 = arith.mulf %get3A_46, %rsqrt3A : vector<1x128xf32>
    %mul3A_51 = vector.broadcast %mul3A_50 : vector<1x128xf32> to vector<10000x128xf32>
    %mul3A_52 = arith.mulf %sub3A_37, %mul3A_51 : vector<10000x128xf32>
    %get3A_53 = arith.constant 0 : index
    %get3A_54 = arith.constant 0 : index
    %get3A_55 = vector.load %arg7[%get3A_53, %get3A_54] : memref<1x128xf32, #tpu.memory_space<vmem>>, vector<1x128xf32>
    %add3A_56 = vector.broadcast %get3A_55 : vector<1x128xf32> to vector<10000x128xf32>
    %add3A_57 = arith.addf %mul3A_52, %add3A_56 : vector<10000x128xf32>
    %max3A_58 = arith.constant 0.000000e+00 : f32
    %max3A_59 = vector.broadcast %max3A_58 : f32 to vector<10000x128xf32>
    %max3A_60 = arith.maximumf %add3A_57, %max3A_59 : vector<10000x128xf32>
    %swap3A = arith.constant 0 : index
    %swap3A_61 = arith.constant 0 : index
    %swap3A_62 = vector.load %arg8[%swap3A, %swap3A_61] : memref<10000x128xf32, #tpu.memory_space<vmem>>, vector<10000x128xf32>
    tpu.vector_store %arg8[%swap3A, %swap3A_61], %max3A_60 {strides = array<i32>} : memref<10000x128xf32, #tpu.memory_space<vmem>>, vector<10000x128xf32>,
    return
  }
}

</mosaic_0001>

<sc_bundles>
// kernel: kernel.4.cloned.1.call-start
scs
__scs_entry_jumppad:
0x0: {  	(pc) =	sbr.rel $0x88, $3  }
0x1: {  	(tag) =	ssettag $0x0;
	lr =	simm.s32 $0x1  }
0x2: {  	[smem:$0x3F98] =	sst lr;
	_ =	strace $0xD0000000  }
0x3: {  	_ = 	snop  }
0x4: {  	_ = 	snop  }
0x5: {  	_ = 	snop  }
0x6: {  	_ = 	snop  }
0x7: {  	_ = 	snop  }
__scs_overlays_trampoline_lowered:
0x8: {  	[smem:$0x3FA7] =	sst s0  }
0x9: {  	[smem:$0x3FA8] =	sst s1  }
0xa: {  	[smem:$0x3FA9] =	sst s2  }
0xb: {  	[smem:$0x3FAA] =	sst s3  }
0xc: {  	[smem:$0x3FAB] =	sst s4  }
0xd: {  	[smem:$0x3FAC] =	sst s5  }
0xe: {  	[smem:$0x3FAD] =	sst s6  }
0xf: {  	[smem:$0x3FAE] =	sst s7  }
0x10: {  	[smem:$0x3FAF] =	sst s8  }
0x11: {  	[smem:$0x3FB0] =	sst s9;
	s0 =	simm.s32 @!p0 $0x0  }
0x12: {  	s1 =	sld [smem:$0x3F96];
	s0 =	simm.s32 @p0 $0x1  }
0x13: {  	[smem:$0x3FB1] =	sst s0;
	s0 =	simm.s32 @!p1 $0x0  }
0x14: {  	s2 =	sld [smem:$0x3F95];
	s0 =	simm.s32 @p1 $0x1  }
0x15: {  	[smem:$0x3FB2] =	sst s0;
	s0 =	simm.s32 @!p2 $0x0  }
0x16: {  	s3 =	sld [smem:$0x3FDB];
	s0 =	simm.s32 @p2 $0x1  }
0x17: {  	s4 =	simm.s32 $0x1BF5;
	[smem:$0x3FB4] =	sst s0  }
0x18: {  	s0 =	sld [smem:$0x3F97];
	_ =	swait.ge [sflag:s4], $0x0  }
0x19: {  	s7 =	sld [smem:$0x3F98]  }
0x1a: {  	s8 =	sadd.s32 $0xFFFFE003, lr  }
0x1b: {  	s9 =	sadd.s32 $0xFFFFFEF7, lr;
	s5 =	simm.s32 $0xFFFFFFFF;
	p2 =	slt.u32 s8, $0xFFFFF086  }
0x1c: {  	p1 =	slt.u32 s9, $0xF7A;
	s5 =	simm.s32 @!p2 $0x0  }
0x1d: {  	s5 =	simm.s32 @p1 $0x1;
	p0 =	seq.s32 s7, s2  }
0x1e: {  	s7 =	smul.u32 @!p0 $0xF7A, s2;
	p2 =	seq.s32 @!p0 s5, $0x0  }
0x1f: {  	s9 =	smul.u32 $0xF7A, s1;
	s8 =	simm.s32 @!p0 $0x1BF5;
	p2 =	por !p2, p0  }
0x20: {  	[sflag:s8] =	ssyncset.s32 @!p0 $0xFFFFF086;
	s6 =	sadd.s32 @!p0 s3, s7;
	s7 =	simm.s32 @!p0 $0x108  }
0x21: {  	s3 =	sadd.s32 s3, s9;
	s6 =	sadd.s32 @!p0 $0x88, s6;
	s7 =	simm.s32 @p2 $0x1082  }
0x22: {  	[simem:s7], [sflag:s8] =	dma.local @!p0 [hbm:s6], $0xF7A  }
0x23: {  	s9 =	sor.u32 $0xD0000000, s2;
	s6 =	simm.s32 $0x108;
	_ =	swait.ge @!p0 [sflag:s8], $0x0  }
0x24: {  	s3 =	sadd.s32 $0x88, s3;
	s6 =	simm.s32 @!p1 $0x1082;
	[sflag:s4] =	ssyncset.s32 $0xFFFFF086  }
0x25: {  	[simem:s6], [sflag:s4] =	dma.local [hbm:s3], $0xF7A  }
0x26: {  	[smem:$0x3F98] =	sst s1;
	(tag) =	ssettag s2;
	_ =	strace s9  }
0x27: {  	s1 =	sld [smem:$0x3FA8]  }
0x28: {  	s2 =	sld [smem:$0x3FA9]  }
0x29: {  	s4 =	sld [smem:$0x3FAB]  }
0x2a: {  	p0 =	seq.s32 s5, $0x0;
	s5 =	sld [smem:$0x3FAC]  }
0x2b: {  	s6 =	sld [smem:$0x3FAD]  }
0x2c: {  	s7 =	sld [smem:$0x3FAE]  }
0x2d: {  	s3 =	simm.s32 $0x108;
	s8 =	sld [smem:$0x3FAF]  }
0x2e: {  	s3 =	simm.s32 @!p0 $0x1082;
	s9 =	sld [smem:$0x3FB0]  }
0x2f: {  	lr =	sadd.s32 s0, s3;
	s0 =	sld [smem:$0x3FA7]  }
0x30: {  	s3 =	sld [smem:$0x3FAA]  }
0x31: {  	[smem:$0x3FB3] =	sst s10  }
0x32: {  	s10 =	sld [smem:$0x3FB1];
	_ =	sdelay $0x3  }
0x33: {  	p0 =	seq.s32 s10, $0x1;
	s10 =	sld [smem:$0x3FB3];
	_ =	sdelay $0x3  }
0x34: {  	[smem:$0x3FB3] =	sst s10  }
0x35: {  	s10 =	sld [smem:$0x3FB2];
	_ =	sdelay $0x3  }
0x36: {  	p1 =	seq.s32 s10, $0x1;
	s10 =	sld [smem:$0x3FB3];
	_ =	sdelay $0x3  }
0x37: {  	[smem:$0x3FB3] =	sst s10  }
0x38: {  	s10 =	sld [smem:$0x3FB4]  }
0x39: {  	_ = 	snop;
	(pc) =	sbr.ind lr, $3  }
0x3a: {  	_ = 	snop  }
0x3b: {  	_ = 	snop  }
0x3c: {  	p2 =	seq.s32 s10, $0x1;
	s10 =	sld [smem:$0x3FB3]  }
0x3d: {  	_ =	shalt  }
0x3e: {  	_ =	shalt  }
0x3f: {  	_ =	shalt  }
0x40: {  	_ =	shalt  }
0x41: {  	_ =	shalt  }
0x42: {  	_ =	shalt  }
0x43: {  	_ =	shalt  }
0x44: {  	_ =	shalt  }
0x45: {  	_ =	shalt  }
0x46: {  	_ =	shalt  }
0x47: {  	_ =	shalt  }
0x48: {  	_ =	shalt  }
0x49: {  	_ =	shalt  }
0x4a: {  	_ =	shalt  }
0x4b: {  	_ =	shalt  }
0x4c: {  	_ =	shalt  }
0x4d: {  	_ =	shalt  }
0x4e: {  	_ =	shalt  }
0x4f: {  	_ =	shalt  }
0x50: {  	_ =	shalt  }
0x51: {  	_ =	shalt  }
0x52: {  	_ =	shalt  }
0x53: {  	_ =	shalt  }
0x54: {  	_ =	shalt  }
0x55: {  	_ =	shalt  }
0x56: {  	_ =	shalt  }
0x57: {  	_ =	shalt  }
0x58: {  	_ =	shalt  }
0x59: {  	_ =	shalt  }
0x5a: {  	_ =	shalt  }
0x5b: {  	_ =	shalt  }
0x5c: {  	_ =	shalt  }
0x5d: {  	_ =	shalt  }
0x5e: {  	_ =	shalt  }
0x5f: {  	_ =	shalt  }
0x60: {  	_ =	shalt  }
0x61: {  	_ =	shalt  }
0x62: {  	_ =	shalt  }
0x63: {  	_ =	shalt  }
0x64: {  	_ =	shalt  }
0x65: {  	_ =	shalt  }
0x66: {  	_ =	shalt  }
0x67: {  	_ =	shalt  }
0x68: {  	_ =	shalt  }
0x69: {  	_ =	shalt  }
0x6a: {  	_ =	shalt  }
0x6b: {  	_ =	shalt  }
0x6c: {  	_ =	shalt  }
0x6d: {  	_ =	shalt  }
0x6e: {  	_ =	shalt  }
0x6f: {  	_ =	shalt  }
0x70: {  	_ =	shalt  }
0x71: {  	_ =	shalt  }
0x72: {  	_ =	shalt  }
0x73: {  	_ =	shalt  }
0x74: {  	_ =	shalt  }
0x75: {  	_ =	shalt  }
0x76: {  	_ =	shalt  }
0x77: {  	_ =	shalt  }
0x78: {  	_ =	shalt  }
0x79: {  	_ =	shalt  }
0x7a: {  	_ =	shalt  }
0x7b: {  	_ =	shalt  }
0x7c: {  	_ =	shalt  }
0x7d: {  	_ =	shalt  }
0x7e: {  	_ =	shalt  }
0x7f: {  	_ =	shalt  }
0x80: {  	_ =	shalt  }
0x81: {  	_ =	shalt  }
0x82: {  	_ =	shalt  }
0x83: {  	_ =	shalt  }
0x84: {  	_ =	shalt  }
0x85: {  	_ =	shalt  }
0x86: {  	_ =	shalt  }
0x87: {  	_ =	shalt  }
.Lfunc_end0:
.L_simem_size_0:
called_computation_lowered:
.L_overlay_start_0:
0x88: {  	s2 =	sld [smem:$0x3FD9]  }
0x89: {  	s3 =	sld [smem:$0x3FFE];
	_ =	sdelay $0x1  }
0x8a: {  	s1 =	srdreg.scid  }
0x8b: {  	s0 =	sand.u32 $0x1, s1  }
0x8c: {  	s17 =	sshll.u32 s0, $0xA;
	s2 =	sadd.s32 s3, s2  }
0x8d: {  	s2 =	sadd.s32 s2, s17  }
0x8e: {  	[smem:$0x3FBF] =	sst s2  }
0x8f: {  	_ = 	snop  }
0x90: {  	s2 =	sld [smem:$0x3FC9]  }
0x91: {  	s18 =	sld [smem:$0x3FC7]  }
0x92: {  	s4 =	sld [smem:$0x3FD0];
	(tm) =	ssettm $0x1  }
0x93: {  	s5 =	sld [smem:$0x3FFB];
	_ =	sdelay $0x3  }
0x94: {  	_ =	strace s5  }
0x95: {  	s5 =	sld [smem:$0x3FFC];
	_ =	sdelay $0x3  }
0x96: {  	_ =	strace s5  }
0x97: {  	s5 =	sld [smem:$0x3FFD];
	_ =	sdelay $0x3  }
0x98: {  	_ =	strace s5  }
0x99: {  	_ =	strace $0x8FFFFFFF  }
0x9a: {  	s19 =	sld [smem:$0x3FDB];
	_ =	sdelay $0x1  }
0x9b: {  	s6 =	simm.s32 $_scs_section_size  }
0x9c: {  	s7 =	simm.s32 $_size__tile_overlayer_lowered;
	s8 =	simm.s32 $_tile_overlayer_lowered  }
0x9d: {  	s22 =	simm.s32 $0x1BFF;
	s21 =	sshll.u32 s8, $0x1;
	s5 =	sadd.s32 s6, s19  }
0x9e: {  	s9 =	simm.s32 $0x0;
	s20 =	sshll.u32 s7, $0x1;
	s7 =	sadd.s32 s21, s5  }
0x9f: {  	[timem:s9], [sflag:s22] =	dma.local [hbm:s7], s20  }
0xa0: {  	_ =	swait.ge [sflag:s22], s20  }
0xa1: {  	s6 =	ssub.s32 $0x0, s20;
	[sflag:s22] =	ssyncset.done $0x0  }
0xa2: {  	[sflag:s22] =	ssyncadd.s32 s6;
	_ =	sdelay $0x1  }
0xa3: {  	s23 =	simm.s32 $0x1B8B  }
0xa4: {  	_ =	swait.ge [sflag:s23], $0x1  }
0xa5: {  	[sflag:s23] =	ssyncset.done $0x0  }
0xa6: {  	s25 =	simm.s32 $0x1B8E;
	s24 =	sld [smem:$0x3FFE];
	[sflag:s23] =	ssyncadd.s32 $0xFFFFFFFF  }
0xa7: {  	s26 =	simm.s32 $execute0_lowered;
	[smem:$0x3FD2] =	sst s25  }
0xa8: {  	s7 =	sshll.u32 s26, $0x1;
	_ =	strace $0x80000046;
	[dreg:$0x1] =	wrdreg $0xFFFFFFFF  }
0xa9: {  	s28 =	simm.s32 $_size_execute0_lowered;
	s5 =	sadd.s32 s5, s7;
	[dreg:$0x0] =	wrdreg $0x0  }
0xaa: {  	s7 =	sshll.u32 s28, $0x1;
	[dreg:$0x2] =	wrdreg s5  }
0xab: {  	[dreg:$0x3] =	wrdreg s7  }
0xac: {  	[dreg:$0x4] =	wrdreg $0xC0  }
0xad: {  	_ =	task [dreg:s9], $0x5FFFF  }
0xae: {  	[dreg:$0x1] =	wrdreg $0xFFFFFFFF  }
0xaf: {  	[dreg:$0x0] =	wrdreg $0x60  }
0xb0: {  	[dreg:$0x2] =	wrdreg s2  }
0xb1: {  	[dreg:$0x3] =	wrdreg s24  }
0xb2: {  	[dreg:$0x4] =	wrdreg s4  }
0xb3: {  	[dreg:$0x5] =	wrdreg s18  }
0xb4: {  	[dreg:$0x6] =	wrdreg $0x0  }
0xb5: {  	[dreg:$0x7] =	wrdreg $0x9  }
0xb6: {  	_ =	task.clear_ibuf [dreg:s9], $0x8FFFF;
	_ =	strace $0x90000046  }
0xb7: {  	s29 =	simm.s32 $0x9;
	_ =	strace $0x80000048  }
0xb8: {  	_ =	swait.ge [sflag:s29], $0x1  }
0xb9: {  	[sflag:s29] =	ssyncadd.s32 $0xFFFFFFFF  }
0xba: {  	_ =	strace $0x90000048  }
0xbb: {  	_ =	sfence  }
0xbc: {  	s30 =	sld [smem:$0x0];
	_ =	sdelay $0x2  }
0xbd: {  	s31 =	sshll.u32 s1, $0xD;
	s1 =	sshrl.u32 s1, $0x2  }
0xbe: {  	s3 =	sand.u32 $0x4000, s31;
	s1 =	sadd.s32 s1, s30  }
0xbf: {  	s0 =	sor.u32 s3, s0;
	s1 =	sshll.u32 s1, $0x11  }
0xc0: {  	s0 =	sor.u32 s1, s0  }
0xc1: {  	s0 =	sadd.s32 $0x8F2B, s0  }
0xc2: {  	[sflag:s0] =	ssyncadd.remote.s32 $0x1  }
0xc3: {  	_ =	sfence.sel $0xFFFF  }
0xc4: {  	[dreg:$0x0] =	wrdreg $0xFFFFFFFF;
	(pc) =	sbr.abs _section_cstart, $3  }
0xc5: {  	[dreg:$0x1] =	wrdreg $0xFFFFFFFF  }
0xc6: {  	_ =	task.clear_ibuf [dreg:s9], $0x2FFFF;
	_ =	strace $0x9FFFFFFF  }
0xc7: {  	(tm) =	ssettm $0x7FFFFFFF  }
tec
execute0_lowered:
.L_overlay_start_1:
0x0: {  	(tag) =	ssettag $0x1  }
0x1: {  	s16 =	rddreg [dreg:$0x1]  }
0x2: {  	s1 =	simm.s32 $0x0;
	s0 =	srdreg.scid;
	s4 =	stileid.u32  }
0x3: {  	s6 =	stileid.u32;
	[smem:$0x7FF] =	sst s1  }
0x4: {  	s0 =	sand.u32 $0x1, s0;
	s26 =	smul.u32 $0x14000, s6;
	s23 =	sadd.s32 $0xAA00, s16  }
0x5: {  	s2 =	sshll.u32 s0, $0x4;
	s3 =	ssub.s32 $0x2, s0;
	s17 =	smul.u32 $0x138800, s0  }
0x6: {  	s24 =	sor.u32 s4, s2;
	s25 =	sshrl.u32 s3, $0x1;
	s4 =	sshll.u32 s4, $0x4  }
0x7: {  	[smem:$0x7E6] =	sst s26;
	s2 =	ssub.s32 s3, s25;
	s5 =	sor.u32 $0x1, s4  }
0x8: {  	s9 =	sor.u32 $0x2, s4;
	s14 =	sor.u32 $0x3, s4;
	s15 =	sor.u32 $0x4, s4  }
0x9: {  	s31 =	sor.u32 $0x5, s4;
	s28 =	sor.u32 $0x6, s4;
	s25 =	sor.u32 $0x7, s4  }
0xa: {  	s22 =	sor.u32 $0x8, s4;
	s30 =	sor.u32 $0x9, s4;
	s3 =	stileid.u32  }
0xb: {  	s13 =	sor.u32 $0xA, s4;
	s12 =	sor.u32 $0xB, s4;
	s11 =	sor.u32 $0xC, s4  }
0xc: {  	s10 =	sor.u32 $0xD, s4;
	[smem:$0x7EF] =	sst s2;
	s29 =	smul.u32 $0x1400, s5  }
0xd: {  	s8 =	sor.u32 $0xE, s4;
	[smem:$0x7DE] =	sst s13;
	s6 =	smul.u32 $0x1400, s9  }
0xe: {  	s0 =	sadd.s32 s26, s17;
	s7 =	smul.u32 $0x1400, s14;
	[smem:$0x7E7] =	sst s29  }
0xf: {  	s0 =	sshrl.u32 s0, $0x3;
	s16 =	smul.u32 $0x1400, s15;
	[smem:$0x7E8] =	sst s6  }
0x10: {  	s26 =	smul.u32 $0x1400, s31;
	s0 =	sadd.s32 s23, s0;
	[smem:$0x7E9] =	sst s7  }
0x11: {  	s2 =	sadd.s32 s17, s29;
	s4 =	sadd.s32 s17, s6;
	[smem:$0x7EA] =	sst s16  }
0x12: {  	[dreg:$0x6] =	wrdreg s0;
	s20 =	sadd.s32 s17, s7;
	s29 =	smul.u32 $0x1400, s28  }
0x13: {  	s21 =	sadd.s32 s17, s16;
	[smem:$0x7EB] =	sst s26;
	s2 =	sshrl.u32 s2, $0x3  }
0x14: {  	s19 =	sshrl.u32 s4, $0x3;
	s18 =	sadd.s32 s23, s2;
	[smem:$0x7EC] =	sst s29  }
0x15: {  	s4 =	sshrl.u32 s21, $0x3;
	s0 =	sadd.s32 s23, s19;
	[dreg:$0x7] =	wrdreg s18  }
0x16: {  	s2 =	sshrl.u32 s20, $0x3;
	s4 =	sadd.s32 s23, s4;
	[dreg:$0x8] =	wrdreg s0  }
0x17: {  	s19 =	smul.u32 $0x1400, s25;
	s2 =	sadd.s32 s23, s2;
	[dreg:$0xa] =	wrdreg s4  }
0x18: {  	s16 =	sadd.s32 s17, s26;
	s20 =	smul.u32 $0x1400, s22;
	[dreg:$0x9] =	wrdreg s2  }
0x19: {  	s18 =	sadd.s32 s17, s29;
	s0 =	sshrl.u32 s16, $0x3;
	[smem:$0x7ED] =	sst s19  }
0x1a: {  	s2 =	sshrl.u32 s18, $0x3;
	[smem:$0x7EE] =	sst s20;
	s0 =	sadd.s32 s23, s0  }
0x1b: {  	s26 =	sadd.s32 s17, s19;
	s29 =	sadd.s32 s17, s20;
	s18 =	smul.u32 $0x1400, s11  }
0x1c: {  	[dreg:$0xb] =	wrdreg s0;
	s0 =	sshrl.u32 s26, $0x3;
	s26 =	smul.u32 $0x1400, s13  }
0x1d: {  	s21 =	sadd.s32 s23, s2;
	s2 =	sshrl.u32 s29, $0x3;
	s29 =	smul.u32 $0x1400, s12  }
0x1e: {  	s13 =	smul.u32 $0x1400, s10;
	[dreg:$0xc] =	wrdreg s21;
	s0 =	sadd.s32 s23, s0  }
0x1f: {  	s21 =	smul.u32 $0x1400, s30;
	s19 =	sadd.s32 s17, s18;
	[dreg:$0xd] =	wrdreg s0  }
0x20: {  	s0 =	sadd.s32 s23, s2;
	s6 =	sadd.s32 s17, s26;
	s16 =	sadd.s32 s17, s29  }
0x21: {  	[dreg:$0xe] =	wrdreg s0;
	s4 =	sadd.s32 s17, s21;
	s2 =	sshrl.u32 s16, $0x3  }
0x22: {  	s7 =	sshrl.u32 s6, $0x3;
	s6 =	sadd.s32 s17, s13;
	s20 =	sadd.s32 s23, s2  }
0x23: {  	s0 =	sshrl.u32 s4, $0x3;
	s16 =	sshrl.u32 s6, $0x3;
	[dreg:$0x11] =	wrdreg s20  }
0x24: {  	s0 =	sadd.s32 s23, s0;
	s20 =	sadd.s32 s23, s16;
	s16 =	rddreg [dreg:$0x0]  }
0x25: {  	s4 =	sshllo.u32 s3, $0x4;
	[dreg:$0xf] =	wrdreg s0;
	s0 =	sadd.s32 s23, s7  }
0x26: {  	s6 =	smul.u32 $0x1400, s4;
	[dreg:$0x10] =	wrdreg s0;
	s0 =	sshrl.u32 s19, $0x3  }
0x27: {  	s7 =	smul.u32 $0x1400, s8;
	[dreg:$0x13] =	wrdreg s20;
	s19 =	sadd.s32 s23, s0  }
0x28: {  	s5 =	smul.u32 $0x5000, s5;
	s0 =	sadd.s32 s17, s6;
	[dreg:$0x12] =	wrdreg s19  }
0x29: {  	s19 =	sadd.s32 s17, s7;
	s17 =	rddreg [dreg:$0x2];
	s0 =	sshrl.u32 s0, $0x3  }
0x2a: {  	s2 =	sshrl.u32 s19, $0x3;
	s19 =	rddreg [dreg:$0x3];
	s0 =	sadd.s32 s23, s0  }
0x2b: {  	s14 =	smul.u32 $0x5000, s14;
	s2 =	sadd.s32 s23, s2;
	[dreg:$0x15] =	wrdreg s0  }
0x2c: {  	s20 =	smul.u32 $0x2710, s24;
	[dreg:$0x14] =	wrdreg s2  }
0x2d: {  	s3 =	stileid.u32;
	s23 =	rddreg [dreg:$0x4];
	_ =	strace $0x80000047  }
0x2e: {  	s3 =	smul.u32 $0x50000, s3;
	s0 =	sshrl.u32 s20, $0x3;
	s2 =	rddreg [dreg:$0x1]  }
0x2f: {  	p4 =	sgt.u32 s4, $0xF9;
	s24 =	smul.u32 $0x138800, s24;
	s2 =	sadd.s32 s0, s2  }
0x30: {  	s4 =	smul.u32 $0x5000, s4;
	s3 =	sshrl.u32 s3, $0x2;
	s2 =	sadd.s32 $0xC00, s2  }
0x31: {  	s0 =	sadd.s32 s17, s0;
	[dreg:$0x16] =	wrdreg s2;
	s2 =	sshrl.u32 s24, $0x3  }
0x32: {  	[dreg:$0x18] =	wrdreg s0;
	s0 =	smul.u32 $0x5000, s9;
	s2 =	sadd.s32 s19, s2  }
0x33: {  	s9 =	sshrl.u32 s5, $0x2;
	[dreg:$0x17] =	wrdreg s2;
	s2 =	sadd.s32 s3, s23  }
0x34: {  	s3 =	sadd.s32 s9, s23;
	s9 =	sshrl.u32 s14, $0x2;
	s14 =	smul.u32 $0x5000, s31  }
0x35: {  	p0 =	sgt.u32 s12, $0xF9;
	p3 =	sgt.u32 s8, $0xF9;
	s31 =	smul.u32 $0x5000, s28  }
0x36: {  	s0 =	sshrl.u32 s0, $0x2;
	[dreg:$0x19] =	wrdreg s2;
	s2 =	smul.u32 $0x5000, s15  }
0x37: {  	s15 =	sadd.s32 s9, s23;
	s9 =	sshrl.u32 s14, $0x2;
	s14 =	smul.u32 $0x5000, s25  }
0x38: {  	s0 =	sadd.s32 s0, s23;
	[dreg:$0x1a] =	wrdreg s3;
	s25 =	smul.u32 $0x5000, s22  }
0x39: {  	[dreg:$0x1b] =	wrdreg s0;
	s0 =	sshrl.u32 s31, $0x2;
	s31 =	smul.u32 $0x5000, s30  }
0x3a: {  	s5 =	sshrl.u32 s4, $0x2;
	[dreg:$0x1c] =	wrdreg s15;
	s22 =	smul.u32 $0x5000, s12  }
0x3b: {  	s30 =	smul.u32 $0x5000, s8;
	s8 =	sadd.s32 s5, s23;
	s12 =	sld [smem:$0x7E9]  }
0x3c: {  	s15 =	sadd.s32 s9, s23;
	[smem:$0x7E5] =	sst s8  }
0x3d: {  	s0 =	sadd.s32 s0, s23;
	[dreg:$0x1e] =	wrdreg s15  }
0x3e: {  	s2 =	sshrl.u32 s2, $0x2;
	[dreg:$0x1f] =	wrdreg s0  }
0x3f: {  	p1 =	sgt.u32 s11, $0xF9;
	s2 =	sadd.s32 s2, s23;
	s15 =	sld [smem:$0x7DE]  }
0x40: {  	s9 =	sshrl.u32 s25, $0x2;
	s25 =	smul.u32 $0x5000, s11;
	s11 =	sld [smem:$0x7E8]  }
0x41: {  	p2 =	sgt.u32 s10, $0xF9;
	[dreg:$0x1d] =	wrdreg s2  }
0x42: {  	s28 =	sshrl.u32 s14, $0x2;
	s0 =	sadd.s32 s9, s23;
	s9 =	sld [smem:$0x7E6]  }
0x43: {  	s3 =	sadd.s32 s28, s23;
	s28 =	smul.u32 $0x5000, s10;
	s10 =	sld [smem:$0x7E7]  }
0x44: {  	[smem:$0x7DC] =	sst s3  }
0x45: {  	s14 =	sshrl.u32 s31, $0x2;
	[smem:$0x7DD] =	sst s0  }
0x46: {  	s18 =	sadd.s32 s18, s23;
	s0 =	sadd.s32 s14, s23;
	s14 =	sld [smem:$0x7EA]  }
0x47: {  	s13 =	sadd.s32 s13, s23;
	s3 =	sshrl.u32 s25, $0x2;
	s25 =	sld [smem:$0x7ED]  }
0x48: {  	s7 =	sadd.s32 s7, s23;
	s6 =	sadd.s32 s6, s23;
	[smem:$0x7DF] =	sst s0  }
0x49: {  	s4 =	sadd.s32 s12, s23;
	s2 =	smul.u32 $0x5000, s15;
	s15 =	sld [smem:$0x7EB]  }
0x4a: {  	s12 =	sadd.s32 s21, s23;
	s0 =	sshrl.u32 s22, $0x2;
	s22 =	sld [smem:$0x7EC]  }
0x4b: {  	s31 =	sadd.s32 s3, s23;
	s3 =	sshrl.u32 s30, $0x2;
	s30 =	sld [smem:$0x7EF]  }
0x4c: {  	s0 =	sadd.s32 s0, s23;
	[smem:$0x7E2] =	sst s31;
	s31 =	stileid.u32  }
0x4d: {  	s2 =	sshrl.u32 s2, $0x2;
	[smem:$0x7E1] =	sst s0;
	s5 =	sadd.s32 s14, s23  }
0x4e: {  	s14 =	sadd.s32 s26, s23;
	p5 =	seq.s32 s31, $0xF;
	s31 =	sshrl.u32 s12, $0x3  }
0x4f: {  	s12 =	simm.s32 $0x1D7E0;
	s2 =	sadd.s32 s2, s23;
	[smem:$0x7FA] =	sst s31  }
0x50: {  	s8 =	sadd.s32 s15, s23;
	s15 =	sadd.s32 s29, s23;
	[smem:$0x7E0] =	sst s2  }
0x51: {  	s21 =	smax.u32 s30, $0x1;
	s2 =	sshrl.u32 s28, $0x2;
	s28 =	sld [smem:$0x7EE]  }
0x52: {  	[smem:$0x7F0] =	sst s21;
	s26 =	sshrl.u32 s8, $0x3;
	s8 =	simm.s32 $0x1AFE0  }
0x53: {  	s0 =	sadd.s32 s2, s23;
	s2 =	sadd.s32 s10, s23;
	s10 =	sadd.s32 s25, s23  }
0x54: {  	s25 =	sshrl.u32 s5, $0x3;
	[smem:$0x7F6] =	sst s26;
	s5 =	sshrl.u32 @!p4 s6, $0x3  }
0x55: {  	s6 =	simm.s32 $0x6;
	s26 =	simm.s32 $0x0;
	[smem:$0x7E3] =	sst s0  }
0x56: {  	s0 =	sadd.s32 s3, s23;
	s3 =	sadd.s32 s11, s23;
	s2 =	sshrl.u32 s2, $0x3  }
0x57: {  	[smem:$0x7F5] =	sst s25;
	s29 =	sshrl.u32 s10, $0x3;
	s10 =	simm.s32 $0x15FE0  }
0x58: {  	s25 =	simm.s32 $0x2;
	[smem:$0x7E4] =	sst s0;
	s0 =	sadd.s32 s9, s23  }
0x59: {  	s9 =	sadd.s32 s22, s23;
	s11 =	sadd.s32 s28, s23;
	[smem:$0x7F2] =	sst s2  }
0x5a: {  	s21 =	sshrl.u32 s3, $0x3;
	s22 =	sshrl.u32 s4, $0x3;
	[smem:$0x7F8] =	sst s29  }
0x5b: {  	s3 =	sshrl.u32 @!p2 s13, $0x3;
	s4 =	sshrl.u32 @!p3 s7, $0x3;
	[smem:$0x7F3] =	sst s21  }
0x5c: {  	s7 =	simm.s32 $0x7;
	s0 =	sshrl.u32 s0, $0x3;
	[smem:$0x7F4] =	sst s22  }
0x5d: {  	s13 =	simm.s32 $0x187E0;
	s28 =	sshrl.u32 s9, $0x3;
	[smem:$0x7F1] =	sst s0  }
0x5e: {  	s30 =	sshrl.u32 s11, $0x3;
	s9 =	simm.s32 $0x50;
	[smem:$0x7F7] =	sst s28  }
0x5f: {  	s11 =	simm.s32 $0x15F90;
	[smem:$0x7F9] =	sst s30;
	s0 =	sshrl.u32 @!p5 s14, $0x3  }
0x60: {  	s21 =	simm.s32 $0x5;
	[smem:$0x7FB] =	sst s0;
	s0 =	sshrl.u32 @!p0 s15, $0x3  }
0x61: {  	s22 =	simm.s32 $0x4;
	[smem:$0x7FC] =	sst s0;
	s0 =	sshrl.u32 @!p1 s18, $0x3  }
0x62: {  	v0 =	vimm.f32 $0.0e+00;
	s14 =	simm.s32 $0x3;
	s15 =	simm.s32 $0x1;
	[smem:$0x7FD] =	sst s0  }
.LBB2_1:
0x63: {  	s0 =	rddreg [dreg:$0x16];
	s2 =	simm.s32 $0x13880  }
0x64: {  	[tilespmem:s2], [sflag:$0x7] =	stream.linear.gather [hbm4b:s0+s1], $0x2710, $0x38;
	v63 =	vld [tilespmem:$0x0]  }
0x65: {  	_ =	swait.ge [sflag:s7], $0x2710  }
0x66: {  	[sflag:s7] =	ssyncset.done $0x0  }
0x67: {  	s30 =	rddreg [dreg:$0x17];
	[sflag:s7] =	ssyncadd.s32 $0xFFFFD8F0  }
0x68: {  	[tilespmem:s8], [sflag:$0x3] =	stream.linear.gather [hbm4b:s30+s1], $0x2800, $0x38;
	v63 =	vld [tilespmem:$0x0]  }
0x69: {  	_ = 	snop  }
0x6a: {  	[tilespmem:s10], [sflag:$0x1] =	stream.indirect.gather [hbm4b:s16+s9], $0x80, s2, s9, $0xb8;
	v63 =	vld [tilespmem:$0x0]  }
0x6b: {  	s0 =	simm.s32 $0x1D860;
	s31 =	rddreg [dreg:$0x18]  }
0x6c: {  	[tilespmem:s11], [sflag:$0x5] =	stream.linear.gather [hbm4b:s31+s1], $0x50, $0x38;
	v63 =	vld [tilespmem:$0x0]  }
0x6d: {  	[tilespmem:s0+$0xFFFFFF80] =	vst v0  }
0x6e: {  	[tilespmem:s0+$0x70] =	vst v0  }
0x6f: {  	[tilespmem:s0+$0x60] =	vst v0  }
0x70: {  	[tilespmem:s0+$0x50] =	vst v0  }
0x71: {  	[tilespmem:s0+$0x40] =	vst v0  }
0x72: {  	[tilespmem:s0+$0x30] =	vst v0  }
0x73: {  	[tilespmem:s0+$0x20] =	vst v0  }
0x74: {  	[tilespmem:s0+$0x10] =	vst v0  }
0x75: {  	[tilespmem:s0+$0x0] =	vst v0  }
0x76: {  	[tilespmem:s0+$0xFFFFFFF0] =	vst v0  }
0x77: {  	[tilespmem:s0+$0xFFFFFFE0] =	vst v0  }
0x78: {  	[tilespmem:s0+$0xFFFFFFD0] =	vst v0  }
0x79: {  	[tilespmem:s0+$0xFFFFFFC0] =	vst v0  }
0x7a: {  	[tilespmem:s0+$0xFFFFFFB0] =	vst v0  }
0x7b: {  	s2 =	simm.s32 $0x0;
	[tilespmem:s0+$0xFFFFFFA0] =	vst v0  }
.LBB2_2:
0x7c: {  	s2 =	sadd.s32 $0x2, s2;
	[tilespmem:s0+$0xFFFFFF90] =	vst v0;
	s0 =	sadd.s32 $0x100, s0  }
0x7d: {  	[tilespmem:s0+$0xFFFFFF80] =	vst v0;
	p6 =	slt.u32 s2, $0x26  }
0x7e: {  	[tilespmem:s0+$0x70] =	vst v0  }
0x7f: {  	[tilespmem:s0+$0x60] =	vst v0  }
0x80: {  	[tilespmem:s0+$0x50] =	vst v0  }
0x81: {  	[tilespmem:s0+$0x40] =	vst v0  }
0x82: {  	[tilespmem:s0+$0x30] =	vst v0  }
0x83: {  	[tilespmem:s0+$0x20] =	vst v0  }
0x84: {  	[tilespmem:s0+$0x10] =	vst v0  }
0x85: {  	[tilespmem:s0+$0x0] =	vst v0  }
0x86: {  	[tilespmem:s0+$0xFFFFFFF0] =	vst v0  }
.Ltmp0:
0x87: {  	[tilespmem:s0+$0xFFFFFFE0] =	vst v0;
	(pc) =	sbr.rel @p6 .LBB2_2-.Ltmp0, $4  }
0x88: {  	[tilespmem:s0+$0xFFFFFFD0] =	vst v0  }
0x89: {  	[tilespmem:s0+$0xFFFFFFC0] =	vst v0  }
0x8a: {  	[tilespmem:s0+$0xFFFFFFB0] =	vst v0  }
0x8b: {  	[tilespmem:s0+$0xFFFFFFA0] =	vst v0  }
0x8c: {  	[tilespmem:s0+$0xFFFFFF90] =	vst v0  }
0x8d: {  	s0 =	rddreg [dreg:$0x19]  }
0x8e: {  	s18 =	rddreg [dreg:$0x1a]  }
0x8f: {  	[spmem:s0] =	stream.linear.scatter [tilespmem:s12], [sflag:$0x6], $0x1400, $0x38;
	v63 =	vld [tilespmem:$0x0]  }
0x90: {  	s29 =	rddreg [dreg:$0x1b]  }
0x91: {  	[spmem:s18] =	stream.linear.scatter [tilespmem:s12], [sflag:$0x6], $0x1400, $0x38;
	v63 =	vld [tilespmem:$0x0]  }
0x92: {  	s30 =	rddreg [dreg:$0x1c]  }
0x93: {  	[spmem:s29] =	stream.linear.scatter [tilespmem:s12], [sflag:$0x6], $0x1400, $0x38;
	v63 =	vld [tilespmem:$0x0]  }
0x94: {  	s31 =	rddreg [dreg:$0x1d]  }
0x95: {  	[spmem:s30] =	stream.linear.scatter [tilespmem:s12], [sflag:$0x6], $0x1400, $0x38;
	v63 =	vld [tilespmem:$0x0]  }
0x96: {  	s2 =	rddreg [dreg:$0x1e]  }
0x97: {  	[spmem:s31] =	stream.linear.scatter [tilespmem:s12], [sflag:$0x6], $0x1400, $0x38;
	v63 =	vld [tilespmem:$0x0]  }
0x98: {  	s18 =	rddreg [dreg:$0x1f]  }
0x99: {  	[spmem:s2] =	stream.linear.scatter [tilespmem:s12], [sflag:$0x6], $0x1400, $0x38;
	v63 =	vld [tilespmem:$0x0]  }
0x9a: {  	s29 =	sld [smem:$0x7DC]  }
0x9b: {  	[spmem:s18] =	stream.linear.scatter [tilespmem:s12], [sflag:$0x6], $0x1400, $0x38;
	v63 =	vld [tilespmem:$0x0]  }
0x9c: {  	s30 =	sld [smem:$0x7DD]  }
0x9d: {  	[spmem:s29] =	stream.linear.scatter [tilespmem:s12], [sflag:$0x6], $0x1400, $0x38;
	v63 =	vld [tilespmem:$0x0]  }
0x9e: {  	s31 =	sld [smem:$0x7DF]  }
0x9f: {  	[spmem:s30] =	stream.linear.scatter [tilespmem:s12], [sflag:$0x6], $0x1400, $0x38;
	v63 =	vld [tilespmem:$0x0]  }
0xa0: {  	s2 =	sld [smem:$0x7E0]  }
0xa1: {  	[spmem:s31] =	stream.linear.scatter [tilespmem:s12], [sflag:$0x6], $0x1400, $0x38;
	v63 =	vld [tilespmem:$0x0]  }
0xa2: {  	s0 =	simm.s32 @!p5 $0x1D7E0  }
0xa3: {  	[spmem:s2] =	stream.linear.scatter @!p5 [tilespmem:s0], [sflag:$0x6], $0x1400, $0x38;
	v63 =	vld [tilespmem:$0x0]  }
0xa4: {  	s2 =	sld [smem:$0x7E1];
	_ =	sdelay $0x1  }
0xa5: {  	s0 =	simm.s32 @!p0 $0x1D7E0  }
0xa6: {  	[spmem:s2] =	stream.linear.scatter @!p0 [tilespmem:s0], [sflag:$0x6], $0x1400, $0x38;
	v63 =	vld [tilespmem:$0x0]  }
0xa7: {  	s2 =	sld [smem:$0x7E2];
	_ =	sdelay $0x1  }
0xa8: {  	s0 =	simm.s32 @!p1 $0x1D7E0  }
0xa9: {  	[spmem:s2] =	stream.linear.scatter @!p1 [tilespmem:s0], [sflag:$0x6], $0x1400, $0x38;
	v63 =	vld [tilespmem:$0x0]  }
0xaa: {  	s2 =	sld [smem:$0x7E3];
	_ =	sdelay $0x1  }
0xab: {  	s0 =	simm.s32 @!p2 $0x1D7E0  }
0xac: {  	[spmem:s2] =	stream.linear.scatter @!p2 [tilespmem:s0], [sflag:$0x6], $0x1400, $0x38;
	v63 =	vld [tilespmem:$0x0]  }
0xad: {  	s2 =	sld [smem:$0x7E4];
	_ =	sdelay $0x1  }
0xae: {  	s0 =	simm.s32 @!p3 $0x1D7E0  }
0xaf: {  	[spmem:s2] =	stream.linear.scatter @!p3 [tilespmem:s0], [sflag:$0x6], $0x1400, $0x38;
	v63 =	vld [tilespmem:$0x0]  }
0xb0: {  	s2 =	sld [smem:$0x7E5];
	_ =	sdelay $0x1  }
0xb1: {  	s0 =	simm.s32 @!p4 $0x1D7E0  }
0xb2: {  	[spmem:s2] =	stream.linear.scatter @!p4 [tilespmem:s0], [sflag:$0x6], $0x1400, $0x38;
	v63 =	vld [tilespmem:$0x0]  }
0xb3: {  	_ =	swait.ge [sflag:s6], $0x1400  }
0xb4: {  	[sflag:s6] =	ssyncset.done $0x0  }
0xb5: {  	[sflag:s6] =	ssyncadd.s32 $0xFFFFEC00  }
0xb6: {  	_ =	swait.ge [sflag:s6], $0x1400  }
0xb7: {  	[sflag:s6] =	ssyncset.done $0x0  }
0xb8: {  	[sflag:s6] =	ssyncadd.s32 $0xFFFFEC00  }
0xb9: {  	_ =	swait.ge [sflag:s6], $0x1400  }
0xba: {  	[sflag:s6] =	ssyncset.done $0x0  }
0xbb: {  	[sflag:s6] =	ssyncadd.s32 $0xFFFFEC00  }
0xbc: {  	_ =	swait.ge [sflag:s6], $0x1400  }
0xbd: {  	[sflag:s6] =	ssyncset.done $0x0  }
0xbe: {  	[sflag:s6] =	ssyncadd.s32 $0xFFFFEC00  }
0xbf: {  	_ =	swait.ge [sflag:s6], $0x1400  }
0xc0: {  	[sflag:s6] =	ssyncset.done $0x0  }
0xc1: {  	[sflag:s6] =	ssyncadd.s32 $0xFFFFEC00  }
0xc2: {  	_ =	swait.ge [sflag:s6], $0x1400  }
0xc3: {  	[sflag:s6] =	ssyncset.done $0x0  }
0xc4: {  	[sflag:s6] =	ssyncadd.s32 $0xFFFFEC00  }
0xc5: {  	_ =	swait.ge [sflag:s6], $0x1400  }
0xc6: {  	[sflag:s6] =	ssyncset.done $0x0  }
0xc7: {  	[sflag:s6] =	ssyncadd.s32 $0xFFFFEC00  }
0xc8: {  	_ =	swait.ge [sflag:s6], $0x1400  }
0xc9: {  	[sflag:s6] =	ssyncset.done $0x0  }
0xca: {  	[sflag:s6] =	ssyncadd.s32 $0xFFFFEC00  }
0xcb: {  	_ =	swait.ge [sflag:s6], $0x1400  }
0xcc: {  	[sflag:s6] =	ssyncset.done $0x0  }
0xcd: {  	[sflag:s6] =	ssyncadd.s32 $0xFFFFEC00  }
0xce: {  	_ =	swait.ge [sflag:s6], $0x1400  }
0xcf: {  	[sflag:s6] =	ssyncset.done $0x0  }
0xd0: {  	s0 =	simm.s32 @!p5 $0x6;
	[sflag:s6] =	ssyncadd.s32 $0xFFFFEC00  }
0xd1: {  	_ =	swait.ge @!p5 [sflag:s0], $0x1400  }
0xd2: {  	[sflag:s0] =	ssyncset.done @!p5 $0x0  }
0xd3: {  	[sflag:s0] =	ssyncadd.s32 @!p5 $0xFFFFEC00;
	s0 =	simm.s32 @!p0 $0x6  }
0xd4: {  	_ =	swait.ge @!p0 [sflag:s0], $0x1400  }
0xd5: {  	[sflag:s0] =	ssyncset.done @!p0 $0x0  }
0xd6: {  	[sflag:s0] =	ssyncadd.s32 @!p0 $0xFFFFEC00;
	s0 =	simm.s32 @!p1 $0x6  }
0xd7: {  	_ =	swait.ge @!p1 [sflag:s0], $0x1400  }
0xd8: {  	[sflag:s0] =	ssyncset.done @!p1 $0x0  }
0xd9: {  	[sflag:s0] =	ssyncadd.s32 @!p1 $0xFFFFEC00;
	s0 =	simm.s32 @!p2 $0x6  }
0xda: {  	_ =	swait.ge @!p2 [sflag:s0], $0x1400  }
0xdb: {  	[sflag:s0] =	ssyncset.done @!p2 $0x0  }
0xdc: {  	[sflag:s0] =	ssyncadd.s32 @!p2 $0xFFFFEC00;
	s0 =	simm.s32 @!p3 $0x6  }
0xdd: {  	_ =	swait.ge @!p3 [sflag:s0], $0x1400  }
0xde: {  	[sflag:s0] =	ssyncset.done @!p3 $0x0  }
0xdf: {  	[sflag:s0] =	ssyncadd.s32 @!p3 $0xFFFFEC00;
	s0 =	simm.s32 @!p4 $0x6  }
0xe0: {  	_ =	swait.ge @!p4 [sflag:s0], $0x1400  }
0xe1: {  	[sflag:s0] =	ssyncset.done @!p4 $0x0  }
0xe2: {  	[sflag:s0] =	ssyncadd.s32 @!p4 $0xFFFFEC00  }
0xe3: {  	s28 =	simm.s32 $0x0;
	[bflag:$0x0] =	sbarrier.arrive $0xFFFF  }
.LBB2_4:
0xe4: {  	s0 =	sshllo.u32 s28, $0x1  }
0xe5: {  	s2 =	smul.u32 $0x2800, s0;
	_ =	sdelay $0x1  }
0xe6: {  	s2 =	sadd.s32 s24, s2  }
0xe7: {  	s2 =	sshrl.u32 s2, $0x3  }
0xe8: {  	s29 =	smul.u32 $0x50, s0;
	s2 =	sadd.s32 s19, s2  }
0xe9: {  	[tilespmem:s12], [sflag:$0x4] =	stream.linear.gather [hbm4b:s2+s1], $0x2800, $0x38;
	v63 =	vld [tilespmem:$0x0]  }
0xea: {  	s0 =	sadd.s32 $0x13880, s29  }
0xeb: {  	[tilespmem:s13], [sflag:$0x2] =	stream.indirect.gather [hbm4b:s16+s9], $0x80, s0, s9, $0xb8;
	v63 =	vld [tilespmem:$0x0]  }
0xec: {  	_ =	swait.ge [sflag:s14], $0x2800  }
0xed: {  	[sflag:s14] =	ssyncset.done $0x0  }
0xee: {  	[sflag:s14] =	ssyncadd.s32 $0xFFFFD800  }
0xef: {  	_ =	swait.ge [sflag:s15], $0x2800  }
0xf0: {  	[sflag:s15] =	ssyncset.done $0x0  }
0xf1: {  	s2 =	simm.s32 $0x160E0;
	[sflag:s15] =	ssyncadd.s32 $0xFFFFD800  }
0xf2: {  	s30 =	simm.s32 $0x1B0E0;
	v2 =	vld [tilespmem:s2+$0xF0]  }
0xf3: {  	v3 =	vld [tilespmem:s30+$0xF0]  }
0xf4: {  	v4 =	vld [tilespmem:s2+$0xFFFFFF10]  }
0xf5: {  	v5 =	vld [tilespmem:s30+$0xFFFFFF10]  }
0xf6: {  	v6 =	vld [tilespmem:s2+$0xFFFFFF20]  }
0xf7: {  	v7 =	vld [tilespmem:s30+$0xFFFFFF20]  }
0xf8: {  	v1 =	vld [tilespmem:s30+$0xFFFFFF00]  }
0xf9: {  	v8 =	vld [tilespmem:s2+$0xFFFFFF30]  }
0xfa: {  	v9 =	vld [tilespmem:s30+$0xFFFFFF30]  }
0xfb: {  	v10 =	vld [tilespmem:s30+$0xFFFFFF40]  }
0xfc: {  	v11 =	vld [tilespmem:s2+$0xFFFFFF60]  }
0xfd: {  	v12 =	vld [tilespmem:s2+$0xFFFFFF70]  }
0xfe: {  	v13 =	vld [tilespmem:s2+$0xFFFFFF80]  }
0xff: {  	v14 =	vld [tilespmem:s30+$0xFFFFFF80]  }
0x100: {  	v15 =	vld [tilespmem:s30+$0xFFFFFF90]  }
0x101: {  	v16 =	vld [tilespmem:s2+$0xFFFFFFA0]  }
0x102: {  	v17 =	vld [tilespmem:s30+$0xFFFFFF70]  }
0x103: {  	v45 =	vld [tilespmem:s2+$0xFFFFFFB0]  }
0x104: {  	v18 =	vld [tilespmem:s30+$0xFFFFFFB0]  }
0x105: {  	v46 =	vld [tilespmem:s2+$0xFFFFFFC0]  }
0x106: {  	v47 =	vld [tilespmem:s30+$0xFFFFFFC0]  }
0x107: {  	v48 =	vld [tilespmem:s2+$0xFFFFFFD0]  }
0x108: {  	v19 =	vld [tilespmem:s2+$0xFFFFFFE0]  }
0x109: {  	v20 =	vld [tilespmem:s2+$0xFFFFFFF0]  }
0x10a: {  	v21 =	vld [tilespmem:s2+$0x0]  }
0x10b: {  	v22 =	vld [tilespmem:s30+$0x0]  }
0x10c: {  	v49 =	vld [tilespmem:s2+$0x10]  }
0x10d: {  	v23 =	vld [tilespmem:s30+$0x10]  }
0x10e: {  	v24 =	vld [tilespmem:s2+$0x20]  }
0x10f: {  	v50 =	vld [tilespmem:s30+$0x20]  }
0x110: {  	v25 =	vld [tilespmem:s30+$0xFFFFFFF0]  }
0x111: {  	v51 =	vld [tilespmem:s2+$0x30]  }
0x112: {  	v52 =	vld [tilespmem:s30+$0x30]  }
0x113: {  	v53 =	vld [tilespmem:s2+$0x40]  }
0x114: {  	v54 =	vld [tilespmem:s30+$0x40];
	v4 =	vadd.f32 v5, v4  }
0x115: {  	v55 =	vld [tilespmem:s2+$0x50];
	v6 =	vadd.f32 v7, v6  }
0x116: {  	v5 =	vld [tilespmem:s2+$0xFFFFFF40];
	v8 =	vadd.f32 v9, v8;
	v4 =	vmax.f32 v4, $0.0e+00  }
0x117: {  	v9 =	vld [tilespmem:s2+$0xFFFFFF90];
	v13 =	vadd.f32 v14, v13;
	v6 =	vmax.f32 v6, $0.0e+00;
	[tilespmem:s30+$0xFFFFFF10] =	vst v4  }
0x118: {  	v7 =	vld [tilespmem:s2+$0xFFFFFF50];
	v14 =	vadd.f32 v18, v45;
	v8 =	vmax.f32 v8, $0.0e+00;
	[tilespmem:s30+$0xFFFFFF20] =	vst v6  }
0x119: {  	v21 =	vadd.f32 v22, v21;
	v13 =	vmax.f32 v13, $0.0e+00;
	[tilespmem:s30+$0xFFFFFF30] =	vst v8;
	v8 =	vld [tilespmem:s30+$0xFFFFFFA0]  }
0x11a: {  	v18 =	vadd.f32 v23, v49;
	v14 =	vmax.f32 v14, $0.0e+00;
	v4 =	vld [tilespmem:s30+$0xFFFFFF50];
	[tilespmem:s30+$0xFFFFFF80] =	vst v13  }
0x11b: {  	v2 =	vadd.f32 v3, v2;
	v21 =	vmax.f32 v21, $0.0e+00;
	v6 =	vld [tilespmem:s30+$0xFFFFFF60];
	[tilespmem:s30+$0xFFFFFFB0] =	vst v14  }
0x11c: {  	v56 =	vld [tilespmem:s30+$0x80];
	v18 =	vmax.f32 v18, $0.0e+00;
	[tilespmem:s30+$0x0] =	vst v21;
	v9 =	vadd.f32 v15, v9  }
0x11d: {  	v57 =	vld [tilespmem:s2+$0x90];
	v2 =	vmax.f32 v2, $0.0e+00;
	[tilespmem:s30+$0x10] =	vst v18;
	v5 =	vadd.f32 v10, v5  }
0x11e: {  	v60 =	vld [tilespmem:s2+$0xB0];
	[tilespmem:s30+$0xF0] =	vst v2;
	v9 =	vmax.f32 v9, $0.0e+00;
	v8 =	vadd.f32 v8, v16  }
0x11f: {  	v3 =	vld [tilespmem:s30+$0x50];
	v2 =	vmax.f32 v5, $0.0e+00;
	[tilespmem:s30+$0xFFFFFF90] =	vst v9;
	v4 =	vadd.f32 v4, v7  }
0x120: {  	v9 =	vld [tilespmem:s30+$0xFFFFFFD0];
	v5 =	vadd.f32 v6, v11;
	[tilespmem:s30+$0xFFFFFF40] =	vst v2;
	v8 =	vmax.f32 v8, $0.0e+00  }
0x121: {  	v2 =	vmax.f32 v4, $0.0e+00;
	v4 =	vadd.f32 v17, v12;
	[tilespmem:s30+$0xFFFFFFA0] =	vst v8;
	v8 =	vld [tilespmem:s30+$0xFFFFFFE0]  }
0x122: {  	v10 =	vld [tilespmem:s2+$0x60];
	[tilespmem:s30+$0xFFFFFF50] =	vst v2;
	v2 =	vmax.f32 v5, $0.0e+00;
	v5 =	vadd.f32 v47, v46  }
0x123: {  	v7 =	vld [tilespmem:s30+$0x60];
	[tilespmem:s30+$0xFFFFFF60] =	vst v2;
	v2 =	vmax.f32 v4, $0.0e+00;
	v4 =	vadd.f32 v52, v51  }
0x124: {  	v14 =	vadd.f32 v50, v24;
	v11 =	vld [tilespmem:s2+$0x80];
	[tilespmem:s30+$0xFFFFFF70] =	vst v2;
	v2 =	vmax.f32 v5, $0.0e+00  }
0x125: {  	v5 =	vadd.f32 v9, v48;
	v9 =	vld [tilespmem:s30+$0x90];
	[tilespmem:s30+$0xFFFFFFC0] =	vst v2;
	v4 =	vmax.f32 v4, $0.0e+00  }
0x126: {  	v14 =	vmax.f32 v14, $0.0e+00;
	[tilespmem:s30+$0x30] =	vst v4;
	v4 =	vld [tilespmem:s30+$0xA0];
	v2 =	vadd.f32 v8, v19  }
0x127: {  	v58 =	vadd.f32 v25, v20;
	[tilespmem:s30+$0x20] =	vst v14;
	v5 =	vmax.f32 v5, $0.0e+00;
	v8 =	vld [tilespmem:s2+$0xA0]  }
0x128: {  	v3 =	vadd.f32 v3, v55;
	v6 =	vld [tilespmem:s2+$0x70];
	[tilespmem:s30+$0xFFFFFFD0] =	vst v5;
	v2 =	vmax.f32 v2, $0.0e+00  }
0x129: {  	v5 =	vadd.f32 v56, v11;
	v11 =	vld [tilespmem:s30+$0x70];
	[tilespmem:s30+$0xFFFFFFE0] =	vst v2;
	v2 =	vmax.f32 v58, $0.0e+00  }
0x12a: {  	v59 =	vadd.f32 v54, v53;
	v3 =	vmax.f32 v3, $0.0e+00;
	[tilespmem:s30+$0xFFFFFFF0] =	vst v2;
	v2 =	vadd.f32 v9, v57;
	v9 =	vld [tilespmem:s30+$0xB0]  }
0x12b: {  	v61 =	vld [tilespmem:s2+$0xC0];
	[tilespmem:s30+$0x50] =	vst v3;
	v5 =	vmax.f32 v5, $0.0e+00  }
0x12c: {  	v62 =	vld [tilespmem:s30+$0xC0];
	v12 =	vmax.f32 v59, $0.0e+00;
	[tilespmem:s30+$0x80] =	vst v5;
	v5 =	vadd.f32 v4, v8  }
0x12d: {  	[tilespmem:s30+$0x40] =	vst v12;
	v7 =	vadd.f32 v7, v10;
	v4 =	vld [tilespmem:s30+$0xD0];
	v2 =	vmax.f32 v2, $0.0e+00  }
0x12e: {  	v6 =	vadd.f32 v11, v6;
	[tilespmem:s30+$0x90] =	vst v2;
	v2 =	vld [tilespmem:s2+$0xD0];
	v3 =	vmax.f32 v5, $0.0e+00  }
0x12f: {  	v5 =	vmax.f32 v7, $0.0e+00;
	[tilespmem:s30+$0xA0] =	vst v3;
	v3 =	vld [tilespmem:s2+$0xE0];
	v8 =	vadd.f32 v9, v60  }
0x130: {  	s31 =	sshll.u32 s28, $0x1;
	[tilespmem:s30+$0x60] =	vst v5;
	v5 =	vmax.f32 v6, $0.0e+00;
	v6 =	vld [tilespmem:s30+$0xE0]  }
0x131: {  	s18 =	simm.s32 $0x0;
	s0 =	simm.s32 $0x162E0;
	v7 =	vadd.f32 v62, v61;
	[tilespmem:s30+$0x70] =	vst v5;
	v5 =	vld [tilespmem:s2+$0xFFFFFF00];
	s2 =	simm.s32 $0x1B0E0;
	v8 =	vmax.f32 v8, $0.0e+00  }
.LBB2_5:
0x132: {  	v9 =	vld [tilespmem:s0+$0xF0];
	[tilespmem:s30+$0xB0] =	vst v8;
	s2 =	sadd.s32 $0x200, s2  }
0x133: {  	s18 =	sadd.s32 $0x4, s18;
	v8 =	vld [tilespmem:s2+$0xF0];
	v7 =	vmax.f32 v7, $0.0e+00;
	v2 =	vadd.f32 v4, v2  }
0x134: {  	p6 =	slt.u32 s18, $0x4C;
	v4 =	vld [tilespmem:s2+$0xFFFFFF00];
	[tilespmem:s30+$0xC0] =	vst v7  }
0x135: {  	v7 =	vld [tilespmem:s0+$0xFFFFFF10];
	v2 =	vmax.f32 v2, $0.0e+00;
	v3 =	vadd.f32 v6, v3  }
0x136: {  	v6 =	vld [tilespmem:s2+$0xFFFFFF10];
	v10 =	vadd.f32 v1, v5;
	[tilespmem:s30+$0xD0] =	vst v2  }
0x137: {  	v2 =	vld [tilespmem:s0+$0xFFFFFF20];
	v3 =	vmax.f32 v3, $0.0e+00  }
0x138: {  	v5 =	vld [tilespmem:s2+$0xFFFFFF20];
	v8 =	vadd.f32 v8, v9;
	v9 =	vmax.f32 v10, $0.0e+00;
	[tilespmem:s30+$0xE0] =	vst v3  }
0x139: {  	v3 =	vld [tilespmem:s0+$0xFFFFFF30];
	[tilespmem:s30+$0xFFFFFF00] =	vst v9;
	v1 =	vmov v4;
	s30 =	smov.u32 s2  }
0x13a: {  	v4 =	vld [tilespmem:s2+$0xFFFFFF30];
	v8 =	vmax.f32 v8, $0.0e+00  }
0x13b: {  	v6 =	vadd.f32 v6, v7;
	v7 =	vld [tilespmem:s0+$0xFFFFFF40];
	[tilespmem:s2+$0xF0] =	vst v8  }
0x13c: {  	v8 =	vld [tilespmem:s2+$0xFFFFFF40]  }
0x13d: {  	v6 =	vmax.f32 v6, $0.0e+00;
	v2 =	vadd.f32 v5, v2;
	v5 =	vld [tilespmem:s0+$0xFFFFFF50]  }
0x13e: {  	[tilespmem:s2+$0xFFFFFF10] =	vst v6;
	v6 =	vld [tilespmem:s2+$0xFFFFFF50]  }
0x13f: {  	v2 =	vmax.f32 v2, $0.0e+00;
	v3 =	vadd.f32 v4, v3;
	v4 =	vld [tilespmem:s0+$0xFFFFFF60]  }
0x140: {  	[tilespmem:s2+$0xFFFFFF20] =	vst v2;
	v2 =	vld [tilespmem:s2+$0xFFFFFF60]  }
0x141: {  	v3 =	vmax.f32 v3, $0.0e+00;
	v7 =	vadd.f32 v8, v7;
	v8 =	vld [tilespmem:s0+$0xFFFFFF70]  }
0x142: {  	[tilespmem:s2+$0xFFFFFF30] =	vst v3;
	v3 =	vld [tilespmem:s2+$0xFFFFFF70]  }
0x143: {  	v7 =	vmax.f32 v7, $0.0e+00;
	v5 =	vadd.f32 v6, v5;
	v6 =	vld [tilespmem:s0+$0xFFFFFF80]  }
0x144: {  	[tilespmem:s2+$0xFFFFFF40] =	vst v7;
	v7 =	vld [tilespmem:s2+$0xFFFFFF80]  }
0x145: {  	v5 =	vmax.f32 v5, $0.0e+00;
	v2 =	vadd.f32 v2, v4;
	v4 =	vld [tilespmem:s0+$0xFFFFFF90]  }
0x146: {  	[tilespmem:s2+$0xFFFFFF50] =	vst v5;
	v5 =	vld [tilespmem:s2+$0xFFFFFF90]  }
0x147: {  	v2 =	vmax.f32 v2, $0.0e+00;
	v3 =	vadd.f32 v3, v8;
	v8 =	vld [tilespmem:s0+$0xFFFFFFA0]  }
0x148: {  	[tilespmem:s2+$0xFFFFFF60] =	vst v2;
	v2 =	vld [tilespmem:s2+$0xFFFFFFA0]  }
0x149: {  	v3 =	vmax.f32 v3, $0.0e+00;
	v6 =	vadd.f32 v7, v6;
	v7 =	vld [tilespmem:s0+$0xFFFFFFB0]  }
0x14a: {  	[tilespmem:s2+$0xFFFFFF70] =	vst v3;
	v3 =	vld [tilespmem:s2+$0xFFFFFFB0]  }
0x14b: {  	v6 =	vmax.f32 v6, $0.0e+00;
	v4 =	vadd.f32 v5, v4;
	v5 =	vld [tilespmem:s0+$0xFFFFFFC0]  }
0x14c: {  	[tilespmem:s2+$0xFFFFFF80] =	vst v6;
	v6 =	vld [tilespmem:s2+$0xFFFFFFC0]  }
0x14d: {  	v4 =	vmax.f32 v4, $0.0e+00;
	v2 =	vadd.f32 v2, v8;
	v8 =	vld [tilespmem:s0+$0xFFFFFFD0]  }
0x14e: {  	[tilespmem:s2+$0xFFFFFF90] =	vst v4;
	v4 =	vld [tilespmem:s2+$0xFFFFFFD0]  }
0x14f: {  	v2 =	vmax.f32 v2, $0.0e+00;
	v3 =	vadd.f32 v3, v7;
	v7 =	vld [tilespmem:s0+$0xFFFFFFE0]  }
0x150: {  	[tilespmem:s2+$0xFFFFFFA0] =	vst v2;
	v2 =	vld [tilespmem:s2+$0xFFFFFFE0]  }
0x151: {  	v3 =	vmax.f32 v3, $0.0e+00;
	v5 =	vadd.f32 v6, v5;
	v6 =	vld [tilespmem:s0+$0xFFFFFFF0]  }
0x152: {  	[tilespmem:s2+$0xFFFFFFB0] =	vst v3;
	v3 =	vld [tilespmem:s2+$0xFFFFFFF0]  }
0x153: {  	v5 =	vmax.f32 v5, $0.0e+00;
	v4 =	vadd.f32 v4, v8;
	v8 =	vld [tilespmem:s0+$0x0]  }
0x154: {  	[tilespmem:s2+$0xFFFFFFC0] =	vst v5;
	v5 =	vld [tilespmem:s2+$0x0]  }
0x155: {  	v4 =	vmax.f32 v4, $0.0e+00;
	v2 =	vadd.f32 v2, v7;
	v7 =	vld [tilespmem:s0+$0x10]  }
0x156: {  	[tilespmem:s2+$0xFFFFFFD0] =	vst v4;
	v4 =	vld [tilespmem:s2+$0x10]  }
0x157: {  	v2 =	vmax.f32 v2, $0.0e+00;
	v3 =	vadd.f32 v3, v6;
	v6 =	vld [tilespmem:s0+$0x20]  }
0x158: {  	[tilespmem:s2+$0xFFFFFFE0] =	vst v2;
	v2 =	vld [tilespmem:s2+$0x20]  }
0x159: {  	v3 =	vmax.f32 v3, $0.0e+00;
	v5 =	vadd.f32 v5, v8;
	v8 =	vld [tilespmem:s0+$0x30]  }
0x15a: {  	[tilespmem:s2+$0xFFFFFFF0] =	vst v3;
	v3 =	vld [tilespmem:s2+$0x30]  }
0x15b: {  	v5 =	vmax.f32 v5, $0.0e+00;
	v4 =	vadd.f32 v4, v7;
	v7 =	vld [tilespmem:s0+$0x40]  }
0x15c: {  	[tilespmem:s2+$0x0] =	vst v5;
	v5 =	vld [tilespmem:s2+$0x40]  }
0x15d: {  	v4 =	vmax.f32 v4, $0.0e+00;
	v2 =	vadd.f32 v2, v6;
	v6 =	vld [tilespmem:s0+$0x50]  }
0x15e: {  	[tilespmem:s2+$0x10] =	vst v4;
	v4 =	vld [tilespmem:s2+$0x50]  }
0x15f: {  	v2 =	vmax.f32 v2, $0.0e+00;
	v3 =	vadd.f32 v3, v8;
	v8 =	vld [tilespmem:s0+$0x60]  }
0x160: {  	[tilespmem:s2+$0x20] =	vst v2;
	v2 =	vld [tilespmem:s2+$0x60]  }
0x161: {  	v3 =	vmax.f32 v3, $0.0e+00;
	v5 =	vadd.f32 v5, v7;
	v7 =	vld [tilespmem:s0+$0x70]  }
0x162: {  	[tilespmem:s2+$0x30] =	vst v3;
	v3 =	vld [tilespmem:s2+$0x70]  }
0x163: {  	v5 =	vmax.f32 v5, $0.0e+00;
	v4 =	vadd.f32 v4, v6;
	v6 =	vld [tilespmem:s0+$0x80]  }
0x164: {  	[tilespmem:s2+$0x40] =	vst v5;
	v5 =	vld [tilespmem:s2+$0x80]  }
0x165: {  	v4 =	vmax.f32 v4, $0.0e+00;
	v2 =	vadd.f32 v2, v8;
	v8 =	vld [tilespmem:s0+$0x90]  }
0x166: {  	[tilespmem:s2+$0x50] =	vst v4;
	v4 =	vld [tilespmem:s2+$0x90]  }
0x167: {  	v2 =	vmax.f32 v2, $0.0e+00;
	v3 =	vadd.f32 v3, v7;
	v7 =	vld [tilespmem:s0+$0xA0]  }
0x168: {  	[tilespmem:s2+$0x60] =	vst v2;
	v2 =	vld [tilespmem:s2+$0xA0]  }
0x169: {  	v3 =	vmax.f32 v3, $0.0e+00;
	v5 =	vadd.f32 v5, v6;
	v6 =	vld [tilespmem:s0+$0xB0]  }
0x16a: {  	[tilespmem:s2+$0x70] =	vst v3;
	v3 =	vld [tilespmem:s2+$0xB0]  }
0x16b: {  	v5 =	vmax.f32 v5, $0.0e+00;
	v4 =	vadd.f32 v4, v8;
	v9 =	vld [tilespmem:s0+$0xC0]  }
0x16c: {  	[tilespmem:s2+$0x80] =	vst v5;
	v10 =	vld [tilespmem:s2+$0xC0]  }
.Ltmp1:
0x16d: {  	v4 =	vmax.f32 v4, $0.0e+00;
	v5 =	vadd.f32 v2, v7;
	v2 =	vld [tilespmem:s0+$0xD0];
	(pc) =	sbr.rel @p6 .LBB2_5-.Ltmp1, $4  }
0x16e: {  	[tilespmem:s2+$0x90] =	vst v4;
	v4 =	vld [tilespmem:s2+$0xD0]  }
0x16f: {  	v5 =	vmax.f32 v5, $0.0e+00;
	v7 =	vadd.f32 v3, v6;
	v3 =	vld [tilespmem:s0+$0xE0]  }
0x170: {  	[tilespmem:s2+$0xA0] =	vst v5;
	v6 =	vld [tilespmem:s2+$0xE0]  }
0x171: {  	v5 =	vld [tilespmem:s0+$0xFFFFFF00];
	v8 =	vmax.f32 v7, $0.0e+00;
	v7 =	vadd.f32 v10, v9;
	s0 =	sadd.s32 $0x200, s0  }
0x172: {  	_ =	sdelay $0x1  }
0x173: {  	v2 =	vadd.f32 v4, v2  }
0x174: {  	[tilespmem:s30+$0xB0] =	vst v8;
	v4 =	vmax.f32 v7, $0.0e+00;
	v3 =	vadd.f32 v6, v3  }
0x175: {  	[tilespmem:s30+$0xC0] =	vst v4;
	v2 =	vmax.f32 v2, $0.0e+00;
	v1 =	vadd.f32 v1, v5  }
0x176: {  	[tilespmem:s30+$0xD0] =	vst v2;
	v2 =	vmax.f32 v3, $0.0e+00  }
0x177: {  	v1 =	vmax.f32 v1, $0.0e+00;
	[tilespmem:s30+$0xE0] =	vst v2  }
0x178: {  	[tilespmem:s30+$0xFFFFFF00] =	vst v1  }
0x179: {  	_ =	swait.ge [sflag:s21], $0x50  }
0x17a: {  	[sflag:s21] =	ssyncset.done $0x0  }
0x17b: {  	s2 =	sadd.s32 $0x2, s31;
	[sflag:s21] =	ssyncadd.s32 $0xFFFFFFB0  }
0x17c: {  	[spmem:s23] =	stream.indirect.scatter.add.f32 [tilespmem:s8], [sflag:$0x7], $0x80, s11, s9, $0xb8;
	v63 =	vld [tilespmem:$0x0]  }
0x17d: {  	s0 =	sadd.s32 s20, s29;
	s18 =	smul.u32 $0x2800, s2;
	_ =	swait.ge [sflag:s7], $0x2800  }
0x17e: {  	s0 =	sshrl.u32 s0, $0x3;
	[sflag:s7] =	ssyncset.done $0x0  }
0x17f: {  	s0 =	sadd.s32 s17, s0;
	s31 =	sadd.s32 s24, s18;
	[sflag:s7] =	ssyncadd.s32 $0xFFFFD800  }
0x180: {  	[tilespmem:s11], [sflag:$0x5] =	stream.linear.gather [hbm4b:s0+s1], $0x50, $0x38;
	v63 =	vld [tilespmem:$0x0]  }
0x181: {  	s0 =	sshrl.u32 s31, $0x3  }
0x182: {  	s29 =	smul.u32 $0x50, s2;
	s0 =	sadd.s32 s19, s0  }
0x183: {  	[tilespmem:s8], [sflag:$0x3] =	stream.linear.gather [hbm4b:s0+s1], $0x2800, $0x38;
	v63 =	vld [tilespmem:$0x0]  }
0x184: {  	s18 =	sadd.s32 $0x13880, s29  }
0x185: {  	[tilespmem:s10], [sflag:$0x1] =	stream.indirect.gather [hbm4b:s16+s9], $0x80, s18, s9, $0xb8;
	v63 =	vld [tilespmem:$0x0]  }
0x186: {  	_ =	swait.ge [sflag:s22], $0x2800  }
0x187: {  	[sflag:s22] =	ssyncset.done $0x0  }
0x188: {  	[sflag:s22] =	ssyncadd.s32 $0xFFFFD800  }
0x189: {  	_ =	swait.ge [sflag:s25], $0x2800  }
0x18a: {  	[sflag:s25] =	ssyncset.done $0x0  }
0x18b: {  	s31 =	simm.s32 $0x188E0;
	[sflag:s25] =	ssyncadd.s32 $0xFFFFD800  }
0x18c: {  	s30 =	simm.s32 $0x1D8E0;
	v2 =	vld [tilespmem:s31+$0xF0]  }
0x18d: {  	v3 =	vld [tilespmem:s30+$0xF0]  }
0x18e: {  	v4 =	vld [tilespmem:s31+$0xFFFFFF10]  }
0x18f: {  	v5 =	vld [tilespmem:s30+$0xFFFFFF10]  }
0x190: {  	v6 =	vld [tilespmem:s31+$0xFFFFFF20]  }
0x191: {  	v7 =	vld [tilespmem:s30+$0xFFFFFF20]  }
0x192: {  	v1 =	vld [tilespmem:s30+$0xFFFFFF00]  }
0x193: {  	v8 =	vld [tilespmem:s31+$0xFFFFFF30]  }
0x194: {  	v9 =	vld [tilespmem:s30+$0xFFFFFF30]  }
0x195: {  	v10 =	vld [tilespmem:s30+$0xFFFFFF40]  }
0x196: {  	v11 =	vld [tilespmem:s31+$0xFFFFFF60]  }
0x197: {  	v12 =	vld [tilespmem:s31+$0xFFFFFF70]  }
0x198: {  	v13 =	vld [tilespmem:s31+$0xFFFFFF80]  }
0x199: {  	v14 =	vld [tilespmem:s30+$0xFFFFFF80]  }
0x19a: {  	v15 =	vld [tilespmem:s30+$0xFFFFFF90]  }
0x19b: {  	v16 =	vld [tilespmem:s31+$0xFFFFFFA0]  }
0x19c: {  	v17 =	vld [tilespmem:s30+$0xFFFFFF70]  }
0x19d: {  	v45 =	vld [tilespmem:s31+$0xFFFFFFB0]  }
0x19e: {  	v18 =	vld [tilespmem:s30+$0xFFFFFFB0]  }
0x19f: {  	v46 =	vld [tilespmem:s31+$0xFFFFFFC0]  }
0x1a0: {  	v47 =	vld [tilespmem:s30+$0xFFFFFFC0]  }
0x1a1: {  	v48 =	vld [tilespmem:s31+$0xFFFFFFD0]  }
0x1a2: {  	v19 =	vld [tilespmem:s31+$0xFFFFFFE0]  }
0x1a3: {  	v20 =	vld [tilespmem:s31+$0xFFFFFFF0]  }
0x1a4: {  	v21 =	vld [tilespmem:s31+$0x0]  }
0x1a5: {  	v22 =	vld [tilespmem:s30+$0x0]  }
0x1a6: {  	v49 =	vld [tilespmem:s31+$0x10]  }
0x1a7: {  	v23 =	vld [tilespmem:s30+$0x10]  }
0x1a8: {  	v24 =	vld [tilespmem:s31+$0x20]  }
0x1a9: {  	v50 =	vld [tilespmem:s30+$0x20]  }
0x1aa: {  	v25 =	vld [tilespmem:s30+$0xFFFFFFF0]  }
0x1ab: {  	v51 =	vld [tilespmem:s31+$0x30]  }
0x1ac: {  	v52 =	vld [tilespmem:s30+$0x30]  }
0x1ad: {  	v53 =	vld [tilespmem:s31+$0x40]  }
0x1ae: {  	v54 =	vld [tilespmem:s30+$0x40];
	v4 =	vadd.f32 v5, v4  }
0x1af: {  	v55 =	vld [tilespmem:s31+$0x50];
	v6 =	vadd.f32 v7, v6  }
0x1b0: {  	v5 =	vld [tilespmem:s31+$0xFFFFFF40];
	v8 =	vadd.f32 v9, v8;
	v4 =	vmax.f32 v4, $0.0e+00  }
0x1b1: {  	v9 =	vld [tilespmem:s31+$0xFFFFFF90];
	v13 =	vadd.f32 v14, v13;
	v6 =	vmax.f32 v6, $0.0e+00;
	[tilespmem:s30+$0xFFFFFF10] =	vst v4  }
0x1b2: {  	v7 =	vld [tilespmem:s31+$0xFFFFFF50];
	v14 =	vadd.f32 v18, v45;
	v8 =	vmax.f32 v8, $0.0e+00;
	[tilespmem:s30+$0xFFFFFF20] =	vst v6  }
0x1b3: {  	v21 =	vadd.f32 v22, v21;
	v13 =	vmax.f32 v13, $0.0e+00;
	[tilespmem:s30+$0xFFFFFF30] =	vst v8;
	v8 =	vld [tilespmem:s30+$0xFFFFFFA0]  }
0x1b4: {  	v18 =	vadd.f32 v23, v49;
	v14 =	vmax.f32 v14, $0.0e+00;
	v4 =	vld [tilespmem:s30+$0xFFFFFF50];
	[tilespmem:s30+$0xFFFFFF80] =	vst v13  }
0x1b5: {  	v2 =	vadd.f32 v3, v2;
	v21 =	vmax.f32 v21, $0.0e+00;
	v6 =	vld [tilespmem:s30+$0xFFFFFF60];
	[tilespmem:s30+$0xFFFFFFB0] =	vst v14  }
0x1b6: {  	v56 =	vld [tilespmem:s30+$0x80];
	v18 =	vmax.f32 v18, $0.0e+00;
	[tilespmem:s30+$0x0] =	vst v21;
	v9 =	vadd.f32 v15, v9  }
0x1b7: {  	v57 =	vld [tilespmem:s31+$0x90];
	v2 =	vmax.f32 v2, $0.0e+00;
	[tilespmem:s30+$0x10] =	vst v18;
	v5 =	vadd.f32 v10, v5  }
0x1b8: {  	v60 =	vld [tilespmem:s31+$0xB0];
	[tilespmem:s30+$0xF0] =	vst v2;
	v9 =	vmax.f32 v9, $0.0e+00;
	v8 =	vadd.f32 v8, v16  }
0x1b9: {  	v3 =	vld [tilespmem:s30+$0x50];
	v2 =	vmax.f32 v5, $0.0e+00;
	[tilespmem:s30+$0xFFFFFF90] =	vst v9;
	v4 =	vadd.f32 v4, v7  }
0x1ba: {  	v9 =	vld [tilespmem:s30+$0xFFFFFFD0];
	v5 =	vadd.f32 v6, v11;
	[tilespmem:s30+$0xFFFFFF40] =	vst v2;
	v8 =	vmax.f32 v8, $0.0e+00  }
0x1bb: {  	v2 =	vmax.f32 v4, $0.0e+00;
	v4 =	vadd.f32 v17, v12;
	[tilespmem:s30+$0xFFFFFFA0] =	vst v8;
	v8 =	vld [tilespmem:s30+$0xFFFFFFE0]  }
0x1bc: {  	v10 =	vld [tilespmem:s31+$0x60];
	[tilespmem:s30+$0xFFFFFF50] =	vst v2;
	v2 =	vmax.f32 v5, $0.0e+00;
	v5 =	vadd.f32 v47, v46  }
0x1bd: {  	v7 =	vld [tilespmem:s30+$0x60];
	[tilespmem:s30+$0xFFFFFF60] =	vst v2;
	v2 =	vmax.f32 v4, $0.0e+00;
	v4 =	vadd.f32 v52, v51  }
0x1be: {  	v14 =	vadd.f32 v50, v24;
	v11 =	vld [tilespmem:s31+$0x80];
	[tilespmem:s30+$0xFFFFFF70] =	vst v2;
	v2 =	vmax.f32 v5, $0.0e+00  }
0x1bf: {  	v5 =	vadd.f32 v9, v48;
	v9 =	vld [tilespmem:s30+$0x90];
	[tilespmem:s30+$0xFFFFFFC0] =	vst v2;
	v4 =	vmax.f32 v4, $0.0e+00  }
0x1c0: {  	v14 =	vmax.f32 v14, $0.0e+00;
	[tilespmem:s30+$0x30] =	vst v4;
	v4 =	vld [tilespmem:s30+$0xA0];
	v2 =	vadd.f32 v8, v19  }
0x1c1: {  	v58 =	vadd.f32 v25, v20;
	[tilespmem:s30+$0x20] =	vst v14;
	v5 =	vmax.f32 v5, $0.0e+00;
	v8 =	vld [tilespmem:s31+$0xA0]  }
0x1c2: {  	v3 =	vadd.f32 v3, v55;
	v6 =	vld [tilespmem:s31+$0x70];
	[tilespmem:s30+$0xFFFFFFD0] =	vst v5;
	v2 =	vmax.f32 v2, $0.0e+00  }
0x1c3: {  	v5 =	vadd.f32 v56, v11;
	v11 =	vld [tilespmem:s30+$0x70];
	[tilespmem:s30+$0xFFFFFFE0] =	vst v2;
	v2 =	vmax.f32 v58, $0.0e+00  }
0x1c4: {  	v59 =	vadd.f32 v54, v53;
	v3 =	vmax.f32 v3, $0.0e+00;
	[tilespmem:s30+$0xFFFFFFF0] =	vst v2;
	v2 =	vadd.f32 v9, v57;
	v9 =	vld [tilespmem:s30+$0xB0]  }
0x1c5: {  	v61 =	vld [tilespmem:s31+$0xC0];
	[tilespmem:s30+$0x50] =	vst v3;
	v5 =	vmax.f32 v5, $0.0e+00  }
0x1c6: {  	v62 =	vld [tilespmem:s30+$0xC0];
	v12 =	vmax.f32 v59, $0.0e+00;
	[tilespmem:s30+$0x80] =	vst v5;
	v5 =	vadd.f32 v4, v8  }
0x1c7: {  	[tilespmem:s30+$0x40] =	vst v12;
	v7 =	vadd.f32 v7, v10;
	v4 =	vld [tilespmem:s30+$0xD0];
	v2 =	vmax.f32 v2, $0.0e+00  }
0x1c8: {  	v6 =	vadd.f32 v11, v6;
	[tilespmem:s30+$0x90] =	vst v2;
	v2 =	vld [tilespmem:s31+$0xD0];
	v3 =	vmax.f32 v5, $0.0e+00  }
0x1c9: {  	v5 =	vmax.f32 v7, $0.0e+00;
	[tilespmem:s30+$0xA0] =	vst v3;
	v3 =	vld [tilespmem:s31+$0xE0];
	v8 =	vadd.f32 v9, v60  }
0x1ca: {  	[tilespmem:s30+$0x60] =	vst v5;
	v5 =	vmax.f32 v6, $0.0e+00;
	v6 =	vld [tilespmem:s30+$0xE0]  }
0x1cb: {  	s2 =	simm.s32 $0x1D8E0;
	s0 =	simm.s32 $0x18AE0;
	s18 =	simm.s32 $0x0;
	v7 =	vadd.f32 v62, v61;
	[tilespmem:s30+$0x70] =	vst v5;
	v5 =	vld [tilespmem:s31+$0xFFFFFF00];
	v8 =	vmax.f32 v8, $0.0e+00  }
.LBB2_7:
0x1cc: {  	v9 =	vld [tilespmem:s0+$0xF0];
	[tilespmem:s30+$0xB0] =	vst v8;
	s2 =	sadd.s32 $0x200, s2  }
0x1cd: {  	s18 =	sadd.s32 $0x4, s18;
	v8 =	vld [tilespmem:s2+$0xF0];
	v7 =	vmax.f32 v7, $0.0e+00;
	v2 =	vadd.f32 v4, v2  }
0x1ce: {  	p6 =	slt.u32 s18, $0x4C;
	v4 =	vld [tilespmem:s2+$0xFFFFFF00];
	[tilespmem:s30+$0xC0] =	vst v7  }
0x1cf: {  	v7 =	vld [tilespmem:s0+$0xFFFFFF10];
	v2 =	vmax.f32 v2, $0.0e+00;
	v3 =	vadd.f32 v6, v3  }
0x1d0: {  	v6 =	vld [tilespmem:s2+$0xFFFFFF10];
	v10 =	vadd.f32 v1, v5;
	[tilespmem:s30+$0xD0] =	vst v2  }
0x1d1: {  	v2 =	vld [tilespmem:s0+$0xFFFFFF20];
	v3 =	vmax.f32 v3, $0.0e+00  }
0x1d2: {  	v5 =	vld [tilespmem:s2+$0xFFFFFF20];
	v8 =	vadd.f32 v8, v9;
	v9 =	vmax.f32 v10, $0.0e+00;
	[tilespmem:s30+$0xE0] =	vst v3  }
0x1d3: {  	v3 =	vld [tilespmem:s0+$0xFFFFFF30];
	[tilespmem:s30+$0xFFFFFF00] =	vst v9;
	v1 =	vmov v4;
	s30 =	smov.u32 s2  }
0x1d4: {  	v4 =	vld [tilespmem:s2+$0xFFFFFF30];
	v8 =	vmax.f32 v8, $0.0e+00  }
0x1d5: {  	v6 =	vadd.f32 v6, v7;
	v7 =	vld [tilespmem:s0+$0xFFFFFF40];
	[tilespmem:s2+$0xF0] =	vst v8  }
0x1d6: {  	v8 =	vld [tilespmem:s2+$0xFFFFFF40]  }
0x1d7: {  	v6 =	vmax.f32 v6, $0.0e+00;
	v2 =	vadd.f32 v5, v2;
	v5 =	vld [tilespmem:s0+$0xFFFFFF50]  }
0x1d8: {  	[tilespmem:s2+$0xFFFFFF10] =	vst v6;
	v6 =	vld [tilespmem:s2+$0xFFFFFF50]  }
0x1d9: {  	v2 =	vmax.f32 v2, $0.0e+00;
	v3 =	vadd.f32 v4, v3;
	v4 =	vld [tilespmem:s0+$0xFFFFFF60]  }
0x1da: {  	[tilespmem:s2+$0xFFFFFF20] =	vst v2;
	v2 =	vld [tilespmem:s2+$0xFFFFFF60]  }
0x1db: {  	v3 =	vmax.f32 v3, $0.0e+00;
	v7 =	vadd.f32 v8, v7;
	v8 =	vld [tilespmem:s0+$0xFFFFFF70]  }
0x1dc: {  	[tilespmem:s2+$0xFFFFFF30] =	vst v3;
	v3 =	vld [tilespmem:s2+$0xFFFFFF70]  }
0x1dd: {  	v7 =	vmax.f32 v7, $0.0e+00;
	v5 =	vadd.f32 v6, v5;
	v6 =	vld [tilespmem:s0+$0xFFFFFF80]  }
0x1de: {  	[tilespmem:s2+$0xFFFFFF40] =	vst v7;
	v7 =	vld [tilespmem:s2+$0xFFFFFF80]  }
0x1df: {  	v5 =	vmax.f32 v5, $0.0e+00;
	v2 =	vadd.f32 v2, v4;
	v4 =	vld [tilespmem:s0+$0xFFFFFF90]  }
0x1e0: {  	[tilespmem:s2+$0xFFFFFF50] =	vst v5;
	v5 =	vld [tilespmem:s2+$0xFFFFFF90]  }
0x1e1: {  	v2 =	vmax.f32 v2, $0.0e+00;
	v3 =	vadd.f32 v3, v8;
	v8 =	vld [tilespmem:s0+$0xFFFFFFA0]  }
0x1e2: {  	[tilespmem:s2+$0xFFFFFF60] =	vst v2;
	v2 =	vld [tilespmem:s2+$0xFFFFFFA0]  }
0x1e3: {  	v3 =	vmax.f32 v3, $0.0e+00;
	v6 =	vadd.f32 v7, v6;
	v7 =	vld [tilespmem:s0+$0xFFFFFFB0]  }
0x1e4: {  	[tilespmem:s2+$0xFFFFFF70] =	vst v3;
	v3 =	vld [tilespmem:s2+$0xFFFFFFB0]  }
0x1e5: {  	v6 =	vmax.f32 v6, $0.0e+00;
	v4 =	vadd.f32 v5, v4;
	v5 =	vld [tilespmem:s0+$0xFFFFFFC0]  }
0x1e6: {  	[tilespmem:s2+$0xFFFFFF80] =	vst v6;
	v6 =	vld [tilespmem:s2+$0xFFFFFFC0]  }
0x1e7: {  	v4 =	vmax.f32 v4, $0.0e+00;
	v2 =	vadd.f32 v2, v8;
	v8 =	vld [tilespmem:s0+$0xFFFFFFD0]  }
0x1e8: {  	[tilespmem:s2+$0xFFFFFF90] =	vst v4;
	v4 =	vld [tilespmem:s2+$0xFFFFFFD0]  }
0x1e9: {  	v2 =	vmax.f32 v2, $0.0e+00;
	v3 =	vadd.f32 v3, v7;
	v7 =	vld [tilespmem:s0+$0xFFFFFFE0]  }
0x1ea: {  	[tilespmem:s2+$0xFFFFFFA0] =	vst v2;
	v2 =	vld [tilespmem:s2+$0xFFFFFFE0]  }
0x1eb: {  	v3 =	vmax.f32 v3, $0.0e+00;
	v5 =	vadd.f32 v6, v5;
	v6 =	vld [tilespmem:s0+$0xFFFFFFF0]  }
0x1ec: {  	[tilespmem:s2+$0xFFFFFFB0] =	vst v3;
	v3 =	vld [tilespmem:s2+$0xFFFFFFF0]  }
0x1ed: {  	v5 =	vmax.f32 v5, $0.0e+00;
	v4 =	vadd.f32 v4, v8;
	v8 =	vld [tilespmem:s0+$0x0]  }
0x1ee: {  	[tilespmem:s2+$0xFFFFFFC0] =	vst v5;
	v5 =	vld [tilespmem:s2+$0x0]  }
0x1ef: {  	v4 =	vmax.f32 v4, $0.0e+00;
	v2 =	vadd.f32 v2, v7;
	v7 =	vld [tilespmem:s0+$0x10]  }
0x1f0: {  	[tilespmem:s2+$0xFFFFFFD0] =	vst v4;
	v4 =	vld [tilespmem:s2+$0x10]  }
0x1f1: {  	v2 =	vmax.f32 v2, $0.0e+00;
	v3 =	vadd.f32 v3, v6;
	v6 =	vld [tilespmem:s0+$0x20]  }
0x1f2: {  	[tilespmem:s2+$0xFFFFFFE0] =	vst v2;
	v2 =	vld [tilespmem:s2+$0x20]  }
0x1f3: {  	v3 =	vmax.f32 v3, $0.0e+00;
	v5 =	vadd.f32 v5, v8;
	v8 =	vld [tilespmem:s0+$0x30]  }
0x1f4: {  	[tilespmem:s2+$0xFFFFFFF0] =	vst v3;
	v3 =	vld [tilespmem:s2+$0x30]  }
0x1f5: {  	v5 =	vmax.f32 v5, $0.0e+00;
	v4 =	vadd.f32 v4, v7;
	v7 =	vld [tilespmem:s0+$0x40]  }
0x1f6: {  	[tilespmem:s2+$0x0] =	vst v5;
	v5 =	vld [tilespmem:s2+$0x40]  }
0x1f7: {  	v4 =	vmax.f32 v4, $0.0e+00;
	v2 =	vadd.f32 v2, v6;
	v6 =	vld [tilespmem:s0+$0x50]  }
0x1f8: {  	[tilespmem:s2+$0x10] =	vst v4;
	v4 =	vld [tilespmem:s2+$0x50]  }
0x1f9: {  	v2 =	vmax.f32 v2, $0.0e+00;
	v3 =	vadd.f32 v3, v8;
	v8 =	vld [tilespmem:s0+$0x60]  }
0x1fa: {  	[tilespmem:s2+$0x20] =	vst v2;
	v2 =	vld [tilespmem:s2+$0x60]  }
0x1fb: {  	v3 =	vmax.f32 v3, $0.0e+00;
	v5 =	vadd.f32 v5, v7;
	v7 =	vld [tilespmem:s0+$0x70]  }
0x1fc: {  	[tilespmem:s2+$0x30] =	vst v3;
	v3 =	vld [tilespmem:s2+$0x70]  }
0x1fd: {  	v5 =	vmax.f32 v5, $0.0e+00;
	v4 =	vadd.f32 v4, v6;
	v6 =	vld [tilespmem:s0+$0x80]  }
0x1fe: {  	[tilespmem:s2+$0x40] =	vst v5;
	v5 =	vld [tilespmem:s2+$0x80]  }
0x1ff: {  	v4 =	vmax.f32 v4, $0.0e+00;
	v2 =	vadd.f32 v2, v8;
	v8 =	vld [tilespmem:s0+$0x90]  }
0x200: {  	[tilespmem:s2+$0x50] =	vst v4;
	v4 =	vld [tilespmem:s2+$0x90]  }
0x201: {  	v2 =	vmax.f32 v2, $0.0e+00;
	v3 =	vadd.f32 v3, v7;
	v7 =	vld [tilespmem:s0+$0xA0]  }
0x202: {  	[tilespmem:s2+$0x60] =	vst v2;
	v2 =	vld [tilespmem:s2+$0xA0]  }
0x203: {  	v3 =	vmax.f32 v3, $0.0e+00;
	v5 =	vadd.f32 v5, v6;
	v6 =	vld [tilespmem:s0+$0xB0]  }
0x204: {  	[tilespmem:s2+$0x70] =	vst v3;
	v3 =	vld [tilespmem:s2+$0xB0]  }
0x205: {  	v5 =	vmax.f32 v5, $0.0e+00;
	v4 =	vadd.f32 v4, v8;
	v9 =	vld [tilespmem:s0+$0xC0]  }
0x206: {  	[tilespmem:s2+$0x80] =	vst v5;
	v10 =	vld [tilespmem:s2+$0xC0]  }
.Ltmp2:
0x207: {  	v4 =	vmax.f32 v4, $0.0e+00;
	v5 =	vadd.f32 v2, v7;
	v2 =	vld [tilespmem:s0+$0xD0];
	(pc) =	sbr.rel @p6 .LBB2_7-.Ltmp2, $4  }
0x208: {  	[tilespmem:s2+$0x90] =	vst v4;
	v4 =	vld [tilespmem:s2+$0xD0]  }
0x209: {  	v5 =	vmax.f32 v5, $0.0e+00;
	v7 =	vadd.f32 v3, v6;
	v3 =	vld [tilespmem:s0+$0xE0]  }
0x20a: {  	[tilespmem:s2+$0xA0] =	vst v5;
	v6 =	vld [tilespmem:s2+$0xE0]  }
0x20b: {  	v5 =	vld [tilespmem:s0+$0xFFFFFF00];
	v8 =	vmax.f32 v7, $0.0e+00;
	v7 =	vadd.f32 v10, v9;
	s0 =	sadd.s32 $0x200, s0  }
0x20c: {  	_ =	sdelay $0x1  }
0x20d: {  	v2 =	vadd.f32 v4, v2  }
0x20e: {  	[tilespmem:s30+$0xB0] =	vst v8;
	v62 =	vmax.f32 v7, $0.0e+00;
	v3 =	vadd.f32 v6, v3  }
0x20f: {  	[tilespmem:s30+$0xC0] =	vst v62;
	v2 =	vmax.f32 v2, $0.0e+00;
	v1 =	vadd.f32 v1, v5  }
0x210: {  	[tilespmem:s30+$0xD0] =	vst v2;
	v2 =	vmax.f32 v3, $0.0e+00  }
0x211: {  	v1 =	vmax.f32 v1, $0.0e+00;
	[tilespmem:s30+$0xE0] =	vst v2  }
0x212: {  	[tilespmem:s30+$0xFFFFFF00] =	vst v1  }
0x213: {  	_ =	swait.ge [sflag:s21], $0x50  }
0x214: {  	s28 =	sadd.s32 $0x1, s28;
	[sflag:s21] =	ssyncset.done $0x0  }
0x215: {  	p6 =	sne.s32 s28, $0x3E;
	[sflag:s21] =	ssyncadd.s32 $0xFFFFFFB0  }
0x216: {  	[spmem:s23] =	stream.indirect.scatter.add.f32 [tilespmem:s12], [sflag:$0x7], $0x80, s11, s9, $0xb8;
	v63 =	vld [tilespmem:$0x0]  }
.Ltmp3:
0x217: {  	_ = 	snop;
	(pc) =	sbr.rel @p6 .LBB2_4-.Ltmp3, $4  }
0x218: {  	s0 =	sadd.s32 s20, s29;
	_ =	swait.ge [sflag:s7], $0x2800  }
0x219: {  	s0 =	sshrl.u32 s0, $0x3;
	[sflag:s7] =	ssyncset.done $0x0  }
0x21a: {  	s0 =	sadd.s32 s17, s0;
	[sflag:s7] =	ssyncadd.s32 $0xFFFFD800  }
0x21b: {  	[tilespmem:s11], [sflag:$0x5] =	stream.linear.gather [hbm4b:s0+s1], $0x50, $0x38;
	v63 =	vld [tilespmem:$0x0]  }
0x21c: {  	_ =	swait.ge [sflag:s14], $0x2800  }
0x21d: {  	[sflag:s14] =	ssyncset.done $0x0  }
0x21e: {  	[sflag:s14] =	ssyncadd.s32 $0xFFFFD800  }
0x21f: {  	_ =	swait.ge [sflag:s15], $0x2800  }
0x220: {  	[sflag:s15] =	ssyncset.done $0x0  }
0x221: {  	s0 =	simm.s32 $0x160E0;
	[sflag:s15] =	ssyncadd.s32 $0xFFFFD800  }
0x222: {  	s28 =	simm.s32 $0x1B0E0;
	v2 =	vld [tilespmem:s0+$0xF0]  }
0x223: {  	v3 =	vld [tilespmem:s28+$0xF0]  }
0x224: {  	v4 =	vld [tilespmem:s0+$0xFFFFFF10]  }
0x225: {  	v5 =	vld [tilespmem:s28+$0xFFFFFF10]  }
0x226: {  	v6 =	vld [tilespmem:s0+$0xFFFFFF20]  }
0x227: {  	v7 =	vld [tilespmem:s28+$0xFFFFFF20]  }
0x228: {  	v1 =	vld [tilespmem:s28+$0xFFFFFF00]  }
0x229: {  	v8 =	vld [tilespmem:s0+$0xFFFFFF30]  }
0x22a: {  	v9 =	vld [tilespmem:s28+$0xFFFFFF30]  }
0x22b: {  	v10 =	vld [tilespmem:s28+$0xFFFFFF40]  }
0x22c: {  	v11 =	vld [tilespmem:s0+$0xFFFFFF60]  }
0x22d: {  	v12 =	vld [tilespmem:s0+$0xFFFFFF70]  }
0x22e: {  	v13 =	vld [tilespmem:s0+$0xFFFFFF80]  }
0x22f: {  	v14 =	vld [tilespmem:s28+$0xFFFFFF80]  }
0x230: {  	v15 =	vld [tilespmem:s28+$0xFFFFFF90]  }
0x231: {  	v16 =	vld [tilespmem:s0+$0xFFFFFFA0]  }
0x232: {  	v17 =	vld [tilespmem:s28+$0xFFFFFF70]  }
0x233: {  	v45 =	vld [tilespmem:s0+$0xFFFFFFB0]  }
0x234: {  	v18 =	vld [tilespmem:s28+$0xFFFFFFB0]  }
0x235: {  	v46 =	vld [tilespmem:s0+$0xFFFFFFC0]  }
0x236: {  	v47 =	vld [tilespmem:s28+$0xFFFFFFC0]  }
0x237: {  	v48 =	vld [tilespmem:s0+$0xFFFFFFD0]  }
0x238: {  	v19 =	vld [tilespmem:s0+$0xFFFFFFE0]  }
0x239: {  	v20 =	vld [tilespmem:s0+$0xFFFFFFF0]  }
0x23a: {  	v21 =	vld [tilespmem:s0+$0x0]  }
0x23b: {  	v22 =	vld [tilespmem:s28+$0x0]  }
0x23c: {  	v49 =	vld [tilespmem:s0+$0x10]  }
0x23d: {  	v23 =	vld [tilespmem:s28+$0x10]  }
0x23e: {  	v24 =	vld [tilespmem:s0+$0x20]  }
0x23f: {  	v50 =	vld [tilespmem:s28+$0x20]  }
0x240: {  	v25 =	vld [tilespmem:s28+$0xFFFFFFF0]  }
0x241: {  	v51 =	vld [tilespmem:s0+$0x30]  }
0x242: {  	v52 =	vld [tilespmem:s28+$0x30]  }
0x243: {  	v53 =	vld [tilespmem:s0+$0x40]  }
0x244: {  	v54 =	vld [tilespmem:s28+$0x40];
	v4 =	vadd.f32 v5, v4  }
0x245: {  	v55 =	vld [tilespmem:s0+$0x50];
	v6 =	vadd.f32 v7, v6  }
0x246: {  	v5 =	vld [tilespmem:s0+$0xFFFFFF40];
	v8 =	vadd.f32 v9, v8;
	v4 =	vmax.f32 v4, $0.0e+00  }
0x247: {  	v9 =	vld [tilespmem:s0+$0xFFFFFF90];
	v13 =	vadd.f32 v14, v13;
	v6 =	vmax.f32 v6, $0.0e+00;
	[tilespmem:s28+$0xFFFFFF10] =	vst v4  }
0x248: {  	v7 =	vld [tilespmem:s0+$0xFFFFFF50];
	v14 =	vadd.f32 v18, v45;
	v8 =	vmax.f32 v8, $0.0e+00;
	[tilespmem:s28+$0xFFFFFF20] =	vst v6  }
0x249: {  	v21 =	vadd.f32 v22, v21;
	v13 =	vmax.f32 v13, $0.0e+00;
	[tilespmem:s28+$0xFFFFFF30] =	vst v8;
	v8 =	vld [tilespmem:s28+$0xFFFFFFA0]  }
0x24a: {  	v18 =	vadd.f32 v23, v49;
	v14 =	vmax.f32 v14, $0.0e+00;
	v4 =	vld [tilespmem:s28+$0xFFFFFF50];
	[tilespmem:s28+$0xFFFFFF80] =	vst v13  }
0x24b: {  	v2 =	vadd.f32 v3, v2;
	v21 =	vmax.f32 v21, $0.0e+00;
	v6 =	vld [tilespmem:s28+$0xFFFFFF60];
	[tilespmem:s28+$0xFFFFFFB0] =	vst v14  }
0x24c: {  	v56 =	vld [tilespmem:s28+$0x80];
	v18 =	vmax.f32 v18, $0.0e+00;
	[tilespmem:s28+$0x0] =	vst v21;
	v9 =	vadd.f32 v15, v9  }
0x24d: {  	v57 =	vld [tilespmem:s0+$0x90];
	v2 =	vmax.f32 v2, $0.0e+00;
	[tilespmem:s28+$0x10] =	vst v18;
	v5 =	vadd.f32 v10, v5  }
0x24e: {  	v60 =	vld [tilespmem:s0+$0xB0];
	[tilespmem:s28+$0xF0] =	vst v2;
	v9 =	vmax.f32 v9, $0.0e+00;
	v8 =	vadd.f32 v8, v16  }
0x24f: {  	v3 =	vld [tilespmem:s28+$0x50];
	v2 =	vmax.f32 v5, $0.0e+00;
	[tilespmem:s28+$0xFFFFFF90] =	vst v9;
	v4 =	vadd.f32 v4, v7  }
0x250: {  	v9 =	vld [tilespmem:s28+$0xFFFFFFD0];
	v5 =	vadd.f32 v6, v11;
	[tilespmem:s28+$0xFFFFFF40] =	vst v2;
	v8 =	vmax.f32 v8, $0.0e+00  }
0x251: {  	v2 =	vmax.f32 v4, $0.0e+00;
	v4 =	vadd.f32 v17, v12;
	[tilespmem:s28+$0xFFFFFFA0] =	vst v8;
	v8 =	vld [tilespmem:s28+$0xFFFFFFE0]  }
0x252: {  	v10 =	vld [tilespmem:s0+$0x60];
	[tilespmem:s28+$0xFFFFFF50] =	vst v2;
	v2 =	vmax.f32 v5, $0.0e+00;
	v5 =	vadd.f32 v47, v46  }
0x253: {  	v7 =	vld [tilespmem:s28+$0x60];
	[tilespmem:s28+$0xFFFFFF60] =	vst v2;
	v2 =	vmax.f32 v4, $0.0e+00;
	v4 =	vadd.f32 v52, v51  }
0x254: {  	v14 =	vadd.f32 v50, v24;
	v11 =	vld [tilespmem:s0+$0x80];
	[tilespmem:s28+$0xFFFFFF70] =	vst v2;
	v2 =	vmax.f32 v5, $0.0e+00  }
0x255: {  	v5 =	vadd.f32 v9, v48;
	v9 =	vld [tilespmem:s28+$0x90];
	[tilespmem:s28+$0xFFFFFFC0] =	vst v2;
	v4 =	vmax.f32 v4, $0.0e+00  }
0x256: {  	v14 =	vmax.f32 v14, $0.0e+00;
	[tilespmem:s28+$0x30] =	vst v4;
	v4 =	vld [tilespmem:s28+$0xA0];
	v2 =	vadd.f32 v8, v19  }
0x257: {  	v58 =	vadd.f32 v25, v20;
	[tilespmem:s28+$0x20] =	vst v14;
	v5 =	vmax.f32 v5, $0.0e+00;
	v8 =	vld [tilespmem:s0+$0xA0]  }
0x258: {  	v3 =	vadd.f32 v3, v55;
	v6 =	vld [tilespmem:s0+$0x70];
	[tilespmem:s28+$0xFFFFFFD0] =	vst v5;
	v2 =	vmax.f32 v2, $0.0e+00  }
0x259: {  	v5 =	vadd.f32 v56, v11;
	v11 =	vld [tilespmem:s28+$0x70];
	[tilespmem:s28+$0xFFFFFFE0] =	vst v2;
	v2 =	vmax.f32 v58, $0.0e+00  }
0x25a: {  	v59 =	vadd.f32 v54, v53;
	v3 =	vmax.f32 v3, $0.0e+00;
	[tilespmem:s28+$0xFFFFFFF0] =	vst v2;
	v2 =	vadd.f32 v9, v57;
	v9 =	vld [tilespmem:s28+$0xB0]  }
0x25b: {  	v61 =	vld [tilespmem:s0+$0xC0];
	[tilespmem:s28+$0x50] =	vst v3;
	v5 =	vmax.f32 v5, $0.0e+00  }
0x25c: {  	v62 =	vld [tilespmem:s28+$0xC0];
	v12 =	vmax.f32 v59, $0.0e+00;
	[tilespmem:s28+$0x80] =	vst v5;
	v5 =	vadd.f32 v4, v8  }
0x25d: {  	[tilespmem:s28+$0x40] =	vst v12;
	v7 =	vadd.f32 v7, v10;
	v4 =	vld [tilespmem:s28+$0xD0];
	v2 =	vmax.f32 v2, $0.0e+00  }
0x25e: {  	v6 =	vadd.f32 v11, v6;
	[tilespmem:s28+$0x90] =	vst v2;
	v2 =	vld [tilespmem:s0+$0xD0];
	v3 =	vmax.f32 v5, $0.0e+00  }
0x25f: {  	v5 =	vmax.f32 v7, $0.0e+00;
	[tilespmem:s28+$0xA0] =	vst v3;
	v3 =	vld [tilespmem:s0+$0xE0];
	v8 =	vadd.f32 v9, v60  }
0x260: {  	[tilespmem:s28+$0x60] =	vst v5;
	v5 =	vmax.f32 v6, $0.0e+00;
	v6 =	vld [tilespmem:s28+$0xE0]  }
0x261: {  	s18 =	simm.s32 $0x0;
	s2 =	simm.s32 $0x1B0E0;
	v7 =	vadd.f32 v62, v61;
	[tilespmem:s28+$0x70] =	vst v5;
	v5 =	vld [tilespmem:s0+$0xFFFFFF00];
	s0 =	simm.s32 $0x162E0;
	v8 =	vmax.f32 v8, $0.0e+00  }
.LBB2_10:
0x262: {  	v9 =	vld [tilespmem:s0+$0xF0];
	[tilespmem:s28+$0xB0] =	vst v8;
	s2 =	sadd.s32 $0x200, s2  }
0x263: {  	s18 =	sadd.s32 $0x4, s18;
	v8 =	vld [tilespmem:s2+$0xF0];
	v7 =	vmax.f32 v7, $0.0e+00;
	v2 =	vadd.f32 v4, v2  }
0x264: {  	p6 =	slt.u32 s18, $0x4C;
	v4 =	vld [tilespmem:s2+$0xFFFFFF00];
	[tilespmem:s28+$0xC0] =	vst v7  }
0x265: {  	v7 =	vld [tilespmem:s0+$0xFFFFFF10];
	v2 =	vmax.f32 v2, $0.0e+00;
	v3 =	vadd.f32 v6, v3  }
0x266: {  	v6 =	vld [tilespmem:s2+$0xFFFFFF10];
	v10 =	vadd.f32 v1, v5;
	[tilespmem:s28+$0xD0] =	vst v2  }
0x267: {  	v2 =	vld [tilespmem:s0+$0xFFFFFF20];
	v3 =	vmax.f32 v3, $0.0e+00  }
0x268: {  	v5 =	vld [tilespmem:s2+$0xFFFFFF20];
	v8 =	vadd.f32 v8, v9;
	v9 =	vmax.f32 v10, $0.0e+00;
	[tilespmem:s28+$0xE0] =	vst v3  }
0x269: {  	v3 =	vld [tilespmem:s0+$0xFFFFFF30];
	[tilespmem:s28+$0xFFFFFF00] =	vst v9;
	v1 =	vmov v4;
	s28 =	smov.u32 s2  }
0x26a: {  	v4 =	vld [tilespmem:s2+$0xFFFFFF30];
	v8 =	vmax.f32 v8, $0.0e+00  }
0x26b: {  	v6 =	vadd.f32 v6, v7;
	v7 =	vld [tilespmem:s0+$0xFFFFFF40];
	[tilespmem:s2+$0xF0] =	vst v8  }
0x26c: {  	v8 =	vld [tilespmem:s2+$0xFFFFFF40]  }
0x26d: {  	v6 =	vmax.f32 v6, $0.0e+00;
	v2 =	vadd.f32 v5, v2;
	v5 =	vld [tilespmem:s0+$0xFFFFFF50]  }
0x26e: {  	[tilespmem:s2+$0xFFFFFF10] =	vst v6;
	v6 =	vld [tilespmem:s2+$0xFFFFFF50]  }
0x26f: {  	v2 =	vmax.f32 v2, $0.0e+00;
	v3 =	vadd.f32 v4, v3;
	v4 =	vld [tilespmem:s0+$0xFFFFFF60]  }
0x270: {  	[tilespmem:s2+$0xFFFFFF20] =	vst v2;
	v2 =	vld [tilespmem:s2+$0xFFFFFF60]  }
0x271: {  	v3 =	vmax.f32 v3, $0.0e+00;
	v7 =	vadd.f32 v8, v7;
	v8 =	vld [tilespmem:s0+$0xFFFFFF70]  }
0x272: {  	[tilespmem:s2+$0xFFFFFF30] =	vst v3;
	v3 =	vld [tilespmem:s2+$0xFFFFFF70]  }
0x273: {  	v7 =	vmax.f32 v7, $0.0e+00;
	v5 =	vadd.f32 v6, v5;
	v6 =	vld [tilespmem:s0+$0xFFFFFF80]  }
0x274: {  	[tilespmem:s2+$0xFFFFFF40] =	vst v7;
	v7 =	vld [tilespmem:s2+$0xFFFFFF80]  }
0x275: {  	v5 =	vmax.f32 v5, $0.0e+00;
	v2 =	vadd.f32 v2, v4;
	v4 =	vld [tilespmem:s0+$0xFFFFFF90]  }
0x276: {  	[tilespmem:s2+$0xFFFFFF50] =	vst v5;
	v5 =	vld [tilespmem:s2+$0xFFFFFF90]  }
0x277: {  	v2 =	vmax.f32 v2, $0.0e+00;
	v3 =	vadd.f32 v3, v8;
	v8 =	vld [tilespmem:s0+$0xFFFFFFA0]  }
0x278: {  	[tilespmem:s2+$0xFFFFFF60] =	vst v2;
	v2 =	vld [tilespmem:s2+$0xFFFFFFA0]  }
0x279: {  	v3 =	vmax.f32 v3, $0.0e+00;
	v6 =	vadd.f32 v7, v6;
	v7 =	vld [tilespmem:s0+$0xFFFFFFB0]  }
0x27a: {  	[tilespmem:s2+$0xFFFFFF70] =	vst v3;
	v3 =	vld [tilespmem:s2+$0xFFFFFFB0]  }
0x27b: {  	v6 =	vmax.f32 v6, $0.0e+00;
	v4 =	vadd.f32 v5, v4;
	v5 =	vld [tilespmem:s0+$0xFFFFFFC0]  }
0x27c: {  	[tilespmem:s2+$0xFFFFFF80] =	vst v6;
	v6 =	vld [tilespmem:s2+$0xFFFFFFC0]  }
0x27d: {  	v4 =	vmax.f32 v4, $0.0e+00;
	v2 =	vadd.f32 v2, v8;
	v8 =	vld [tilespmem:s0+$0xFFFFFFD0]  }
0x27e: {  	[tilespmem:s2+$0xFFFFFF90] =	vst v4;
	v4 =	vld [tilespmem:s2+$0xFFFFFFD0]  }
0x27f: {  	v2 =	vmax.f32 v2, $0.0e+00;
	v3 =	vadd.f32 v3, v7;
	v7 =	vld [tilespmem:s0+$0xFFFFFFE0]  }
0x280: {  	[tilespmem:s2+$0xFFFFFFA0] =	vst v2;
	v2 =	vld [tilespmem:s2+$0xFFFFFFE0]  }
0x281: {  	v3 =	vmax.f32 v3, $0.0e+00;
	v5 =	vadd.f32 v6, v5;
	v6 =	vld [tilespmem:s0+$0xFFFFFFF0]  }
0x282: {  	[tilespmem:s2+$0xFFFFFFB0] =	vst v3;
	v3 =	vld [tilespmem:s2+$0xFFFFFFF0]  }
0x283: {  	v5 =	vmax.f32 v5, $0.0e+00;
	v4 =	vadd.f32 v4, v8;
	v8 =	vld [tilespmem:s0+$0x0]  }
0x284: {  	[tilespmem:s2+$0xFFFFFFC0] =	vst v5;
	v5 =	vld [tilespmem:s2+$0x0]  }
0x285: {  	v4 =	vmax.f32 v4, $0.0e+00;
	v2 =	vadd.f32 v2, v7;
	v7 =	vld [tilespmem:s0+$0x10]  }
0x286: {  	[tilespmem:s2+$0xFFFFFFD0] =	vst v4;
	v4 =	vld [tilespmem:s2+$0x10]  }
0x287: {  	v2 =	vmax.f32 v2, $0.0e+00;
	v3 =	vadd.f32 v3, v6;
	v6 =	vld [tilespmem:s0+$0x20]  }
0x288: {  	[tilespmem:s2+$0xFFFFFFE0] =	vst v2;
	v2 =	vld [tilespmem:s2+$0x20]  }
0x289: {  	v3 =	vmax.f32 v3, $0.0e+00;
	v5 =	vadd.f32 v5, v8;
	v8 =	vld [tilespmem:s0+$0x30]  }
0x28a: {  	[tilespmem:s2+$0xFFFFFFF0] =	vst v3;
	v3 =	vld [tilespmem:s2+$0x30]  }
0x28b: {  	v5 =	vmax.f32 v5, $0.0e+00;
	v4 =	vadd.f32 v4, v7;
	v7 =	vld [tilespmem:s0+$0x40]  }
0x28c: {  	[tilespmem:s2+$0x0] =	vst v5;
	v5 =	vld [tilespmem:s2+$0x40]  }
0x28d: {  	v4 =	vmax.f32 v4, $0.0e+00;
	v2 =	vadd.f32 v2, v6;
	v6 =	vld [tilespmem:s0+$0x50]  }
0x28e: {  	[tilespmem:s2+$0x10] =	vst v4;
	v4 =	vld [tilespmem:s2+$0x50]  }
0x28f: {  	v2 =	vmax.f32 v2, $0.0e+00;
	v3 =	vadd.f32 v3, v8;
	v8 =	vld [tilespmem:s0+$0x60]  }
0x290: {  	[tilespmem:s2+$0x20] =	vst v2;
	v2 =	vld [tilespmem:s2+$0x60]  }
0x291: {  	v3 =	vmax.f32 v3, $0.0e+00;
	v5 =	vadd.f32 v5, v7;
	v7 =	vld [tilespmem:s0+$0x70]  }
0x292: {  	[tilespmem:s2+$0x30] =	vst v3;
	v3 =	vld [tilespmem:s2+$0x70]  }
0x293: {  	v5 =	vmax.f32 v5, $0.0e+00;
	v4 =	vadd.f32 v4, v6;
	v6 =	vld [tilespmem:s0+$0x80]  }
0x294: {  	[tilespmem:s2+$0x40] =	vst v5;
	v5 =	vld [tilespmem:s2+$0x80]  }
0x295: {  	v4 =	vmax.f32 v4, $0.0e+00;
	v2 =	vadd.f32 v2, v8;
	v8 =	vld [tilespmem:s0+$0x90]  }
0x296: {  	[tilespmem:s2+$0x50] =	vst v4;
	v4 =	vld [tilespmem:s2+$0x90]  }
0x297: {  	v2 =	vmax.f32 v2, $0.0e+00;
	v3 =	vadd.f32 v3, v7;
	v7 =	vld [tilespmem:s0+$0xA0]  }
0x298: {  	[tilespmem:s2+$0x60] =	vst v2;
	v2 =	vld [tilespmem:s2+$0xA0]  }
0x299: {  	v3 =	vmax.f32 v3, $0.0e+00;
	v5 =	vadd.f32 v5, v6;
	v6 =	vld [tilespmem:s0+$0xB0]  }
0x29a: {  	[tilespmem:s2+$0x70] =	vst v3;
	v3 =	vld [tilespmem:s2+$0xB0]  }
0x29b: {  	v5 =	vmax.f32 v5, $0.0e+00;
	v4 =	vadd.f32 v4, v8;
	v9 =	vld [tilespmem:s0+$0xC0]  }
0x29c: {  	[tilespmem:s2+$0x80] =	vst v5;
	v10 =	vld [tilespmem:s2+$0xC0]  }
.Ltmp4:
0x29d: {  	v4 =	vmax.f32 v4, $0.0e+00;
	v5 =	vadd.f32 v2, v7;
	v2 =	vld [tilespmem:s0+$0xD0];
	(pc) =	sbr.rel @p6 .LBB2_10-.Ltmp4, $4  }
0x29e: {  	[tilespmem:s2+$0x90] =	vst v4;
	v4 =	vld [tilespmem:s2+$0xD0]  }
0x29f: {  	v5 =	vmax.f32 v5, $0.0e+00;
	v7 =	vadd.f32 v3, v6;
	v3 =	vld [tilespmem:s0+$0xE0]  }
0x2a0: {  	[tilespmem:s2+$0xA0] =	vst v5;
	v6 =	vld [tilespmem:s2+$0xE0]  }
0x2a1: {  	v5 =	vld [tilespmem:s0+$0xFFFFFF00];
	v8 =	vmax.f32 v7, $0.0e+00;
	v7 =	vadd.f32 v10, v9;
	s0 =	sadd.s32 $0x200, s0  }
0x2a2: {  	_ =	sdelay $0x1  }
0x2a3: {  	v2 =	vadd.f32 v4, v2  }
0x2a4: {  	[tilespmem:s28+$0xB0] =	vst v8;
	v62 =	vmax.f32 v7, $0.0e+00;
	v3 =	vadd.f32 v6, v3  }
0x2a5: {  	[tilespmem:s28+$0xC0] =	vst v62;
	v2 =	vmax.f32 v2, $0.0e+00;
	v1 =	vadd.f32 v1, v5  }
0x2a6: {  	[tilespmem:s28+$0xD0] =	vst v2;
	v2 =	vmax.f32 v3, $0.0e+00  }
0x2a7: {  	v1 =	vmax.f32 v1, $0.0e+00;
	[tilespmem:s28+$0xE0] =	vst v2  }
0x2a8: {  	[tilespmem:s28+$0xFFFFFF00] =	vst v1  }
0x2a9: {  	_ =	swait.ge [sflag:s21], $0x50  }
0x2aa: {  	[sflag:s21] =	ssyncset.done $0x0  }
0x2ab: {  	[sflag:s21] =	ssyncadd.s32 $0xFFFFFFB0  }
0x2ac: {  	[spmem:s23] =	stream.indirect.scatter.add.f32 [tilespmem:s8], [sflag:$0x7], $0x80, s11, s9, $0xb8;
	v63 =	vld [tilespmem:$0x0]  }
0x2ad: {  	_ =	swait.ge [sflag:s7], $0x2800  }
0x2ae: {  	[sflag:s7] =	ssyncset.done $0x0  }
0x2af: {  	[sflag:s7] =	ssyncadd.s32 $0xFFFFD800  }
0x2b0: {  	[bflag:$0x0] =	sbarrier.arrive $0xFFFF  }
0x2b1: {  	s0 =	stileid.u32;
	s18 =	sld [smem:$0x7F1]  }
0x2b2: {  	s0 =	sshll.u32 s0, $0x6  }
0x2b3: {  	s0 =	sor.u32 $0x1C06, s0;
	s2 =	rddreg [dreg:$0x6]  }
0x2b4: {  	[hbm:s2], [sflag:s0] =	dma.local [spmem:s18], $0x280  }
0x2b5: {  	s18 =	sld [smem:$0x7F2];
	_ =	sdelay $0x1  }
0x2b6: {  	s2 =	rddreg [dreg:$0x7]  }
0x2b7: {  	[hbm:s2], [sflag:s0] =	dma.local [spmem:s18], $0x280  }
0x2b8: {  	s18 =	sld [smem:$0x7F3];
	_ =	sdelay $0x1  }
0x2b9: {  	s2 =	rddreg [dreg:$0x8]  }
0x2ba: {  	[hbm:s2], [sflag:s0] =	dma.local [spmem:s18], $0x280  }
0x2bb: {  	s18 =	sld [smem:$0x7F4];
	_ =	sdelay $0x1  }
0x2bc: {  	s2 =	rddreg [dreg:$0x9]  }
0x2bd: {  	[hbm:s2], [sflag:s0] =	dma.local [spmem:s18], $0x280  }
0x2be: {  	s18 =	sld [smem:$0x7F5];
	_ =	sdelay $0x1  }
0x2bf: {  	s2 =	rddreg [dreg:$0xa]  }
0x2c0: {  	[hbm:s2], [sflag:s0] =	dma.local [spmem:s18], $0x280  }
0x2c1: {  	s18 =	sld [smem:$0x7F6];
	_ =	sdelay $0x1  }
0x2c2: {  	s2 =	rddreg [dreg:$0xb]  }
0x2c3: {  	[hbm:s2], [sflag:s0] =	dma.local [spmem:s18], $0x280  }
0x2c4: {  	s18 =	sld [smem:$0x7F7];
	_ =	sdelay $0x1  }
0x2c5: {  	s2 =	rddreg [dreg:$0xc]  }
0x2c6: {  	[hbm:s2], [sflag:s0] =	dma.local [spmem:s18], $0x280  }
0x2c7: {  	s18 =	sld [smem:$0x7F8];
	_ =	sdelay $0x1  }
0x2c8: {  	s2 =	rddreg [dreg:$0xd]  }
0x2c9: {  	[hbm:s2], [sflag:s0] =	dma.local [spmem:s18], $0x280  }
0x2ca: {  	s18 =	sld [smem:$0x7F9];
	_ =	sdelay $0x1  }
0x2cb: {  	s2 =	rddreg [dreg:$0xe]  }
0x2cc: {  	[hbm:s2], [sflag:s0] =	dma.local [spmem:s18], $0x280  }
0x2cd: {  	s18 =	sld [smem:$0x7FA];
	_ =	sdelay $0x1  }
0x2ce: {  	s2 =	rddreg [dreg:$0xf]  }
0x2cf: {  	[hbm:s2], [sflag:s0] =	dma.local [spmem:s18], $0x280  }
0x2d0: {  	s18 =	sld [smem:$0x7FB];
	_ =	sdelay $0x1  }
0x2d1: {  	s2 =	rddreg [dreg:$0x10]  }
0x2d2: {  	[hbm:s2], [sflag:s0] =	dma.local @!p5 [spmem:s18], $0x280  }
0x2d3: {  	s18 =	sld [smem:$0x7FC];
	_ =	sdelay $0x1  }
0x2d4: {  	s2 =	rddreg [dreg:$0x11]  }
0x2d5: {  	[hbm:s2], [sflag:s0] =	dma.local @!p0 [spmem:s18], $0x280  }
0x2d6: {  	s18 =	sld [smem:$0x7FD];
	_ =	sdelay $0x1  }
0x2d7: {  	s2 =	rddreg [dreg:$0x12]  }
0x2d8: {  	[hbm:s2], [sflag:s0] =	dma.local @!p1 [spmem:s18], $0x280  }
0x2d9: {  	s2 =	rddreg [dreg:$0x13]  }
0x2da: {  	[hbm:s2], [sflag:s0] =	dma.local @!p2 [spmem:s3], $0x280  }
0x2db: {  	s2 =	rddreg [dreg:$0x14]  }
0x2dc: {  	[hbm:s2], [sflag:s0] =	dma.local @!p3 [spmem:s4], $0x280  }
0x2dd: {  	s2 =	rddreg [dreg:$0x15]  }
0x2de: {  	[hbm:s2], [sflag:s0] =	dma.local @!p4 [spmem:s5], $0x280  }
0x2df: {  	_ =	swait.ge [sflag:s6], $0x280  }
0x2e0: {  	[sflag:s6] =	ssyncset.done $0x0  }
0x2e1: {  	[sflag:s6] =	ssyncadd.s32 $0xFFFFFD80  }
0x2e2: {  	_ =	swait.ge [sflag:s6], $0x280  }
0x2e3: {  	[sflag:s6] =	ssyncset.done $0x0  }
0x2e4: {  	[sflag:s6] =	ssyncadd.s32 $0xFFFFFD80  }
0x2e5: {  	_ =	swait.ge [sflag:s6], $0x280  }
0x2e6: {  	[sflag:s6] =	ssyncset.done $0x0  }
0x2e7: {  	[sflag:s6] =	ssyncadd.s32 $0xFFFFFD80  }
0x2e8: {  	_ =	swait.ge [sflag:s6], $0x280  }
0x2e9: {  	[sflag:s6] =	ssyncset.done $0x0  }
0x2ea: {  	[sflag:s6] =	ssyncadd.s32 $0xFFFFFD80  }
0x2eb: {  	_ =	swait.ge [sflag:s6], $0x280  }
0x2ec: {  	[sflag:s6] =	ssyncset.done $0x0  }
0x2ed: {  	[sflag:s6] =	ssyncadd.s32 $0xFFFFFD80  }
0x2ee: {  	_ =	swait.ge [sflag:s6], $0x280  }
0x2ef: {  	[sflag:s6] =	ssyncset.done $0x0  }
0x2f0: {  	[sflag:s6] =	ssyncadd.s32 $0xFFFFFD80  }
0x2f1: {  	_ =	swait.ge [sflag:s6], $0x280  }
0x2f2: {  	[sflag:s6] =	ssyncset.done $0x0  }
0x2f3: {  	[sflag:s6] =	ssyncadd.s32 $0xFFFFFD80  }
0x2f4: {  	_ =	swait.ge [sflag:s6], $0x280  }
0x2f5: {  	[sflag:s6] =	ssyncset.done $0x0  }
0x2f6: {  	[sflag:s6] =	ssyncadd.s32 $0xFFFFFD80  }
0x2f7: {  	_ =	swait.ge [sflag:s6], $0x280  }
0x2f8: {  	[sflag:s6] =	ssyncset.done $0x0  }
0x2f9: {  	[sflag:s6] =	ssyncadd.s32 $0xFFFFFD80  }
0x2fa: {  	_ =	swait.ge [sflag:s6], $0x280  }
0x2fb: {  	[sflag:s6] =	ssyncset.done $0x0  }
0x2fc: {  	s0 =	simm.s32 @!p5 $0x6;
	[sflag:s6] =	ssyncadd.s32 $0xFFFFFD80  }
0x2fd: {  	_ =	swait.ge @!p5 [sflag:s0], $0x280  }
0x2fe: {  	[sflag:s0] =	ssyncset.done @!p5 $0x0  }
0x2ff: {  	[sflag:s0] =	ssyncadd.s32 @!p5 $0xFFFFFD80;
	s0 =	simm.s32 @!p0 $0x6  }
0x300: {  	_ =	swait.ge @!p0 [sflag:s0], $0x280  }
0x301: {  	[sflag:s0] =	ssyncset.done @!p0 $0x0  }
0x302: {  	[sflag:s0] =	ssyncadd.s32 @!p0 $0xFFFFFD80;
	s0 =	simm.s32 @!p1 $0x6  }
0x303: {  	_ =	swait.ge @!p1 [sflag:s0], $0x280  }
0x304: {  	[sflag:s0] =	ssyncset.done @!p1 $0x0  }
0x305: {  	[sflag:s0] =	ssyncadd.s32 @!p1 $0xFFFFFD80;
	s0 =	simm.s32 @!p2 $0x6  }
0x306: {  	_ =	swait.ge @!p2 [sflag:s0], $0x280  }
0x307: {  	[sflag:s0] =	ssyncset.done @!p2 $0x0  }
0x308: {  	[sflag:s0] =	ssyncadd.s32 @!p2 $0xFFFFFD80;
	s0 =	simm.s32 @!p3 $0x6  }
0x309: {  	_ =	swait.ge @!p3 [sflag:s0], $0x280  }
0x30a: {  	[sflag:s0] =	ssyncset.done @!p3 $0x0  }
0x30b: {  	[sflag:s0] =	ssyncadd.s32 @!p3 $0xFFFFFD80;
	s0 =	simm.s32 @!p4 $0x6  }
0x30c: {  	_ =	swait.ge @!p4 [sflag:s0], $0x280  }
0x30d: {  	s31 =	sld [smem:$0x7F0];
	_ =	sdelay $0x1  }
0x30e: {  	s26 =	sadd.s32 $0x1, s26  }
0x30f: {  	p6 =	sne.s32 s26, s31  }
.Ltmp5:
0x310: {  	_ = 	snop;
	(pc) =	sbr.rel @p6 .LBB2_1-.Ltmp5, $3  }
0x311: {  	_ =	sdelay $0x1  }
0x312: {  	[sflag:s0] =	ssyncset.done @!p4 $0x0  }
0x313: {  	[sflag:s0] =	ssyncadd.s32 @!p4 $0xFFFFFD80  }
0x314: {  	_ =	sfence.sel $0x180000  }
0x315: {  	[bflag:$0x0] =	sbarrier.arrive $0xFFFF  }
0x316: {  	_ =	strace $0x90000047  }
0x317: {  	s0 =	stileid.u32;
	[bflag:$0x2] =	sbarrier.arrive $0xFFFF  }
0x318: {  	p0 =	sne.s32 s0, $0x0;
	s0 =	rddreg [dreg:$0x5]  }
0x319: {  	s0 =	sadd.s32 @!p0 $0x100000, s0  }
0x31a: {  	[sflag:s0] =	ssyncadd.tile.s32 @!p0 $0x1;
	_ =	shalt  }
.Lfunc_end2:
_tile_overlayer_lowered:
.L_overlay_start_2:
0x31b: {  	(tag) =	ssettag $0x2  }
0x31c: {  	s0 =	rddreg [dreg:$0x0];
	s2 =	stileid.u32  }
0x31d: {  	s1 =	rddreg [dreg:$0x1];
	p0 =	sne.s32 s2, $0x0  }
0x31e: {  	s3 =	rddreg [dreg:$0x2];
	[bflag:$0x3] =	sbarrier.arrive $0xFFFF;
	s2 =	simm.s32 @!p0 $0x1C01  }
0x31f: {  	[timem:s3], [sflag:s2] =	dma.local @!p0 [hbm:s0], s1  }
0x320: {  	s0 =	simm.s32 @!p0 $0x1  }
0x321: {  	_ =	swait.ge @!p0 [sflag:s0], s1  }
0x322: {  	s1 =	ssub.s32 @!p0 $0x0, s1;
	[sflag:s0] =	ssyncset.done @!p0 $0x0  }
0x323: {  	[sflag:s0] =	ssyncadd.s32 @!p0 s1  }
0x324: {  	[bflag:$0x3] =	sbarrier.arrive $0xFFFF  }
0x325: {  	_ =	shalt  }

</sc_bundles>
